<compile_context>
chip_gen: v7x
topology: tpu7x:2x2x1
jax: 0.10.2.dev20260603
libtpu: 0.0.44.dev20260713+nightly
codegen_flags: <defaults>
</compile_context>

<pallas_src>
import dataclasses
import functools

import jax
import jax.numpy as jnp
from jax import lax
from jax.experimental import pallas as pl
from jax.experimental.pallas import tpu as pltpu
from jax.experimental.pallas import tpu_sc as plsc

C = 10000
N = 320000
D = 128
HALF = C // 2
PAD = 5120
RPT = PAD // 16
K = 80
NCH = N // K
SUB = 128
NSUB = K // SUB
CH_PER_TILE = (NCH + 15) // 16
HROW = 48


def _sc_stats(x, labels):
    mesh = plsc.VectorSubcoreMesh(core_axis_name="c", subcore_axis_name="s")
    out_type = (
        jax.ShapeDtypeStruct((2, PAD, D), jnp.float32),
        jax.ShapeDtypeStruct((2, PAD, D), jnp.float32),
        jax.ShapeDtypeStruct((2, HROW, 128), jnp.float32),
    )

    cp = pltpu.CompilerParams()
    if "needs_layout_passes" in pltpu.CompilerParams.__dataclass_fields__:
        cp = dataclasses.replace(cp, needs_layout_passes=False)

    @functools.partial(
        pl.kernel,
        mesh=mesh,
        out_type=out_type,
        compiler_params=cp,
        scratch_types=[
            pltpu.VMEM((K, D), jnp.float32),
            pltpu.VMEM((K, D), jnp.float32),
            pltpu.VMEM((K, D), jnp.float32),
            pltpu.VMEM((K, D), jnp.float32),
            pltpu.VMEM((K,), jnp.int32),
            pltpu.VMEM((K,), jnp.int32),
            pltpu.VMEM((1, K), jnp.int32),
            pltpu.VMEM((1, K), jnp.int32),
            pltpu.VMEM((HROW, 128), jnp.float32),
            pltpu.VMEM((HROW,), jnp.int32),
            pltpu.SMEM((4,), jnp.int32),
            pltpu.SemaphoreType.DMA,
            pltpu.SemaphoreType.DMA,
            pltpu.SemaphoreType.DMA,
            pltpu.SemaphoreType.DMA,
            pltpu.SemaphoreType.DMA,
            pltpu.SemaphoreType.DMA,
            pltpu.VMEM_SHARED((PAD, D), jnp.float32),
            pltpu.VMEM_SHARED((PAD, D), jnp.float32),
            pltpu.VMEM_SHARED((HROW, 128), jnp.float32),
        ],
    )
    def k(x_hbm, lbl_hbm, sum_hbm, sq_hbm, cnt_hbm,
          xb0, xb1, sq0, sq1, lb0, lb1, ix0, ix1, hist, iota, st,
          sem_l0, sem_l1, sem_s0, sem_s1, sem_x0, sem_x1,
          acc_s, acc_q, acc_c):
        core = lax.axis_index("c")
        sub = lax.axis_index("s")
        xb = (xb0, xb1)
        sq = (sq0, sq1)
        lb = (lb0, lb1)
        ix = (ix0, ix1)
        sem_l = (sem_l0, sem_l1)
        sem_s = (sem_s0, sem_s1)
        sem_x = (sem_x0, sem_x1)

        @pl.loop(0, K)
        def _(r):
            z = jnp.zeros((16,), jnp.float32)
            for j in range(D // 16):
                xb0[r, pl.ds(j * 16, 16)] = z

        @pl.loop(0, HROW)
        def _(r):
            z = jnp.zeros((16,), jnp.float32)
            for j in range(D // 16):
                hist[r, pl.ds(j * 16, 16)] = z

        @pl.loop(0, HROW, step=16)
        def _(r):
            iota[pl.ds(r, 16)] = r + lax.iota(jnp.int32, 16)

        st[0] = 0
        st[1] = 0

        r0 = sub * RPT
        for h in range(RPT // K):
            pltpu.sync_copy(xb0, acc_s.at[pl.ds(r0 + h * K, K)])
            pltpu.sync_copy(xb0, acc_q.at[pl.ds(r0 + h * K, K)])

        @pl.when(sub == 0)
        def _():
            pltpu.sync_copy(hist, acc_c)

        plsc.subcore_barrier()

        def _active(lbp):
            first = lbp[pl.ds(0, 16)][0]
            last = lbp[pl.ds(K - 16, 16)][15]
            act = jnp.where(core == 0, first < HALF, last >= HALF)
            return jnp.where(act, 1, 0)

        pltpu.async_copy(lbl_hbm.at[pl.ds(sub * K, K)], lb0, sem_l0)
        pltpu.async_copy(lbl_hbm.at[pl.ds((sub + 16) * K, K)], lb1, sem_l1)
        pltpu.make_async_copy(lbl_hbm.at[pl.ds(0, K)], lb0, sem_l0).wait()
        st[2] = _active(lb0)

        @pl.when(st[2] == 1)
        def _():
            pltpu.async_copy(x_hbm.at[pl.ds(sub * K, K)], xb0, sem_x0)

        @pl.loop(0, (CH_PER_TILE + 1) // 2)
        def _(jj):
            for p in range(2):
                kk = jj * 2 + p
                ci = sub + kk * 16
                ci_n = ci + 16
                xbp, sqp, lbp, ixp = xb[p], sq[p], lb[p], ix[p]

                @pl.when(ci_n < NCH)
                def _():
                    pltpu.make_async_copy(lbl_hbm.at[pl.ds(0, K)], lb[1 - p],
                                          sem_l[1 - p]).wait()
                    actn = _active(lb[1 - p])
                    st[3 - p] = actn

                    @pl.when(actn == 1)
                    def _():
                        @pl.when(st[1 - p] == 1)
                        def _():
                            pltpu.make_async_copy(x_hbm.at[pl.ds(0, K)],
                                                  xb[1 - p],
                                                  sem_s[1 - p]).wait()
                            pltpu.make_async_copy(x_hbm.at[pl.ds(0, K)],
                                                  sq[1 - p],
                                                  sem_s[1 - p]).wait()
                            st[1 - p] = 0

                        pltpu.async_copy(x_hbm.at[pl.ds(ci_n * K, K)],
                                         xb[1 - p], sem_x[1 - p])

                @pl.when((ci < NCH) & (st[2 + p] == 1))
                def _():
                    pltpu.make_async_copy(x_hbm.at[pl.ds(0, K)], xbp,
                                          sem_x[p]).wait()
                    for cc in range(0, K, 16):
                        v = lbp[pl.ds(cc, 16)]
                        w = jnp.where(core == 0,
                                      jnp.minimum(v, HALF),
                                      jnp.maximum(v - (HALF - 1), 0))
                        ixp[0, pl.ds(cc, 16)] = w
                        plsc.addupdate_scatter(
                            hist, [w >> 7, w & 127],
                            jnp.ones((16,), jnp.float32))

                    pltpu.async_copy(xbp, acc_s.at[ixp.at[0]], sem_s[p],
                                     add=True)

                    @plsc.parallel_loop(0, K, unroll=8)
                    def _(r):
                        for j in range(D // 16):
                            v = xbp[r, pl.ds(j * 16, 16)]
                            sqp[r, pl.ds(j * 16, 16)] = v * v

                    pltpu.async_copy(sqp, acc_q.at[ixp.at[0]], sem_s[p],
                                     add=True)
                    st[p] = 1

                @pl.when(ci + 32 < NCH)
                def _():
                    pltpu.async_copy(lbl_hbm.at[pl.ds((ci + 32) * K, K)],
                                     lbp, sem_l[p])

        for p in range(2):
            @pl.when(st[p] == 1)
            def _(p=p):
                pltpu.make_async_copy(x_hbm.at[pl.ds(0, K)], xb[p],
                                      sem_s[p]).wait()
                pltpu.make_async_copy(x_hbm.at[pl.ds(0, K)], sq[p],
                                      sem_s[p]).wait()

        plsc.subcore_barrier()
        pltpu.sync_copy(hist, acc_c.at[iota], add=True)
        plsc.subcore_barrier()

        for h in range(RPT // K):
            rr = r0 + h * K
            pltpu.sync_copy(acc_s.at[pl.ds(rr, K)], xb0)
            pltpu.sync_copy(xb0, sum_hbm.at[core, pl.ds(rr, K)])
            pltpu.sync_copy(acc_q.at[pl.ds(rr, K)], xb1)
            pltpu.sync_copy(xb1, sq_hbm.at[core, pl.ds(rr, K)])

        @pl.when(sub == 0)
        def _():
            pltpu.sync_copy(acc_c.at[pl.ds(0, HROW)], hist)
            pltpu.sync_copy(hist, cnt_hbm.at[core])

    return k(x, labels)


_RB = 2560


def _mm_body(x_ref, w_ref, b_ref, o_ref):
    o_ref[...] = jnp.dot(x_ref[...], w_ref[...],
                         preferred_element_type=jnp.float32) + b_ref[...]


def _matmul(x, w, b2):
    return pl.pallas_call(
        _mm_body,
        grid=(N // _RB,),
        in_specs=[pl.BlockSpec((_RB, D), lambda i: (i, 0)),
                  pl.BlockSpec((D, D), lambda i: (0, 0)),
                  pl.BlockSpec((1, D), lambda i: (0, 0))],
        out_specs=pl.BlockSpec((_RB, D), lambda i: (i, 0)),
        out_shape=jax.ShapeDtypeStruct((N, D), jnp.float32),
    )(x, w, b2)


_FB = 2000


def _fin_body(s_ref, q_ref, c1_ref, rm_ref, rv_ref, cc_ref,
              om_ref, ov_ref, oc_ref):
    cnt = c1_ref[...]
    safe_new = jnp.maximum(cnt, 1.0)
    mean_new = s_ref[...] / safe_new
    var_new = q_ref[...] / safe_new - mean_new * mean_new
    pos = cnt > 0
    mean_new = jnp.where(pos, mean_new, 0.0)
    var_new = jnp.where(pos, var_new, 0.0)
    n_a = cc_ref[...]
    rm = rm_ref[...]
    nn = n_a + cnt
    safe = jnp.maximum(nn, 1.0)
    mean = (n_a * rm + cnt * mean_new) / safe
    var = (n_a * (rv_ref[...] + (rm - mean) ** 2)
           + cnt * (var_new + (mean_new - mean) ** 2)) / safe
    ok = nn > 0
    om_ref[...] = jnp.where(ok, mean, 0.0)
    ov_ref[...] = jnp.where(ok, var, 0.0)
    oc_ref[...] = nn


def _finalize(sums, sqs, c1, running_mean, running_var, class_count):
    return pl.pallas_call(
        _fin_body,
        grid=(C // _FB,),
        in_specs=[pl.BlockSpec((_FB, D), lambda i: (i, 0)),
                  pl.BlockSpec((_FB, D), lambda i: (i, 0)),
                  pl.BlockSpec((_FB, 1), lambda i: (i, 0)),
                  pl.BlockSpec((_FB, D), lambda i: (i, 0)),
                  pl.BlockSpec((_FB, D), lambda i: (i, 0)),
                  pl.BlockSpec((_FB, 1), lambda i: (i, 0))],
        out_specs=[pl.BlockSpec((_FB, D), lambda i: (i, 0)),
                   pl.BlockSpec((_FB, D), lambda i: (i, 0)),
                   pl.BlockSpec((_FB, 1), lambda i: (i, 0))],
        out_shape=[jax.ShapeDtypeStruct((C, D), jnp.float32),
                   jax.ShapeDtypeStruct((C, D), jnp.float32),
                   jax.ShapeDtypeStruct((C, 1), jnp.float32)],
    )(sums, sqs, c1, running_mean, running_var, class_count)


def kernel(x, labels, W, b, running_mean, running_var, class_count):
    labels = labels.astype(jnp.int32)
    out = _matmul(x, W, b.reshape(1, D))
    sums2, sqs2, cnt2 = _sc_stats(x, labels)
    sums = jnp.concatenate([sums2[0, :HALF], sums2[1, 1:HALF + 1]], axis=0)
    sqs = jnp.concatenate([sqs2[0, :HALF], sqs2[1, 1:HALF + 1]], axis=0)
    cflat0 = cnt2[0].reshape(HROW * 128)[:HALF]
    cflat1 = cnt2[1].reshape(HROW * 128)[1:HALF + 1]
    c1 = jnp.concatenate([cflat0, cflat1], axis=0)[:, None]
    rm, rv, cc = _finalize(sums, sqs, c1, running_mean, running_var,
                           class_count)
    return out, rm, rv, cc

# --- scband reference (transcript-rebuilt; emitter-appended) ---
"""Pipeline reference for scband-cstats-net-50388556317402 (READ-ONLY COPY).

The authoritative reference and input builder live on the scoring server;
editing this copy changes nothing except your own understanding.
"""

import jax, jax.numpy as jnp
import numpy as np

NUM_CLASSES = 10000
N = 320000
D = 128


def setup_inputs(seed: int = 0) -> dict:
    key = jax.random.key(seed)
    k1, k2, k3 = jax.random.split(key, 3)
    x = jax.random.normal(k1, (N, D), dtype=jnp.float32)
    labels = jnp.sort(jax.random.randint(k2, (N,), 0, NUM_CLASSES))
    # net = nn.Linear(128, 128) parameters
    W = jax.random.normal(k3, (D, D), dtype=jnp.float32) * 0.02
    b = jnp.zeros((D,), dtype=jnp.float32)
    # StatsHook buffers (initialized to zeros, as in init_parameters)
    running_mean = jnp.zeros((NUM_CLASSES, D), dtype=jnp.float32)
    running_var = jnp.zeros((NUM_CLASSES, D), dtype=jnp.float32)
    class_count = jnp.zeros((NUM_CLASSES, 1), dtype=jnp.float32)
    return {"x": x, "labels": labels, "W": W, "b": b,
            "running_mean": running_mean, "running_var": running_var,
            "class_count": class_count}


def c_mean_var(x, labels, num_classes):
    # utility.c_mean_var: class-conditional mean/var via segment reduction
    ones = jnp.ones((x.shape[0],), dtype=x.dtype)
    counts = jax.ops.segment_sum(ones, labels, num_segments=num_classes)
    sums = jax.ops.segment_sum(x, labels, num_segments=num_classes)
    sqsums = jax.ops.segment_sum(x * x, labels, num_segments=num_classes)
    cnt = counts[:, None]
    safe = jnp.maximum(cnt, 1.0)
    mean = sums / safe
    var = sqsums / safe - mean * mean
    mean = jnp.where(cnt > 0, mean, 0.0)
    var = jnp.where(cnt > 0, var, 0.0)
    return mean, var, cnt


def combine_mean_var(mean_a, var_a, n_a, mean_b, var_b, n_b):
    # utility.combine_mean_var: parallel-algorithm merge of running stats
    n = n_a + n_b
    safe = jnp.maximum(n, 1.0)
    mean = (n_a * mean_a + n_b * mean_b) / safe
    var = (n_a * (var_a + (mean_a - mean) ** 2)
           + n_b * (var_b + (mean_b - mean) ** 2)) / safe
    mean = jnp.where(n > 0, mean, 0.0)
    var = jnp.where(n > 0, var, 0.0)
    return mean, var, n


def reference(x, labels, W, b, running_mean, running_var, class_count):
    # CStatsNet.forward with data = {'inputs': x, 'labels': labels}:
    # net forward (the hooked module, nn.Linear)
    out = x @ W + b
    # StatsHook.hook_fn in tracking_stats mode (on detached input)
    x_det = jax.lax.stop_gradient(x)
    new_mean, new_var, m = c_mean_var(x_det, labels, NUM_CLASSES)
    rm, rv, cc = combine_mean_var(running_mean, running_var, class_count,
                                  new_mean, new_var, m)
    return out, rm, rv, cc

if __name__ == "__main__":
    import jax
    _d = setup_inputs()
    print(jax.jit(kernel)(*tuple(_d.values())))

</pallas_src>

<mosaic_0001>
#map = affine_map<(d0, d1) -> (0, 0)>
#map1 = affine_map<(d0, d1) -> (0)>
#map2 = affine_map<(d0, d1) -> (0, 0, 0)>
module attributes {stable_mosaic.version = 14 : i64} {
  func.func @k(%arg0: i32, %arg1: i32, %arg2: memref<320000x128xf32, #tpu.memory_space<hbm>>, %arg3: memref<320000xi32, #tpu.memory_space<hbm>>, %arg4: memref<2x5120x128xf32, #tpu.memory_space<hbm>>, %arg5: memref<2x5120x128xf32, #tpu.memory_space<hbm>>, %arg6: memref<2x48x128xf32, #tpu.memory_space<hbm>>, %arg7: memref<80x128xf32, #tpu.memory_space<vmem>>, %arg8: memref<80x128xf32, #tpu.memory_space<vmem>>, %arg9: memref<80x128xf32, #tpu.memory_space<vmem>>, %arg10: memref<80x128xf32, #tpu.memory_space<vmem>>, %arg11: memref<80xi32, #tpu.memory_space<vmem>>, %arg12: memref<80xi32, #tpu.memory_space<vmem>>, %arg13: memref<1x80xi32, #tpu.memory_space<vmem>>, %arg14: memref<1x80xi32, #tpu.memory_space<vmem>>, %arg15: memref<48x128xf32, #tpu.memory_space<vmem>>, %arg16: memref<48xi32, #tpu.memory_space<vmem>>, %arg17: memref<4xi32, #tpu.memory_space<smem>>, %arg18: memref<!tpu.dma_semaphore, #tpu.memory_space<semaphore_mem>>, %arg19: memref<!tpu.dma_semaphore, #tpu.memory_space<semaphore_mem>>, %arg20: memref<!tpu.dma_semaphore, #tpu.memory_space<semaphore_mem>>, %arg21: memref<!tpu.dma_semaphore, #tpu.memory_space<semaphore_mem>>, %arg22: memref<!tpu.dma_semaphore, #tpu.memory_space<semaphore_mem>>, %arg23: memref<!tpu.dma_semaphore, #tpu.memory_space<semaphore_mem>>, %arg24: memref<5120x128xf32, #tpu.memory_space<vmem_shared>>, %arg25: memref<5120x128xf32, #tpu.memory_space<vmem_shared>>, %arg26: memref<48x128xf32, #tpu.memory_space<vmem_shared>>) attributes {dimension_semantics = [#tpu.dimension_semantics<core_parallel>, #tpu.dimension_semantics<subcore_parallel>], iteration_bounds = array<i64: 2, 16>, scalar_prefetch = 0 : i64, scratch_operands = 20 : i64, tpu.core_type = #tpu.core_type<sc_vector_subcore>, window_params = [{transform_indices = #map}, {transform_indices = #map1}, {transform_indices = #map2}, {transform_indices = #map2}, {transform_indices = #map2}]} {
    %scan3A = arith.constant 0 : i32
    %scan3A_0 = arith.constant 80 : i32
    %scan3A_1 = arith.addi %scan3A, %scan3A_0 : i32
    %scan3A_2 = arith.constant 1 : i32
    scf.for %scan3A_109 = %scan3A to %scan3A_1 step %scan3A_2  : i32 {
      %mul3A_110 = arith.constant 1 : i32
      %mul3A_111 = arith.muli %scan3A_109, %mul3A_110 : i32
      %add3A_112 = arith.constant 0 : i32
      %add3A_113 = arith.addi %add3A_112, %mul3A_111 : i32
      %broadcast_in_dim3A = arith.constant 0.000000e+00 : f32
      %broadcast_in_dim3A_114 = vector.broadcast %broadcast_in_dim3A : f32 to vector<16xf32>
      %swap3A_115 = arith.index_cast %add3A_113 : i32 to index
      %swap3A_116 = arith.constant 0 : index
      %swap3A_117 = tpu.vector_load %arg7[%swap3A_115, %swap3A_116] {strides = array<i32>} : memref<80x128xf32, #tpu.memory_space<vmem>>, vector<16xf32>,
      tpu.vector_store %arg7[%swap3A_115, %swap3A_116], %broadcast_in_dim3A_114 {strides = array<i32>} : memref<80x128xf32, #tpu.memory_space<vmem>>, vector<16xf32>,
      %swap3A_118 = arith.index_cast %add3A_113 : i32 to index
      %swap3A_119 = arith.constant 16 : index
      %swap3A_120 = tpu.vector_load %arg7[%swap3A_118, %swap3A_119] {strides = array<i32>} : memref<80x128xf32, #tpu.memory_space<vmem>>, vector<16xf32>,
      tpu.vector_store %arg7[%swap3A_118, %swap3A_119], %broadcast_in_dim3A_114 {strides = array<i32>} : memref<80x128xf32, #tpu.memory_space<vmem>>, vector<16xf32>,
      %swap3A_121 = arith.index_cast %add3A_113 : i32 to index
      %swap3A_122 = arith.constant 32 : index
      %swap3A_123 = tpu.vector_load %arg7[%swap3A_121, %swap3A_122] {strides = array<i32>} : memref<80x128xf32, #tpu.memory_space<vmem>>, vector<16xf32>,
      tpu.vector_store %arg7[%swap3A_121, %swap3A_122], %broadcast_in_dim3A_114 {strides = array<i32>} : memref<80x128xf32, #tpu.memory_space<vmem>>, vector<16xf32>,
      %swap3A_124 = arith.index_cast %add3A_113 : i32 to index
      %swap3A_125 = arith.constant 48 : index
      %swap3A_126 = tpu.vector_load %arg7[%swap3A_124, %swap3A_125] {strides = array<i32>} : memref<80x128xf32, #tpu.memory_space<vmem>>, vector<16xf32>,
      tpu.vector_store %arg7[%swap3A_124, %swap3A_125], %broadcast_in_dim3A_114 {strides = array<i32>} : memref<80x128xf32, #tpu.memory_space<vmem>>, vector<16xf32>,
      %swap3A_127 = arith.index_cast %add3A_113 : i32 to index
      %swap3A_128 = arith.constant 64 : index
      %swap3A_129 = tpu.vector_load %arg7[%swap3A_127, %swap3A_128] {strides = array<i32>} : memref<80x128xf32, #tpu.memory_space<vmem>>, vector<16xf32>,
      tpu.vector_store %arg7[%swap3A_127, %swap3A_128], %broadcast_in_dim3A_114 {strides = array<i32>} : memref<80x128xf32, #tpu.memory_space<vmem>>, vector<16xf32>,
      %swap3A_130 = arith.index_cast %add3A_113 : i32 to index
      %swap3A_131 = arith.constant 80 : index
      %swap3A_132 = tpu.vector_load %arg7[%swap3A_130, %swap3A_131] {strides = array<i32>} : memref<80x128xf32, #tpu.memory_space<vmem>>, vector<16xf32>,
      tpu.vector_store %arg7[%swap3A_130, %swap3A_131], %broadcast_in_dim3A_114 {strides = array<i32>} : memref<80x128xf32, #tpu.memory_space<vmem>>, vector<16xf32>,
      %swap3A_133 = arith.index_cast %add3A_113 : i32 to index
      %swap3A_134 = arith.constant 96 : index
      %swap3A_135 = tpu.vector_load %arg7[%swap3A_133, %swap3A_134] {strides = array<i32>} : memref<80x128xf32, #tpu.memory_space<vmem>>, vector<16xf32>,
      tpu.vector_store %arg7[%swap3A_133, %swap3A_134], %broadcast_in_dim3A_114 {strides = array<i32>} : memref<80x128xf32, #tpu.memory_space<vmem>>, vector<16xf32>,
      %swap3A_136 = arith.index_cast %add3A_113 : i32 to index
      %swap3A_137 = arith.constant 112 : index
      %swap3A_138 = tpu.vector_load %arg7[%swap3A_136, %swap3A_137] {strides = array<i32>} : memref<80x128xf32, #tpu.memory_space<vmem>>, vector<16xf32>,
      tpu.vector_store %arg7[%swap3A_136, %swap3A_137], %broadcast_in_dim3A_114 {strides = array<i32>} : memref<80x128xf32, #tpu.memory_space<vmem>>, vector<16xf32>,
    }
    %scan3A_3 = arith.constant 80 : i32
    %scan3A_4 = arith.constant 0 : i32
    %scan3A_5 = arith.constant 48 : i32
    %scan3A_6 = arith.addi %scan3A_4, %scan3A_5 : i32
    %scan3A_7 = arith.constant 1 : i32
    scf.for %scan3A_109 = %scan3A_4 to %scan3A_6 step %scan3A_7  : i32 {
      %mul3A_110 = arith.constant 1 : i32
      %mul3A_111 = arith.muli %scan3A_109, %mul3A_110 : i32
      %add3A_112 = arith.constant 0 : i32
      %add3A_113 = arith.addi %add3A_112, %mul3A_111 : i32
      %broadcast_in_dim3A = arith.constant 0.000000e+00 : f32
      %broadcast_in_dim3A_114 = vector.broadcast %broadcast_in_dim3A : f32 to vector<16xf32>
      %swap3A_115 = arith.index_cast %add3A_113 : i32 to index
      %swap3A_116 = arith.constant 0 : index
      %swap3A_117 = tpu.vector_load %arg15[%swap3A_115, %swap3A_116] {strides = array<i32>} : memref<48x128xf32, #tpu.memory_space<vmem>>, vector<16xf32>,
      tpu.vector_store %arg15[%swap3A_115, %swap3A_116], %broadcast_in_dim3A_114 {strides = array<i32>} : memref<48x128xf32, #tpu.memory_space<vmem>>, vector<16xf32>,
      %swap3A_118 = arith.index_cast %add3A_113 : i32 to index
      %swap3A_119 = arith.constant 16 : index
      %swap3A_120 = tpu.vector_load %arg15[%swap3A_118, %swap3A_119] {strides = array<i32>} : memref<48x128xf32, #tpu.memory_space<vmem>>, vector<16xf32>,
      tpu.vector_store %arg15[%swap3A_118, %swap3A_119], %broadcast_in_dim3A_114 {strides = array<i32>} : memref<48x128xf32, #tpu.memory_space<vmem>>, vector<16xf32>,
      %swap3A_121 = arith.index_cast %add3A_113 : i32 to index
      %swap3A_122 = arith.constant 32 : index
      %swap3A_123 = tpu.vector_load %arg15[%swap3A_121, %swap3A_122] {strides = array<i32>} : memref<48x128xf32, #tpu.memory_space<vmem>>, vector<16xf32>,
      tpu.vector_store %arg15[%swap3A_121, %swap3A_122], %broadcast_in_dim3A_114 {strides = array<i32>} : memref<48x128xf32, #tpu.memory_space<vmem>>, vector<16xf32>,
      %swap3A_124 = arith.index_cast %add3A_113 : i32 to index
      %swap3A_125 = arith.constant 48 : index
      %swap3A_126 = tpu.vector_load %arg15[%swap3A_124, %swap3A_125] {strides = array<i32>} : memref<48x128xf32, #tpu.memory_space<vmem>>, vector<16xf32>,
      tpu.vector_store %arg15[%swap3A_124, %swap3A_125], %broadcast_in_dim3A_114 {strides = array<i32>} : memref<48x128xf32, #tpu.memory_space<vmem>>, vector<16xf32>,
      %swap3A_127 = arith.index_cast %add3A_113 : i32 to index
      %swap3A_128 = arith.constant 64 : index
      %swap3A_129 = tpu.vector_load %arg15[%swap3A_127, %swap3A_128] {strides = array<i32>} : memref<48x128xf32, #tpu.memory_space<vmem>>, vector<16xf32>,
      tpu.vector_store %arg15[%swap3A_127, %swap3A_128], %broadcast_in_dim3A_114 {strides = array<i32>} : memref<48x128xf32, #tpu.memory_space<vmem>>, vector<16xf32>,
      %swap3A_130 = arith.index_cast %add3A_113 : i32 to index
      %swap3A_131 = arith.constant 80 : index
      %swap3A_132 = tpu.vector_load %arg15[%swap3A_130, %swap3A_131] {strides = array<i32>} : memref<48x128xf32, #tpu.memory_space<vmem>>, vector<16xf32>,
      tpu.vector_store %arg15[%swap3A_130, %swap3A_131], %broadcast_in_dim3A_114 {strides = array<i32>} : memref<48x128xf32, #tpu.memory_space<vmem>>, vector<16xf32>,
      %swap3A_133 = arith.index_cast %add3A_113 : i32 to index
      %swap3A_134 = arith.constant 96 : index
      %swap3A_135 = tpu.vector_load %arg15[%swap3A_133, %swap3A_134] {strides = array<i32>} : memref<48x128xf32, #tpu.memory_space<vmem>>, vector<16xf32>,
      tpu.vector_store %arg15[%swap3A_133, %swap3A_134], %broadcast_in_dim3A_114 {strides = array<i32>} : memref<48x128xf32, #tpu.memory_space<vmem>>, vector<16xf32>,
      %swap3A_136 = arith.index_cast %add3A_113 : i32 to index
      %swap3A_137 = arith.constant 112 : index
      %swap3A_138 = tpu.vector_load %arg15[%swap3A_136, %swap3A_137] {strides = array<i32>} : memref<48x128xf32, #tpu.memory_space<vmem>>, vector<16xf32>,
      tpu.vector_store %arg15[%swap3A_136, %swap3A_137], %broadcast_in_dim3A_114 {strides = array<i32>} : memref<48x128xf32, #tpu.memory_space<vmem>>, vector<16xf32>,
    }
    %scan3A_8 = arith.constant 48 : i32
    %scan3A_9 = arith.constant 0 : i32
    %scan3A_10 = arith.constant 3 : i32
    %scan3A_11 = arith.addi %scan3A_9, %scan3A_10 : i32
    %scan3A_12 = arith.constant 1 : i32
    scf.for %scan3A_109 = %scan3A_9 to %scan3A_11 step %scan3A_12  : i32 {
      %mul3A_110 = arith.constant 16 : i32
      %mul3A_111 = arith.muli %scan3A_109, %mul3A_110 : i32
      %add3A_112 = arith.constant 0 : i32
      %add3A_113 = arith.addi %add3A_112, %mul3A_111 : i32
      %iota3A = tpu.iota {dimensions = array<i32: 0>} : vector<16xi32>
      %add3A_114 = vector.broadcast %add3A_113 : i32 to vector<16xi32>
      %add3A_115 = arith.addi %add3A_114, %iota3A : vector<16xi32>
      %swap3A_116 = arith.index_cast %add3A_113 : i32 to index
      %swap3A_117 = tpu.vector_load %arg16[%swap3A_116] {strides = array<i32>} : memref<48xi32, #tpu.memory_space<vmem>>, vector<16xi32>,
      tpu.vector_store %arg16[%swap3A_116], %add3A_115 {strides = array<i32>} : memref<48xi32, #tpu.memory_space<vmem>>, vector<16xi32>,
    }
    %scan3A_13 = arith.constant 3 : i32
    %swap3A = arith.constant 0 : i32
    %swap3A_14 = arith.constant 0 : i32
    %swap3A_15 = arith.index_cast %swap3A_14 : i32 to index
    %swap3A_16 = memref.load %arg17[%swap3A_15] : memref<4xi32, #tpu.memory_space<smem>>
    memref.store %swap3A, %arg17[%swap3A_15] : memref<4xi32, #tpu.memory_space<smem>>
    %swap3A_17 = arith.constant 0 : i32
    %swap3A_18 = arith.constant 1 : i32
    %swap3A_19 = arith.index_cast %swap3A_18 : i32 to index
    %swap3A_20 = memref.load %arg17[%swap3A_19] : memref<4xi32, #tpu.memory_space<smem>>
    memref.store %swap3A_17, %arg17[%swap3A_19] : memref<4xi32, #tpu.memory_space<smem>>
    %mul3A = arith.constant 320 : i32
    %mul3A_21 = arith.muli %arg1, %mul3A : i32
    %add3A = arith.constant 0 : i32
    %add3A_22 = arith.addi %mul3A_21, %add3A : i32
    "tpu.region"() ({
      %run_scoped3A = tpu.sem_alloc : memref<!tpu.dma_semaphore, #tpu.memory_space<semaphore_mem>>
      %dma_start3A_109 = arith.constant 0 : i32
      %dma_start3A_110 = tpu.memref_slice %arg24[%add3A_22, %dma_start3A_109] : memref<5120x128xf32, #tpu.memory_space<vmem_shared>> -> memref<80x128xf32, #tpu.memory_space<vmem_shared>>
      %dma_start3A_111 = arith.constant 0 : i32
      %dma_start3A_112 = tpu.memref_slice %arg24[%add3A_22, %dma_start3A_111] : memref<5120x128xf32, #tpu.memory_space<vmem_shared>> -> memref<80x128xf32, #tpu.memory_space<vmem_shared>>
      tpu.enqueue_dma source(%arg7 : memref<80x128xf32, #tpu.memory_space<vmem>>) target(%dma_start3A_112 : memref<80x128xf32, #tpu.memory_space<vmem_shared>>) target_semaphore(%run_scoped3A : memref<!tpu.dma_semaphore, #tpu.memory_space<semaphore_mem>>)
      %dma_wait3A_113 = arith.constant 0 : i32
      %dma_wait3A_114 = tpu.memref_slice %arg24[%add3A_22, %dma_wait3A_113] : memref<5120x128xf32, #tpu.memory_space<vmem_shared>> -> memref<80x128xf32, #tpu.memory_space<vmem_shared>>
      %dma_wait3A_115 = arith.constant 0 : i32
      %dma_wait3A_116 = tpu.memref_slice %arg24[%add3A_22, %dma_wait3A_115] : memref<5120x128xf32, #tpu.memory_space<vmem_shared>> -> memref<80x128xf32, #tpu.memory_space<vmem_shared>>
      tpu.wait_dma2 semaphore(%run_scoped3A : memref<!tpu.dma_semaphore, #tpu.memory_space<semaphore_mem>>) src(%arg7 : memref<80x128xf32, #tpu.memory_space<vmem>>) dst(%dma_wait3A_116 : memref<80x128xf32, #tpu.memory_space<vmem_shared>>)
      tpu.yield
    }) : () -> ()
    %add3A_23 = arith.constant 0 : i32
    %add3A_24 = arith.addi %mul3A_21, %add3A_23 : i32
    "tpu.region"() ({
      %run_scoped3A = tpu.sem_alloc : memref<!tpu.dma_semaphore, #tpu.memory_space<semaphore_mem>>
      %dma_start3A_109 = arith.constant 0 : i32
      %dma_start3A_110 = tpu.memref_slice %arg25[%add3A_24, %dma_start3A_109] : memref<5120x128xf32, #tpu.memory_space<vmem_shared>> -> memref<80x128xf32, #tpu.memory_space<vmem_shared>>
      %dma_start3A_111 = arith.constant 0 : i32
      %dma_start3A_112 = tpu.memref_slice %arg25[%add3A_24, %dma_start3A_111] : memref<5120x128xf32, #tpu.memory_space<vmem_shared>> -> memref<80x128xf32, #tpu.memory_space<vmem_shared>>
      tpu.enqueue_dma source(%arg7 : memref<80x128xf32, #tpu.memory_space<vmem>>) target(%dma_start3A_112 : memref<80x128xf32, #tpu.memory_space<vmem_shared>>) target_semaphore(%run_scoped3A : memref<!tpu.dma_semaphore, #tpu.memory_space<semaphore_mem>>)
      %dma_wait3A_113 = arith.constant 0 : i32
      %dma_wait3A_114 = tpu.memref_slice %arg25[%add3A_24, %dma_wait3A_113] : memref<5120x128xf32, #tpu.memory_space<vmem_shared>> -> memref<80x128xf32, #tpu.memory_space<vmem_shared>>
      %dma_wait3A_115 = arith.constant 0 : i32
      %dma_wait3A_116 = tpu.memref_slice %arg25[%add3A_24, %dma_wait3A_115] : memref<5120x128xf32, #tpu.memory_space<vmem_shared>> -> memref<80x128xf32, #tpu.memory_space<vmem_shared>>
      tpu.wait_dma2 semaphore(%run_scoped3A : memref<!tpu.dma_semaphore, #tpu.memory_space<semaphore_mem>>) src(%arg7 : memref<80x128xf32, #tpu.memory_space<vmem>>) dst(%dma_wait3A_116 : memref<80x128xf32, #tpu.memory_space<vmem_shared>>)
      tpu.yield
    }) : () -> ()
    %add3A_25 = arith.constant 80 : i32
    %add3A_26 = arith.addi %mul3A_21, %add3A_25 : i32
    "tpu.region"() ({
      %run_scoped3A = tpu.sem_alloc : memref<!tpu.dma_semaphore, #tpu.memory_space<semaphore_mem>>
      %dma_start3A_109 = arith.constant 0 : i32
      %dma_start3A_110 = tpu.memref_slice %arg24[%add3A_26, %dma_start3A_109] : memref<5120x128xf32, #tpu.memory_space<vmem_shared>> -> memref<80x128xf32, #tpu.memory_space<vmem_shared>>
      %dma_start3A_111 = arith.constant 0 : i32
      %dma_start3A_112 = tpu.memref_slice %arg24[%add3A_26, %dma_start3A_111] : memref<5120x128xf32, #tpu.memory_space<vmem_shared>> -> memref<80x128xf32, #tpu.memory_space<vmem_shared>>
      tpu.enqueue_dma source(%arg7 : memref<80x128xf32, #tpu.memory_space<vmem>>) target(%dma_start3A_112 : memref<80x128xf32, #tpu.memory_space<vmem_shared>>) target_semaphore(%run_scoped3A : memref<!tpu.dma_semaphore, #tpu.memory_space<semaphore_mem>>)
      %dma_wait3A_113 = arith.constant 0 : i32
      %dma_wait3A_114 = tpu.memref_slice %arg24[%add3A_26, %dma_wait3A_113] : memref<5120x128xf32, #tpu.memory_space<vmem_shared>> -> memref<80x128xf32, #tpu.memory_space<vmem_shared>>
      %dma_wait3A_115 = arith.constant 0 : i32
      %dma_wait3A_116 = tpu.memref_slice %arg24[%add3A_26, %dma_wait3A_115] : memref<5120x128xf32, #tpu.memory_space<vmem_shared>> -> memref<80x128xf32, #tpu.memory_space<vmem_shared>>
      tpu.wait_dma2 semaphore(%run_scoped3A : memref<!tpu.dma_semaphore, #tpu.memory_space<semaphore_mem>>) src(%arg7 : memref<80x128xf32, #tpu.memory_space<vmem>>) dst(%dma_wait3A_116 : memref<80x128xf32, #tpu.memory_space<vmem_shared>>)
      tpu.yield
    }) : () -> ()
    %add3A_27 = arith.constant 80 : i32
    %add3A_28 = arith.addi %mul3A_21, %add3A_27 : i32
    "tpu.region"() ({
      %run_scoped3A = tpu.sem_alloc : memref<!tpu.dma_semaphore, #tpu.memory_space<semaphore_mem>>
      %dma_start3A_109 = arith.constant 0 : i32
      %dma_start3A_110 = tpu.memref_slice %arg25[%add3A_28, %dma_start3A_109] : memref<5120x128xf32, #tpu.memory_space<vmem_shared>> -> memref<80x128xf32, #tpu.memory_space<vmem_shared>>
      %dma_start3A_111 = arith.constant 0 : i32
      %dma_start3A_112 = tpu.memref_slice %arg25[%add3A_28, %dma_start3A_111] : memref<5120x128xf32, #tpu.memory_space<vmem_shared>> -> memref<80x128xf32, #tpu.memory_space<vmem_shared>>
      tpu.enqueue_dma source(%arg7 : memref<80x128xf32, #tpu.memory_space<vmem>>) target(%dma_start3A_112 : memref<80x128xf32, #tpu.memory_space<vmem_shared>>) target_semaphore(%run_scoped3A : memref<!tpu.dma_semaphore, #tpu.memory_space<semaphore_mem>>)
      %dma_wait3A_113 = arith.constant 0 : i32
      %dma_wait3A_114 = tpu.memref_slice %arg25[%add3A_28, %dma_wait3A_113] : memref<5120x128xf32, #tpu.memory_space<vmem_shared>> -> memref<80x128xf32, #tpu.memory_space<vmem_shared>>
      %dma_wait3A_115 = arith.constant 0 : i32
      %dma_wait3A_116 = tpu.memref_slice %arg25[%add3A_28, %dma_wait3A_115] : memref<5120x128xf32, #tpu.memory_space<vmem_shared>> -> memref<80x128xf32, #tpu.memory_space<vmem_shared>>
      tpu.wait_dma2 semaphore(%run_scoped3A : memref<!tpu.dma_semaphore, #tpu.memory_space<semaphore_mem>>) src(%arg7 : memref<80x128xf32, #tpu.memory_space<vmem>>) dst(%dma_wait3A_116 : memref<80x128xf32, #tpu.memory_space<vmem_shared>>)
      tpu.yield
    }) : () -> ()
    %add3A_29 = arith.constant 160 : i32
    %add3A_30 = arith.addi %mul3A_21, %add3A_29 : i32
    "tpu.region"() ({
      %run_scoped3A = tpu.sem_alloc : memref<!tpu.dma_semaphore, #tpu.memory_space<semaphore_mem>>
      %dma_start3A_109 = arith.constant 0 : i32
      %dma_start3A_110 = tpu.memref_slice %arg24[%add3A_30, %dma_start3A_109] : memref<5120x128xf32, #tpu.memory_space<vmem_shared>> -> memref<80x128xf32, #tpu.memory_space<vmem_shared>>
      %dma_start3A_111 = arith.constant 0 : i32
      %dma_start3A_112 = tpu.memref_slice %arg24[%add3A_30, %dma_start3A_111] : memref<5120x128xf32, #tpu.memory_space<vmem_shared>> -> memref<80x128xf32, #tpu.memory_space<vmem_shared>>
      tpu.enqueue_dma source(%arg7 : memref<80x128xf32, #tpu.memory_space<vmem>>) target(%dma_start3A_112 : memref<80x128xf32, #tpu.memory_space<vmem_shared>>) target_semaphore(%run_scoped3A : memref<!tpu.dma_semaphore, #tpu.memory_space<semaphore_mem>>)
      %dma_wait3A_113 = arith.constant 0 : i32
      %dma_wait3A_114 = tpu.memref_slice %arg24[%add3A_30, %dma_wait3A_113] : memref<5120x128xf32, #tpu.memory_space<vmem_shared>> -> memref<80x128xf32, #tpu.memory_space<vmem_shared>>
      %dma_wait3A_115 = arith.constant 0 : i32
      %dma_wait3A_116 = tpu.memref_slice %arg24[%add3A_30, %dma_wait3A_115] : memref<5120x128xf32, #tpu.memory_space<vmem_shared>> -> memref<80x128xf32, #tpu.memory_space<vmem_shared>>
      tpu.wait_dma2 semaphore(%run_scoped3A : memref<!tpu.dma_semaphore, #tpu.memory_space<semaphore_mem>>) src(%arg7 : memref<80x128xf32, #tpu.memory_space<vmem>>) dst(%dma_wait3A_116 : memref<80x128xf32, #tpu.memory_space<vmem_shared>>)
      tpu.yield
    }) : () -> ()
    %add3A_31 = arith.constant 160 : i32
    %add3A_32 = arith.addi %mul3A_21, %add3A_31 : i32
    "tpu.region"() ({
      %run_scoped3A = tpu.sem_alloc : memref<!tpu.dma_semaphore, #tpu.memory_space<semaphore_mem>>
      %dma_start3A_109 = arith.constant 0 : i32
      %dma_start3A_110 = tpu.memref_slice %arg25[%add3A_32, %dma_start3A_109] : memref<5120x128xf32, #tpu.memory_space<vmem_shared>> -> memref<80x128xf32, #tpu.memory_space<vmem_shared>>
      %dma_start3A_111 = arith.constant 0 : i32
      %dma_start3A_112 = tpu.memref_slice %arg25[%add3A_32, %dma_start3A_111] : memref<5120x128xf32, #tpu.memory_space<vmem_shared>> -> memref<80x128xf32, #tpu.memory_space<vmem_shared>>
      tpu.enqueue_dma source(%arg7 : memref<80x128xf32, #tpu.memory_space<vmem>>) target(%dma_start3A_112 : memref<80x128xf32, #tpu.memory_space<vmem_shared>>) target_semaphore(%run_scoped3A : memref<!tpu.dma_semaphore, #tpu.memory_space<semaphore_mem>>)
      %dma_wait3A_113 = arith.constant 0 : i32
      %dma_wait3A_114 = tpu.memref_slice %arg25[%add3A_32, %dma_wait3A_113] : memref<5120x128xf32, #tpu.memory_space<vmem_shared>> -> memref<80x128xf32, #tpu.memory_space<vmem_shared>>
      %dma_wait3A_115 = arith.constant 0 : i32
      %dma_wait3A_116 = tpu.memref_slice %arg25[%add3A_32, %dma_wait3A_115] : memref<5120x128xf32, #tpu.memory_space<vmem_shared>> -> memref<80x128xf32, #tpu.memory_space<vmem_shared>>
      tpu.wait_dma2 semaphore(%run_scoped3A : memref<!tpu.dma_semaphore, #tpu.memory_space<semaphore_mem>>) src(%arg7 : memref<80x128xf32, #tpu.memory_space<vmem>>) dst(%dma_wait3A_116 : memref<80x128xf32, #tpu.memory_space<vmem_shared>>)
      tpu.yield
    }) : () -> ()
    %add3A_33 = arith.constant 240 : i32
    %add3A_34 = arith.addi %mul3A_21, %add3A_33 : i32
    "tpu.region"() ({
      %run_scoped3A = tpu.sem_alloc : memref<!tpu.dma_semaphore, #tpu.memory_space<semaphore_mem>>
      %dma_start3A_109 = arith.constant 0 : i32
      %dma_start3A_110 = tpu.memref_slice %arg24[%add3A_34, %dma_start3A_109] : memref<5120x128xf32, #tpu.memory_space<vmem_shared>> -> memref<80x128xf32, #tpu.memory_space<vmem_shared>>
      %dma_start3A_111 = arith.constant 0 : i32
      %dma_start3A_112 = tpu.memref_slice %arg24[%add3A_34, %dma_start3A_111] : memref<5120x128xf32, #tpu.memory_space<vmem_shared>> -> memref<80x128xf32, #tpu.memory_space<vmem_shared>>
      tpu.enqueue_dma source(%arg7 : memref<80x128xf32, #tpu.memory_space<vmem>>) target(%dma_start3A_112 : memref<80x128xf32, #tpu.memory_space<vmem_shared>>) target_semaphore(%run_scoped3A : memref<!tpu.dma_semaphore, #tpu.memory_space<semaphore_mem>>)
      %dma_wait3A_113 = arith.constant 0 : i32
      %dma_wait3A_114 = tpu.memref_slice %arg24[%add3A_34, %dma_wait3A_113] : memref<5120x128xf32, #tpu.memory_space<vmem_shared>> -> memref<80x128xf32, #tpu.memory_space<vmem_shared>>
      %dma_wait3A_115 = arith.constant 0 : i32
      %dma_wait3A_116 = tpu.memref_slice %arg24[%add3A_34, %dma_wait3A_115] : memref<5120x128xf32, #tpu.memory_space<vmem_shared>> -> memref<80x128xf32, #tpu.memory_space<vmem_shared>>
      tpu.wait_dma2 semaphore(%run_scoped3A : memref<!tpu.dma_semaphore, #tpu.memory_space<semaphore_mem>>) src(%arg7 : memref<80x128xf32, #tpu.memory_space<vmem>>) dst(%dma_wait3A_116 : memref<80x128xf32, #tpu.memory_space<vmem_shared>>)
      tpu.yield
    }) : () -> ()
    %add3A_35 = arith.constant 240 : i32
    %add3A_36 = arith.addi %mul3A_21, %add3A_35 : i32
    "tpu.region"() ({
      %run_scoped3A = tpu.sem_alloc : memref<!tpu.dma_semaphore, #tpu.memory_space<semaphore_mem>>
      %dma_start3A_109 = arith.constant 0 : i32
      %dma_start3A_110 = tpu.memref_slice %arg25[%add3A_36, %dma_start3A_109] : memref<5120x128xf32, #tpu.memory_space<vmem_shared>> -> memref<80x128xf32, #tpu.memory_space<vmem_shared>>
      %dma_start3A_111 = arith.constant 0 : i32
      %dma_start3A_112 = tpu.memref_slice %arg25[%add3A_36, %dma_start3A_111] : memref<5120x128xf32, #tpu.memory_space<vmem_shared>> -> memref<80x128xf32, #tpu.memory_space<vmem_shared>>
      tpu.enqueue_dma source(%arg7 : memref<80x128xf32, #tpu.memory_space<vmem>>) target(%dma_start3A_112 : memref<80x128xf32, #tpu.memory_space<vmem_shared>>) target_semaphore(%run_scoped3A : memref<!tpu.dma_semaphore, #tpu.memory_space<semaphore_mem>>)
      %dma_wait3A_113 = arith.constant 0 : i32
      %dma_wait3A_114 = tpu.memref_slice %arg25[%add3A_36, %dma_wait3A_113] : memref<5120x128xf32, #tpu.memory_space<vmem_shared>> -> memref<80x128xf32, #tpu.memory_space<vmem_shared>>
      %dma_wait3A_115 = arith.constant 0 : i32
      %dma_wait3A_116 = tpu.memref_slice %arg25[%add3A_36, %dma_wait3A_115] : memref<5120x128xf32, #tpu.memory_space<vmem_shared>> -> memref<80x128xf32, #tpu.memory_space<vmem_shared>>
      tpu.wait_dma2 semaphore(%run_scoped3A : memref<!tpu.dma_semaphore, #tpu.memory_space<semaphore_mem>>) src(%arg7 : memref<80x128xf32, #tpu.memory_space<vmem>>) dst(%dma_wait3A_116 : memref<80x128xf32, #tpu.memory_space<vmem_shared>>)
      tpu.yield
    }) : () -> ()
    %eq3A = arith.constant 0 : i32
    %eq3A_37 = arith.cmpi eq, %arg1, %eq3A : i32
    %convert_element_type3A = arith.extui %eq3A_37 : i1 to i32
    %cond3A = arith.constant 0 : i32
    %cond3A_38 = arith.cmpi ne, %convert_element_type3A, %cond3A : i32
    scf.if %cond3A_38 {
      "tpu.region"() ({
        %run_scoped3A = tpu.sem_alloc : memref<!tpu.dma_semaphore, #tpu.memory_space<semaphore_mem>>
        tpu.enqueue_dma source(%arg15 : memref<48x128xf32, #tpu.memory_space<vmem>>) target(%arg26 : memref<48x128xf32, #tpu.memory_space<vmem_shared>>) target_semaphore(%run_scoped3A : memref<!tpu.dma_semaphore, #tpu.memory_space<semaphore_mem>>)
        tpu.wait_dma2 semaphore(%run_scoped3A : memref<!tpu.dma_semaphore, #tpu.memory_space<semaphore_mem>>) src(%arg15 : memref<48x128xf32, #tpu.memory_space<vmem>>) dst(%arg26 : memref<48x128xf32, #tpu.memory_space<vmem_shared>>)
        tpu.yield
      }) : () -> ()
    } else {
    }
    %barrier3A = arith.constant 0 : index
    tpu.barrier barrier_id(%barrier3A)
    %mul3A_39 = arith.constant 80 : i32
    %mul3A_40 = arith.muli %arg1, %mul3A_39 : i32
    %dma_start3A = tpu.memref_slice %arg3[%mul3A_40] : memref<320000xi32, #tpu.memory_space<hbm>> -> memref<80xi32, #tpu.memory_space<hbm>>
    %dma_start3A_41 = tpu.memref_slice %arg3[%mul3A_40] : memref<320000xi32, #tpu.memory_space<hbm>> -> memref<80xi32, #tpu.memory_space<hbm>>
    tpu.enqueue_dma source(%dma_start3A_41 : memref<80xi32, #tpu.memory_space<hbm>>) target(%arg11 : memref<80xi32, #tpu.memory_space<vmem>>) target_semaphore(%arg18 : memref<!tpu.dma_semaphore, #tpu.memory_space<semaphore_mem>>)
    %add3A_42 = arith.constant 16 : i32
    %add3A_43 = arith.addi %arg1, %add3A_42 : i32
    %mul3A_44 = arith.constant 80 : i32
    %mul3A_45 = arith.muli %add3A_43, %mul3A_44 : i32
    %dma_start3A_46 = tpu.memref_slice %arg3[%mul3A_45] : memref<320000xi32, #tpu.memory_space<hbm>> -> memref<80xi32, #tpu.memory_space<hbm>>
    %dma_start3A_47 = tpu.memref_slice %arg3[%mul3A_45] : memref<320000xi32, #tpu.memory_space<hbm>> -> memref<80xi32, #tpu.memory_space<hbm>>
    tpu.enqueue_dma source(%dma_start3A_47 : memref<80xi32, #tpu.memory_space<hbm>>) target(%arg12 : memref<80xi32, #tpu.memory_space<vmem>>) target_semaphore(%arg19 : memref<!tpu.dma_semaphore, #tpu.memory_space<semaphore_mem>>)
    %dma_wait3A = arith.constant 0 : i32
    %dma_wait3A_48 = tpu.memref_slice %arg3[%dma_wait3A] : memref<320000xi32, #tpu.memory_space<hbm>> -> memref<80xi32, #tpu.memory_space<hbm>>
    %dma_wait3A_49 = arith.constant 0 : i32
    %dma_wait3A_50 = tpu.memref_slice %arg3[%dma_wait3A_49] : memref<320000xi32, #tpu.memory_space<hbm>> -> memref<80xi32, #tpu.memory_space<hbm>>
    tpu.wait_dma2 semaphore(%arg18 : memref<!tpu.dma_semaphore, #tpu.memory_space<semaphore_mem>>) src(%dma_wait3A_50 : memref<80xi32, #tpu.memory_space<hbm>>) dst(%arg11 : memref<80xi32, #tpu.memory_space<vmem>>)
    %get3A = arith.constant 0 : index
    %get3A_51 = tpu.vector_load %arg11[%get3A] {strides = array<i32>} : memref<80xi32, #tpu.memory_space<vmem>>, vector<16xi32>,
    %slice3A = vector.extract_strided_slice %get3A_51 {offsets = [0], sizes = [1], strides = [1]} : vector<16xi32> to vector<1xi32>
    %squeeze3A = vector.extract %slice3A[0] : i32 from vector<1xi32>
    %get3A_52 = arith.constant 64 : index
    %get3A_53 = tpu.vector_load %arg11[%get3A_52] {strides = array<i32>} : memref<80xi32, #tpu.memory_space<vmem>>, vector<16xi32>,
    %slice3A_54 = vector.extract_strided_slice %get3A_53 {offsets = [15], sizes = [1], strides = [1]} : vector<16xi32> to vector<1xi32>
    %squeeze3A_55 = vector.extract %slice3A_54[0] : i32 from vector<1xi32>
    %eq3A_56 = arith.constant 0 : i32
    %eq3A_57 = arith.cmpi eq, %arg0, %eq3A_56 : i32
    %lt3A = arith.constant 5000 : i32
    %lt3A_58 = arith.cmpi slt, %squeeze3A, %lt3A : i32
    %ge3A = arith.constant 5000 : i32
    %ge3A_59 = arith.cmpi sge, %squeeze3A_55, %ge3A : i32
    %select_n3A = arith.select %eq3A_57, %lt3A_58, %ge3A_59 : i1
    %jit3A = arith.constant 1 : i32
    %jit3A_60 = arith.constant 0 : i32
    %select_n3A_61 = arith.select %select_n3A, %jit3A, %jit3A_60 : i32
    %swap3A_62 = arith.constant 2 : i32
    %swap3A_63 = arith.index_cast %swap3A_62 : i32 to index
    %swap3A_64 = memref.load %arg17[%swap3A_63] : memref<4xi32, #tpu.memory_space<smem>>
    memref.store %select_n3A_61, %arg17[%swap3A_63] : memref<4xi32, #tpu.memory_space<smem>>
    %get3A_65 = arith.constant 2 : i32
    %get3A_66 = arith.index_cast %get3A_65 : i32 to index
    %get3A_67 = memref.load %arg17[%get3A_66] : memref<4xi32, #tpu.memory_space<smem>>
    %eq3A_68 = arith.constant 1 : i32
    %eq3A_69 = arith.cmpi eq, %get3A_67, %eq3A_68 : i32
    %convert_element_type3A_70 = arith.extui %eq3A_69 : i1 to i32
    %cond3A_71 = arith.constant 0 : i32
    %cond3A_72 = arith.cmpi ne, %convert_element_type3A_70, %cond3A_71 : i32
    scf.if %cond3A_72 {
      %mul3A_109 = arith.constant 80 : i32
      %mul3A_110 = arith.muli %arg1, %mul3A_109 : i32
      %dma_start3A_111 = arith.constant 0 : i32
      %dma_start3A_112 = tpu.memref_slice %arg2[%mul3A_110, %dma_start3A_111] : memref<320000x128xf32, #tpu.memory_space<hbm>> -> memref<80x128xf32, #tpu.memory_space<hbm>>
      %dma_start3A_113 = arith.constant 0 : i32
      %dma_start3A_114 = tpu.memref_slice %arg2[%mul3A_110, %dma_start3A_113] : memref<320000x128xf32, #tpu.memory_space<hbm>> -> memref<80x128xf32, #tpu.memory_space<hbm>>
      tpu.enqueue_dma source(%dma_start3A_114 : memref<80x128xf32, #tpu.memory_space<hbm>>) target(%arg7 : memref<80x128xf32, #tpu.memory_space<vmem>>) target_semaphore(%arg22 : memref<!tpu.dma_semaphore, #tpu.memory_space<semaphore_mem>>)
    } else {
    }
    %scan3A_73 = arith.constant 0 : i32
    %scan3A_74 = arith.constant 125 : i32
    %scan3A_75 = arith.addi %scan3A_73, %scan3A_74 : i32
    %scan3A_76 = arith.constant 1 : i32
    scf.for %scan3A_109 = %scan3A_73 to %scan3A_75 step %scan3A_76  : i32 {
      %mul3A_110 = arith.constant 1 : i32
      %mul3A_111 = arith.muli %scan3A_109, %mul3A_110 : i32
      %add3A_112 = arith.constant 0 : i32
      %add3A_113 = arith.addi %add3A_112, %mul3A_111 : i32
      %mul3A_114 = arith.constant 2 : i32
      %mul3A_115 = arith.muli %add3A_113, %mul3A_114 : i32
      %add3A_116 = arith.constant 0 : i32
      %add3A_117 = arith.addi %mul3A_115, %add3A_116 : i32
      %mul3A_118 = arith.constant 16 : i32
      %mul3A_119 = arith.muli %add3A_117, %mul3A_118 : i32
      %add3A_120 = arith.addi %arg1, %mul3A_119 : i32
      %add3A_121 = arith.constant 16 : i32
      %add3A_122 = arith.addi %add3A_120, %add3A_121 : i32
      %lt3A_123 = arith.constant 4000 : i32
      %lt3A_124 = arith.cmpi slt, %add3A_122, %lt3A_123 : i32
      %convert_element_type3A_125 = arith.extui %lt3A_124 : i1 to i32
      %cond3A_126 = arith.constant 0 : i32
      %cond3A_127 = arith.cmpi ne, %convert_element_type3A_125, %cond3A_126 : i32
      scf.if %cond3A_127 {
        %dma_wait3A_177 = arith.constant 0 : i32
        %dma_wait3A_178 = tpu.memref_slice %arg3[%dma_wait3A_177] : memref<320000xi32, #tpu.memory_space<hbm>> -> memref<80xi32, #tpu.memory_space<hbm>>
        %dma_wait3A_179 = arith.constant 0 : i32
        %dma_wait3A_180 = tpu.memref_slice %arg3[%dma_wait3A_179] : memref<320000xi32, #tpu.memory_space<hbm>> -> memref<80xi32, #tpu.memory_space<hbm>>
        tpu.wait_dma2 semaphore(%arg19 : memref<!tpu.dma_semaphore, #tpu.memory_space<semaphore_mem>>) src(%dma_wait3A_180 : memref<80xi32, #tpu.memory_space<hbm>>) dst(%arg12 : memref<80xi32, #tpu.memory_space<vmem>>)
        %get3A_181 = arith.constant 0 : index
        %get3A_182 = tpu.vector_load %arg12[%get3A_181] {strides = array<i32>} : memref<80xi32, #tpu.memory_space<vmem>>, vector<16xi32>,
        %slice3A_183 = vector.extract_strided_slice %get3A_182 {offsets = [0], sizes = [1], strides = [1]} : vector<16xi32> to vector<1xi32>
        %squeeze3A_184 = vector.extract %slice3A_183[0] : i32 from vector<1xi32>
        %get3A_185 = arith.constant 64 : index
        %get3A_186 = tpu.vector_load %arg12[%get3A_185] {strides = array<i32>} : memref<80xi32, #tpu.memory_space<vmem>>, vector<16xi32>,
        %slice3A_187 = vector.extract_strided_slice %get3A_186 {offsets = [15], sizes = [1], strides = [1]} : vector<16xi32> to vector<1xi32>
        %squeeze3A_188 = vector.extract %slice3A_187[0] : i32 from vector<1xi32>
        %eq3A_189 = arith.constant 0 : i32
        %eq3A_190 = arith.cmpi eq, %arg0, %eq3A_189 : i32
        %lt3A_191 = arith.constant 5000 : i32
        %lt3A_192 = arith.cmpi slt, %squeeze3A_184, %lt3A_191 : i32
        %ge3A_193 = arith.constant 5000 : i32
        %ge3A_194 = arith.cmpi sge, %squeeze3A_188, %ge3A_193 : i32
        %select_n3A_195 = arith.select %eq3A_190, %lt3A_192, %ge3A_194 : i1
        %jit3A_196 = arith.constant 1 : i32
        %jit3A_197 = arith.constant 0 : i32
        %select_n3A_198 = arith.select %select_n3A_195, %jit3A_196, %jit3A_197 : i32
        %swap3A_199 = arith.constant 3 : i32
        %swap3A_200 = arith.index_cast %swap3A_199 : i32 to index
        %swap3A_201 = memref.load %arg17[%swap3A_200] : memref<4xi32, #tpu.memory_space<smem>>
        memref.store %select_n3A_198, %arg17[%swap3A_200] : memref<4xi32, #tpu.memory_space<smem>>
        %eq3A_202 = arith.constant 1 : i32
        %eq3A_203 = arith.cmpi eq, %select_n3A_198, %eq3A_202 : i32
        %convert_element_type3A_204 = arith.extui %eq3A_203 : i1 to i32
        %cond3A_205 = arith.constant 0 : i32
        %cond3A_206 = arith.cmpi ne, %convert_element_type3A_204, %cond3A_205 : i32
        scf.if %cond3A_206 {
          %get3A_207 = arith.constant 1 : i32
          %get3A_208 = arith.index_cast %get3A_207 : i32 to index
          %get3A_209 = memref.load %arg17[%get3A_208] : memref<4xi32, #tpu.memory_space<smem>>
          %eq3A_210 = arith.constant 1 : i32
          %eq3A_211 = arith.cmpi eq, %get3A_209, %eq3A_210 : i32
          %convert_element_type3A_212 = arith.extui %eq3A_211 : i1 to i32
          %cond3A_213 = arith.constant 0 : i32
          %cond3A_214 = arith.cmpi ne, %convert_element_type3A_212, %cond3A_213 : i32
          scf.if %cond3A_214 {
            %dma_wait3A_221 = arith.constant 0 : i32
            %dma_wait3A_222 = arith.constant 0 : i32
            %dma_wait3A_223 = tpu.memref_slice %arg2[%dma_wait3A_221, %dma_wait3A_222] : memref<320000x128xf32, #tpu.memory_space<hbm>> -> memref<80x128xf32, #tpu.memory_space<hbm>>
            %dma_wait3A_224 = arith.constant 0 : i32
            %dma_wait3A_225 = arith.constant 0 : i32
            %dma_wait3A_226 = tpu.memref_slice %arg2[%dma_wait3A_224, %dma_wait3A_225] : memref<320000x128xf32, #tpu.memory_space<hbm>> -> memref<80x128xf32, #tpu.memory_space<hbm>>
            tpu.wait_dma2 semaphore(%arg21 : memref<!tpu.dma_semaphore, #tpu.memory_space<semaphore_mem>>) src(%dma_wait3A_226 : memref<80x128xf32, #tpu.memory_space<hbm>>) dst(%arg8 : memref<80x128xf32, #tpu.memory_space<vmem>>)
            %dma_wait3A_227 = arith.constant 0 : i32
            %dma_wait3A_228 = arith.constant 0 : i32
            %dma_wait3A_229 = tpu.memref_slice %arg2[%dma_wait3A_227, %dma_wait3A_228] : memref<320000x128xf32, #tpu.memory_space<hbm>> -> memref<80x128xf32, #tpu.memory_space<hbm>>
            %dma_wait3A_230 = arith.constant 0 : i32
            %dma_wait3A_231 = arith.constant 0 : i32
            %dma_wait3A_232 = tpu.memref_slice %arg2[%dma_wait3A_230, %dma_wait3A_231] : memref<320000x128xf32, #tpu.memory_space<hbm>> -> memref<80x128xf32, #tpu.memory_space<hbm>>
            tpu.wait_dma2 semaphore(%arg21 : memref<!tpu.dma_semaphore, #tpu.memory_space<semaphore_mem>>) src(%dma_wait3A_232 : memref<80x128xf32, #tpu.memory_space<hbm>>) dst(%arg10 : memref<80x128xf32, #tpu.memory_space<vmem>>)
            %swap3A_233 = arith.constant 0 : i32
            %swap3A_234 = arith.constant 1 : i32
            %swap3A_235 = arith.index_cast %swap3A_234 : i32 to index
            %swap3A_236 = memref.load %arg17[%swap3A_235] : memref<4xi32, #tpu.memory_space<smem>>
            memref.store %swap3A_233, %arg17[%swap3A_235] : memref<4xi32, #tpu.memory_space<smem>>
          } else {
          }
          %mul3A_215 = arith.constant 80 : i32
          %mul3A_216 = arith.muli %add3A_122, %mul3A_215 : i32
          %dma_start3A_217 = arith.constant 0 : i32
          %dma_start3A_218 = tpu.memref_slice %arg2[%mul3A_216, %dma_start3A_217] : memref<320000x128xf32, #tpu.memory_space<hbm>> -> memref<80x128xf32, #tpu.memory_space<hbm>>
          %dma_start3A_219 = arith.constant 0 : i32
          %dma_start3A_220 = tpu.memref_slice %arg2[%mul3A_216, %dma_start3A_219] : memref<320000x128xf32, #tpu.memory_space<hbm>> -> memref<80x128xf32, #tpu.memory_space<hbm>>
          tpu.enqueue_dma source(%dma_start3A_220 : memref<80x128xf32, #tpu.memory_space<hbm>>) target(%arg8 : memref<80x128xf32, #tpu.memory_space<vmem>>) target_semaphore(%arg23 : memref<!tpu.dma_semaphore, #tpu.memory_space<semaphore_mem>>)
        } else {
        }
      } else {
      }
      %lt3A_128 = arith.constant 4000 : i32
      %lt3A_129 = arith.cmpi slt, %add3A_120, %lt3A_128 : i32
      %get3A_130 = arith.constant 2 : i32
      %get3A_131 = arith.index_cast %get3A_130 : i32 to index
      %get3A_132 = memref.load %arg17[%get3A_131] : memref<4xi32, #tpu.memory_space<smem>>
      %eq3A_133 = arith.constant 1 : i32
      %eq3A_134 = arith.cmpi eq, %get3A_132, %eq3A_133 : i32
      %and3A = arith.andi %lt3A_129, %eq3A_134 : i1
      %convert_element_type3A_135 = arith.extui %and3A : i1 to i32
      %cond3A_136 = arith.constant 0 : i32
      %cond3A_137 = arith.cmpi ne, %convert_element_type3A_135, %cond3A_136 : i32
      scf.if %cond3A_137 {
        %dma_wait3A_177 = arith.constant 0 : i32
        %dma_wait3A_178 = arith.constant 0 : i32
        %dma_wait3A_179 = tpu.memref_slice %arg2[%dma_wait3A_177, %dma_wait3A_178] : memref<320000x128xf32, #tpu.memory_space<hbm>> -> memref<80x128xf32, #tpu.memory_space<hbm>>
        %dma_wait3A_180 = arith.constant 0 : i32
        %dma_wait3A_181 = arith.constant 0 : i32
        %dma_wait3A_182 = tpu.memref_slice %arg2[%dma_wait3A_180, %dma_wait3A_181] : memref<320000x128xf32, #tpu.memory_space<hbm>> -> memref<80x128xf32, #tpu.memory_space<hbm>>
        tpu.wait_dma2 semaphore(%arg22 : memref<!tpu.dma_semaphore, #tpu.memory_space<semaphore_mem>>) src(%dma_wait3A_182 : memref<80x128xf32, #tpu.memory_space<hbm>>) dst(%arg7 : memref<80x128xf32, #tpu.memory_space<vmem>>)
        %get3A_183 = arith.constant 0 : index
        %get3A_184 = tpu.vector_load %arg11[%get3A_183] {strides = array<i32>} : memref<80xi32, #tpu.memory_space<vmem>>, vector<16xi32>,
        %eq3A_185 = arith.constant 0 : i32
        %eq3A_186 = arith.cmpi eq, %arg0, %eq3A_185 : i32
        %min3A = arith.constant 5000 : i32
        %min3A_187 = vector.broadcast %min3A : i32 to vector<16xi32>
        %min3A_188 = arith.minsi %get3A_184, %min3A_187 : vector<16xi32>
        %sub3A = arith.constant 4999 : i32
        %sub3A_189 = vector.broadcast %sub3A : i32 to vector<16xi32>
        %sub3A_190 = arith.subi %get3A_184, %sub3A_189 : vector<16xi32>
        %max3A = arith.constant 0 : i32
        %max3A_191 = vector.broadcast %max3A : i32 to vector<16xi32>
        %max3A_192 = arith.maxsi %sub3A_190, %max3A_191 : vector<16xi32>
        %select_n3A_193 = arith.select %eq3A_186, %min3A_188, %max3A_192 : vector<16xi32>
        %swap3A_194 = arith.constant 0 : i32
        %swap3A_195 = arith.index_cast %swap3A_194 : i32 to index
        %swap3A_196 = arith.constant 0 : index
        %swap3A_197 = tpu.vector_load %arg13[%swap3A_195, %swap3A_196] {strides = array<i32>} : memref<1x80xi32, #tpu.memory_space<vmem>>, vector<16xi32>,
        tpu.vector_store %arg13[%swap3A_195, %swap3A_196], %select_n3A_193 {strides = array<i32>} : memref<1x80xi32, #tpu.memory_space<vmem>>, vector<16xi32>,
        %shift_right_arithmetic3A = arith.constant 7 : i32
        %shift_right_arithmetic3A_198 = vector.broadcast %shift_right_arithmetic3A : i32 to vector<16xi32>
        %shift_right_arithmetic3A_199 = arith.shrsi %select_n3A_193, %shift_right_arithmetic3A_198 : vector<16xi32>
        %and3A_200 = arith.constant 127 : i32
        %and3A_201 = vector.broadcast %and3A_200 : i32 to vector<16xi32>
        %and3A_202 = arith.andi %select_n3A_193, %and3A_201 : vector<16xi32>
        %broadcast_in_dim3A = arith.constant 1.000000e+00 : f32
        %broadcast_in_dim3A_203 = vector.broadcast %broadcast_in_dim3A : f32 to vector<16xf32>
        tpu.vector_store_idx %arg15[%shift_right_arithmetic3A_199, %and3A_202], %broadcast_in_dim3A_203 {add = true} : memref<48x128xf32, #tpu.memory_space<vmem>>[vector<16xi32>, vector<16xi32>], vector<16xf32>,
        %get3A_204 = arith.constant 16 : index
        %get3A_205 = tpu.vector_load %arg11[%get3A_204] {strides = array<i32>} : memref<80xi32, #tpu.memory_space<vmem>>, vector<16xi32>,
        %eq3A_206 = arith.constant 0 : i32
        %eq3A_207 = arith.cmpi eq, %arg0, %eq3A_206 : i32
        %min3A_208 = arith.constant 5000 : i32
        %min3A_209 = vector.broadcast %min3A_208 : i32 to vector<16xi32>
        %min3A_210 = arith.minsi %get3A_205, %min3A_209 : vector<16xi32>
        %sub3A_211 = arith.constant 4999 : i32
        %sub3A_212 = vector.broadcast %sub3A_211 : i32 to vector<16xi32>
        %sub3A_213 = arith.subi %get3A_205, %sub3A_212 : vector<16xi32>
        %max3A_214 = arith.constant 0 : i32
        %max3A_215 = vector.broadcast %max3A_214 : i32 to vector<16xi32>
        %max3A_216 = arith.maxsi %sub3A_213, %max3A_215 : vector<16xi32>
        %select_n3A_217 = arith.select %eq3A_207, %min3A_210, %max3A_216 : vector<16xi32>
        %swap3A_218 = arith.constant 0 : i32
        %swap3A_219 = arith.index_cast %swap3A_218 : i32 to index
        %swap3A_220 = arith.constant 16 : index
        %swap3A_221 = tpu.vector_load %arg13[%swap3A_219, %swap3A_220] {strides = array<i32>} : memref<1x80xi32, #tpu.memory_space<vmem>>, vector<16xi32>,
        tpu.vector_store %arg13[%swap3A_219, %swap3A_220], %select_n3A_217 {strides = array<i32>} : memref<1x80xi32, #tpu.memory_space<vmem>>, vector<16xi32>,
        %shift_right_arithmetic3A_222 = arith.constant 7 : i32
        %shift_right_arithmetic3A_223 = vector.broadcast %shift_right_arithmetic3A_222 : i32 to vector<16xi32>
        %shift_right_arithmetic3A_224 = arith.shrsi %select_n3A_217, %shift_right_arithmetic3A_223 : vector<16xi32>
        %and3A_225 = arith.constant 127 : i32
        %and3A_226 = vector.broadcast %and3A_225 : i32 to vector<16xi32>
        %and3A_227 = arith.andi %select_n3A_217, %and3A_226 : vector<16xi32>
        %broadcast_in_dim3A_228 = arith.constant 1.000000e+00 : f32
        %broadcast_in_dim3A_229 = vector.broadcast %broadcast_in_dim3A_228 : f32 to vector<16xf32>
        tpu.vector_store_idx %arg15[%shift_right_arithmetic3A_224, %and3A_227], %broadcast_in_dim3A_229 {add = true} : memref<48x128xf32, #tpu.memory_space<vmem>>[vector<16xi32>, vector<16xi32>], vector<16xf32>,
        %get3A_230 = arith.constant 32 : index
        %get3A_231 = tpu.vector_load %arg11[%get3A_230] {strides = array<i32>} : memref<80xi32, #tpu.memory_space<vmem>>, vector<16xi32>,
        %eq3A_232 = arith.constant 0 : i32
        %eq3A_233 = arith.cmpi eq, %arg0, %eq3A_232 : i32
        %min3A_234 = arith.constant 5000 : i32
        %min3A_235 = vector.broadcast %min3A_234 : i32 to vector<16xi32>
        %min3A_236 = arith.minsi %get3A_231, %min3A_235 : vector<16xi32>
        %sub3A_237 = arith.constant 4999 : i32
        %sub3A_238 = vector.broadcast %sub3A_237 : i32 to vector<16xi32>
        %sub3A_239 = arith.subi %get3A_231, %sub3A_238 : vector<16xi32>
        %max3A_240 = arith.constant 0 : i32
        %max3A_241 = vector.broadcast %max3A_240 : i32 to vector<16xi32>
        %max3A_242 = arith.maxsi %sub3A_239, %max3A_241 : vector<16xi32>
        %select_n3A_243 = arith.select %eq3A_233, %min3A_236, %max3A_242 : vector<16xi32>
        %swap3A_244 = arith.constant 0 : i32
        %swap3A_245 = arith.index_cast %swap3A_244 : i32 to index
        %swap3A_246 = arith.constant 32 : index
        %swap3A_247 = tpu.vector_load %arg13[%swap3A_245, %swap3A_246] {strides = array<i32>} : memref<1x80xi32, #tpu.memory_space<vmem>>, vector<16xi32>,
        tpu.vector_store %arg13[%swap3A_245, %swap3A_246], %select_n3A_243 {strides = array<i32>} : memref<1x80xi32, #tpu.memory_space<vmem>>, vector<16xi32>,
        %shift_right_arithmetic3A_248 = arith.constant 7 : i32
        %shift_right_arithmetic3A_249 = vector.broadcast %shift_right_arithmetic3A_248 : i32 to vector<16xi32>
        %shift_right_arithmetic3A_250 = arith.shrsi %select_n3A_243, %shift_right_arithmetic3A_249 : vector<16xi32>
        %and3A_251 = arith.constant 127 : i32
        %and3A_252 = vector.broadcast %and3A_251 : i32 to vector<16xi32>
        %and3A_253 = arith.andi %select_n3A_243, %and3A_252 : vector<16xi32>
        %broadcast_in_dim3A_254 = arith.constant 1.000000e+00 : f32
        %broadcast_in_dim3A_255 = vector.broadcast %broadcast_in_dim3A_254 : f32 to vector<16xf32>
        tpu.vector_store_idx %arg15[%shift_right_arithmetic3A_250, %and3A_253], %broadcast_in_dim3A_255 {add = true} : memref<48x128xf32, #tpu.memory_space<vmem>>[vector<16xi32>, vector<16xi32>], vector<16xf32>,
        %get3A_256 = arith.constant 48 : index
        %get3A_257 = tpu.vector_load %arg11[%get3A_256] {strides = array<i32>} : memref<80xi32, #tpu.memory_space<vmem>>, vector<16xi32>,
        %eq3A_258 = arith.constant 0 : i32
        %eq3A_259 = arith.cmpi eq, %arg0, %eq3A_258 : i32
        %min3A_260 = arith.constant 5000 : i32
        %min3A_261 = vector.broadcast %min3A_260 : i32 to vector<16xi32>
        %min3A_262 = arith.minsi %get3A_257, %min3A_261 : vector<16xi32>
        %sub3A_263 = arith.constant 4999 : i32
        %sub3A_264 = vector.broadcast %sub3A_263 : i32 to vector<16xi32>
        %sub3A_265 = arith.subi %get3A_257, %sub3A_264 : vector<16xi32>
        %max3A_266 = arith.constant 0 : i32
        %max3A_267 = vector.broadcast %max3A_266 : i32 to vector<16xi32>
        %max3A_268 = arith.maxsi %sub3A_265, %max3A_267 : vector<16xi32>
        %select_n3A_269 = arith.select %eq3A_259, %min3A_262, %max3A_268 : vector<16xi32>
        %swap3A_270 = arith.constant 0 : i32
        %swap3A_271 = arith.index_cast %swap3A_270 : i32 to index
        %swap3A_272 = arith.constant 48 : index
        %swap3A_273 = tpu.vector_load %arg13[%swap3A_271, %swap3A_272] {strides = array<i32>} : memref<1x80xi32, #tpu.memory_space<vmem>>, vector<16xi32>,
        tpu.vector_store %arg13[%swap3A_271, %swap3A_272], %select_n3A_269 {strides = array<i32>} : memref<1x80xi32, #tpu.memory_space<vmem>>, vector<16xi32>,
        %shift_right_arithmetic3A_274 = arith.constant 7 : i32
        %shift_right_arithmetic3A_275 = vector.broadcast %shift_right_arithmetic3A_274 : i32 to vector<16xi32>
        %shift_right_arithmetic3A_276 = arith.shrsi %select_n3A_269, %shift_right_arithmetic3A_275 : vector<16xi32>
        %and3A_277 = arith.constant 127 : i32
        %and3A_278 = vector.broadcast %and3A_277 : i32 to vector<16xi32>
        %and3A_279 = arith.andi %select_n3A_269, %and3A_278 : vector<16xi32>
        %broadcast_in_dim3A_280 = arith.constant 1.000000e+00 : f32
        %broadcast_in_dim3A_281 = vector.broadcast %broadcast_in_dim3A_280 : f32 to vector<16xf32>
        tpu.vector_store_idx %arg15[%shift_right_arithmetic3A_276, %and3A_279], %broadcast_in_dim3A_281 {add = true} : memref<48x128xf32, #tpu.memory_space<vmem>>[vector<16xi32>, vector<16xi32>], vector<16xf32>,
        %get3A_282 = arith.constant 64 : index
        %get3A_283 = tpu.vector_load %arg11[%get3A_282] {strides = array<i32>} : memref<80xi32, #tpu.memory_space<vmem>>, vector<16xi32>,
        %eq3A_284 = arith.constant 0 : i32
        %eq3A_285 = arith.cmpi eq, %arg0, %eq3A_284 : i32
        %min3A_286 = arith.constant 5000 : i32
        %min3A_287 = vector.broadcast %min3A_286 : i32 to vector<16xi32>
        %min3A_288 = arith.minsi %get3A_283, %min3A_287 : vector<16xi32>
        %sub3A_289 = arith.constant 4999 : i32
        %sub3A_290 = vector.broadcast %sub3A_289 : i32 to vector<16xi32>
        %sub3A_291 = arith.subi %get3A_283, %sub3A_290 : vector<16xi32>
        %max3A_292 = arith.constant 0 : i32
        %max3A_293 = vector.broadcast %max3A_292 : i32 to vector<16xi32>
        %max3A_294 = arith.maxsi %sub3A_291, %max3A_293 : vector<16xi32>
        %select_n3A_295 = arith.select %eq3A_285, %min3A_288, %max3A_294 : vector<16xi32>
        %swap3A_296 = arith.constant 0 : i32
        %swap3A_297 = arith.index_cast %swap3A_296 : i32 to index
        %swap3A_298 = arith.constant 64 : index
        %swap3A_299 = tpu.vector_load %arg13[%swap3A_297, %swap3A_298] {strides = array<i32>} : memref<1x80xi32, #tpu.memory_space<vmem>>, vector<16xi32>,
        tpu.vector_store %arg13[%swap3A_297, %swap3A_298], %select_n3A_295 {strides = array<i32>} : memref<1x80xi32, #tpu.memory_space<vmem>>, vector<16xi32>,
        %shift_right_arithmetic3A_300 = arith.constant 7 : i32
        %shift_right_arithmetic3A_301 = vector.broadcast %shift_right_arithmetic3A_300 : i32 to vector<16xi32>
        %shift_right_arithmetic3A_302 = arith.shrsi %select_n3A_295, %shift_right_arithmetic3A_301 : vector<16xi32>
        %and3A_303 = arith.constant 127 : i32
        %and3A_304 = vector.broadcast %and3A_303 : i32 to vector<16xi32>
        %and3A_305 = arith.andi %select_n3A_295, %and3A_304 : vector<16xi32>
        %broadcast_in_dim3A_306 = arith.constant 1.000000e+00 : f32
        %broadcast_in_dim3A_307 = vector.broadcast %broadcast_in_dim3A_306 : f32 to vector<16xf32>
        tpu.vector_store_idx %arg15[%shift_right_arithmetic3A_302, %and3A_305], %broadcast_in_dim3A_307 {add = true} : memref<48x128xf32, #tpu.memory_space<vmem>>[vector<16xi32>, vector<16xi32>], vector<16xf32>,
        %dma_start3A_308 = arith.constant 0 : i32
        %dma_start3A_309 = arith.constant 0 : i32
        %dma_start3A_310 = tpu.memref_slice %arg13[%dma_start3A_308, %dma_start3A_309] : memref<1x80xi32, #tpu.memory_space<vmem>> -> memref<1x80xi32, #tpu.memory_space<vmem>>
        %dma_start3A_311 = tpu.memref_squeeze %dma_start3A_310 : memref<1x80xi32, #tpu.memory_space<vmem>> -> memref<80xi32, #tpu.memory_space<vmem>>
        %dma_start3A_312 = arith.constant 0 : i32
        %dma_start3A_313 = arith.constant 0 : i32
        %dma_start3A_314 = tpu.memref_slice %arg24[%dma_start3A_312, %dma_start3A_313] : memref<5120x128xf32, #tpu.memory_space<vmem_shared>> -> memref<5120x128xf32, #tpu.memory_space<vmem_shared>>
        tpu.enqueue_indirect_dma source(%arg7 : memref<80x128xf32, #tpu.memory_space<vmem>>) target(%dma_start3A_314 : memref<5120x128xf32, #tpu.memory_space<vmem_shared>>) offsets(%dma_start3A_311 : memref<80xi32, #tpu.memory_space<vmem>>) semaphore(%arg20 : memref<!tpu.dma_semaphore, #tpu.memory_space<semaphore_mem>>) {add = true}
        %parallel_loop3A = arith.constant 0 : i32
        %parallel_loop3A_315 = arith.constant 80 : i32
        %parallel_loop3A_316 = arith.constant 1 : i32
        scf.for %parallel_loop3A_328 = %parallel_loop3A to %parallel_loop3A_315 step %parallel_loop3A_316  : i32 {
          %parallel_loop3A_329 = arith.index_cast %parallel_loop3A_328 : i32 to index
          %parallel_loop3A_330 = arith.constant 0 : index
          %parallel_loop3A_331 = tpu.vector_load %arg7[%parallel_loop3A_329, %parallel_loop3A_330] {strides = array<i32>} : memref<80x128xf32, #tpu.memory_space<vmem>>, vector<16xf32>,
          %parallel_loop3A_332 = arith.mulf %parallel_loop3A_331, %parallel_loop3A_331 : vector<16xf32>
          %parallel_loop3A_333 = arith.index_cast %parallel_loop3A_328 : i32 to index
          %parallel_loop3A_334 = arith.constant 0 : index
          %parallel_loop3A_335 = tpu.vector_load %arg9[%parallel_loop3A_333, %parallel_loop3A_334] {strides = array<i32>} : memref<80x128xf32, #tpu.memory_space<vmem>>, vector<16xf32>,
          tpu.vector_store %arg9[%parallel_loop3A_333, %parallel_loop3A_334], %parallel_loop3A_332 {strides = array<i32>} : memref<80x128xf32, #tpu.memory_space<vmem>>, vector<16xf32>,
          %parallel_loop3A_336 = arith.index_cast %parallel_loop3A_328 : i32 to index
          %parallel_loop3A_337 = arith.constant 16 : index
          %parallel_loop3A_338 = tpu.vector_load %arg7[%parallel_loop3A_336, %parallel_loop3A_337] {strides = array<i32>} : memref<80x128xf32, #tpu.memory_space<vmem>>, vector<16xf32>,
          %parallel_loop3A_339 = arith.mulf %parallel_loop3A_338, %parallel_loop3A_338 : vector<16xf32>
          %parallel_loop3A_340 = arith.index_cast %parallel_loop3A_328 : i32 to index
          %parallel_loop3A_341 = arith.constant 16 : index
          %parallel_loop3A_342 = tpu.vector_load %arg9[%parallel_loop3A_340, %parallel_loop3A_341] {strides = array<i32>} : memref<80x128xf32, #tpu.memory_space<vmem>>, vector<16xf32>,
          tpu.vector_store %arg9[%parallel_loop3A_340, %parallel_loop3A_341], %parallel_loop3A_339 {strides = array<i32>} : memref<80x128xf32, #tpu.memory_space<vmem>>, vector<16xf32>,
          %parallel_loop3A_343 = arith.index_cast %parallel_loop3A_328 : i32 to index
          %parallel_loop3A_344 = arith.constant 32 : index
          %parallel_loop3A_345 = tpu.vector_load %arg7[%parallel_loop3A_343, %parallel_loop3A_344] {strides = array<i32>} : memref<80x128xf32, #tpu.memory_space<vmem>>, vector<16xf32>,
          %parallel_loop3A_346 = arith.mulf %parallel_loop3A_345, %parallel_loop3A_345 : vector<16xf32>
          %parallel_loop3A_347 = arith.index_cast %parallel_loop3A_328 : i32 to index
          %parallel_loop3A_348 = arith.constant 32 : index
          %parallel_loop3A_349 = tpu.vector_load %arg9[%parallel_loop3A_347, %parallel_loop3A_348] {strides = array<i32>} : memref<80x128xf32, #tpu.memory_space<vmem>>, vector<16xf32>,
          tpu.vector_store %arg9[%parallel_loop3A_347, %parallel_loop3A_348], %parallel_loop3A_346 {strides = array<i32>} : memref<80x128xf32, #tpu.memory_space<vmem>>, vector<16xf32>,
          %parallel_loop3A_350 = arith.index_cast %parallel_loop3A_328 : i32 to index
          %parallel_loop3A_351 = arith.constant 48 : index
          %parallel_loop3A_352 = tpu.vector_load %arg7[%parallel_loop3A_350, %parallel_loop3A_351] {strides = array<i32>} : memref<80x128xf32, #tpu.memory_space<vmem>>, vector<16xf32>,
          %parallel_loop3A_353 = arith.mulf %parallel_loop3A_352, %parallel_loop3A_352 : vector<16xf32>
          %parallel_loop3A_354 = arith.index_cast %parallel_loop3A_328 : i32 to index
          %parallel_loop3A_355 = arith.constant 48 : index
          %parallel_loop3A_356 = tpu.vector_load %arg9[%parallel_loop3A_354, %parallel_loop3A_355] {strides = array<i32>} : memref<80x128xf32, #tpu.memory_space<vmem>>, vector<16xf32>,
          tpu.vector_store %arg9[%parallel_loop3A_354, %parallel_loop3A_355], %parallel_loop3A_353 {strides = array<i32>} : memref<80x128xf32, #tpu.memory_space<vmem>>, vector<16xf32>,
          %parallel_loop3A_357 = arith.index_cast %parallel_loop3A_328 : i32 to index
          %parallel_loop3A_358 = arith.constant 64 : index
          %parallel_loop3A_359 = tpu.vector_load %arg7[%parallel_loop3A_357, %parallel_loop3A_358] {strides = array<i32>} : memref<80x128xf32, #tpu.memory_space<vmem>>, vector<16xf32>,
          %parallel_loop3A_360 = arith.mulf %parallel_loop3A_359, %parallel_loop3A_359 : vector<16xf32>
          %parallel_loop3A_361 = arith.index_cast %parallel_loop3A_328 : i32 to index
          %parallel_loop3A_362 = arith.constant 64 : index
          %parallel_loop3A_363 = tpu.vector_load %arg9[%parallel_loop3A_361, %parallel_loop3A_362] {strides = array<i32>} : memref<80x128xf32, #tpu.memory_space<vmem>>, vector<16xf32>,
          tpu.vector_store %arg9[%parallel_loop3A_361, %parallel_loop3A_362], %parallel_loop3A_360 {strides = array<i32>} : memref<80x128xf32, #tpu.memory_space<vmem>>, vector<16xf32>,
          %parallel_loop3A_364 = arith.index_cast %parallel_loop3A_328 : i32 to index
          %parallel_loop3A_365 = arith.constant 80 : index
          %parallel_loop3A_366 = tpu.vector_load %arg7[%parallel_loop3A_364, %parallel_loop3A_365] {strides = array<i32>} : memref<80x128xf32, #tpu.memory_space<vmem>>, vector<16xf32>,
          %parallel_loop3A_367 = arith.mulf %parallel_loop3A_366, %parallel_loop3A_366 : vector<16xf32>
          %parallel_loop3A_368 = arith.index_cast %parallel_loop3A_328 : i32 to index
          %parallel_loop3A_369 = arith.constant 80 : index
          %parallel_loop3A_370 = tpu.vector_load %arg9[%parallel_loop3A_368, %parallel_loop3A_369] {strides = array<i32>} : memref<80x128xf32, #tpu.memory_space<vmem>>, vector<16xf32>,
          tpu.vector_store %arg9[%parallel_loop3A_368, %parallel_loop3A_369], %parallel_loop3A_367 {strides = array<i32>} : memref<80x128xf32, #tpu.memory_space<vmem>>, vector<16xf32>,
          %parallel_loop3A_371 = arith.index_cast %parallel_loop3A_328 : i32 to index
          %parallel_loop3A_372 = arith.constant 96 : index
          %parallel_loop3A_373 = tpu.vector_load %arg7[%parallel_loop3A_371, %parallel_loop3A_372] {strides = array<i32>} : memref<80x128xf32, #tpu.memory_space<vmem>>, vector<16xf32>,
          %parallel_loop3A_374 = arith.mulf %parallel_loop3A_373, %parallel_loop3A_373 : vector<16xf32>
          %parallel_loop3A_375 = arith.index_cast %parallel_loop3A_328 : i32 to index
          %parallel_loop3A_376 = arith.constant 96 : index
          %parallel_loop3A_377 = tpu.vector_load %arg9[%parallel_loop3A_375, %parallel_loop3A_376] {strides = array<i32>} : memref<80x128xf32, #tpu.memory_space<vmem>>, vector<16xf32>,
          tpu.vector_store %arg9[%parallel_loop3A_375, %parallel_loop3A_376], %parallel_loop3A_374 {strides = array<i32>} : memref<80x128xf32, #tpu.memory_space<vmem>>, vector<16xf32>,
          %parallel_loop3A_378 = arith.index_cast %parallel_loop3A_328 : i32 to index
          %parallel_loop3A_379 = arith.constant 112 : index
          %parallel_loop3A_380 = tpu.vector_load %arg7[%parallel_loop3A_378, %parallel_loop3A_379] {strides = array<i32>} : memref<80x128xf32, #tpu.memory_space<vmem>>, vector<16xf32>,
          %parallel_loop3A_381 = arith.mulf %parallel_loop3A_380, %parallel_loop3A_380 : vector<16xf32>
          %parallel_loop3A_382 = arith.index_cast %parallel_loop3A_328 : i32 to index
          %parallel_loop3A_383 = arith.constant 112 : index
          %parallel_loop3A_384 = tpu.vector_load %arg9[%parallel_loop3A_382, %parallel_loop3A_383] {strides = array<i32>} : memref<80x128xf32, #tpu.memory_space<vmem>>, vector<16xf32>,
          tpu.vector_store %arg9[%parallel_loop3A_382, %parallel_loop3A_383], %parallel_loop3A_381 {strides = array<i32>} : memref<80x128xf32, #tpu.memory_space<vmem>>, vector<16xf32>,
        } {sc.loop_unroll_factor = 8 : i64, sc.parallel_access}
        %dma_start3A_317 = arith.constant 0 : i32
        %dma_start3A_318 = arith.constant 0 : i32
        %dma_start3A_319 = tpu.memref_slice %arg13[%dma_start3A_317, %dma_start3A_318] : memref<1x80xi32, #tpu.memory_space<vmem>> -> memref<1x80xi32, #tpu.memory_space<vmem>>
        %dma_start3A_320 = tpu.memref_squeeze %dma_start3A_319 : memref<1x80xi32, #tpu.memory_space<vmem>> -> memref<80xi32, #tpu.memory_space<vmem>>
        %dma_start3A_321 = arith.constant 0 : i32
        %dma_start3A_322 = arith.constant 0 : i32
        %dma_start3A_323 = tpu.memref_slice %arg25[%dma_start3A_321, %dma_start3A_322] : memref<5120x128xf32, #tpu.memory_space<vmem_shared>> -> memref<5120x128xf32, #tpu.memory_space<vmem_shared>>
        tpu.enqueue_indirect_dma source(%arg9 : memref<80x128xf32, #tpu.memory_space<vmem>>) target(%dma_start3A_323 : memref<5120x128xf32, #tpu.memory_space<vmem_shared>>) offsets(%dma_start3A_320 : memref<80xi32, #tpu.memory_space<vmem>>) semaphore(%arg20 : memref<!tpu.dma_semaphore, #tpu.memory_space<semaphore_mem>>) {add = true}
        %swap3A_324 = arith.constant 1 : i32
        %swap3A_325 = arith.constant 0 : i32
        %swap3A_326 = arith.index_cast %swap3A_325 : i32 to index
        %swap3A_327 = memref.load %arg17[%swap3A_326] : memref<4xi32, #tpu.memory_space<smem>>
        memref.store %swap3A_324, %arg17[%swap3A_326] : memref<4xi32, #tpu.memory_space<smem>>
      } else {
      }
      %add3A_138 = arith.constant 32 : i32
      %add3A_139 = arith.addi %add3A_120, %add3A_138 : i32
      %lt3A_140 = arith.constant 4000 : i32
      %lt3A_141 = arith.cmpi slt, %add3A_139, %lt3A_140 : i32
      %convert_element_type3A_142 = arith.extui %lt3A_141 : i1 to i32
      %cond3A_143 = arith.constant 0 : i32
      %cond3A_144 = arith.cmpi ne, %convert_element_type3A_142, %cond3A_143 : i32
      scf.if %cond3A_144 {
        %add3A_177 = arith.constant 32 : i32
        %add3A_178 = arith.addi %add3A_120, %add3A_177 : i32
        %mul3A_179 = arith.constant 80 : i32
        %mul3A_180 = arith.muli %add3A_178, %mul3A_179 : i32
        %dma_start3A_181 = tpu.memref_slice %arg3[%mul3A_180] : memref<320000xi32, #tpu.memory_space<hbm>> -> memref<80xi32, #tpu.memory_space<hbm>>
        %dma_start3A_182 = tpu.memref_slice %arg3[%mul3A_180] : memref<320000xi32, #tpu.memory_space<hbm>> -> memref<80xi32, #tpu.memory_space<hbm>>
        tpu.enqueue_dma source(%dma_start3A_182 : memref<80xi32, #tpu.memory_space<hbm>>) target(%arg11 : memref<80xi32, #tpu.memory_space<vmem>>) target_semaphore(%arg18 : memref<!tpu.dma_semaphore, #tpu.memory_space<semaphore_mem>>)
      } else {
      }
      %mul3A_145 = arith.constant 2 : i32
      %mul3A_146 = arith.muli %add3A_113, %mul3A_145 : i32
      %add3A_147 = arith.constant 1 : i32
      %add3A_148 = arith.addi %mul3A_146, %add3A_147 : i32
      %mul3A_149 = arith.constant 16 : i32
      %mul3A_150 = arith.muli %add3A_148, %mul3A_149 : i32
      %add3A_151 = arith.addi %arg1, %mul3A_150 : i32
      %add3A_152 = arith.constant 16 : i32
      %add3A_153 = arith.addi %add3A_151, %add3A_152 : i32
      %lt3A_154 = arith.constant 4000 : i32
      %lt3A_155 = arith.cmpi slt, %add3A_153, %lt3A_154 : i32
      %convert_element_type3A_156 = arith.extui %lt3A_155 : i1 to i32
      %cond3A_157 = arith.constant 0 : i32
      %cond3A_158 = arith.cmpi ne, %convert_element_type3A_156, %cond3A_157 : i32
      scf.if %cond3A_158 {
        %dma_wait3A_177 = arith.constant 0 : i32
        %dma_wait3A_178 = tpu.memref_slice %arg3[%dma_wait3A_177] : memref<320000xi32, #tpu.memory_space<hbm>> -> memref<80xi32, #tpu.memory_space<hbm>>
        %dma_wait3A_179 = arith.constant 0 : i32
        %dma_wait3A_180 = tpu.memref_slice %arg3[%dma_wait3A_179] : memref<320000xi32, #tpu.memory_space<hbm>> -> memref<80xi32, #tpu.memory_space<hbm>>
        tpu.wait_dma2 semaphore(%arg18 : memref<!tpu.dma_semaphore, #tpu.memory_space<semaphore_mem>>) src(%dma_wait3A_180 : memref<80xi32, #tpu.memory_space<hbm>>) dst(%arg11 : memref<80xi32, #tpu.memory_space<vmem>>)
        %get3A_181 = arith.constant 0 : index
        %get3A_182 = tpu.vector_load %arg11[%get3A_181] {strides = array<i32>} : memref<80xi32, #tpu.memory_space<vmem>>, vector<16xi32>,
        %slice3A_183 = vector.extract_strided_slice %get3A_182 {offsets = [0], sizes = [1], strides = [1]} : vector<16xi32> to vector<1xi32>
        %squeeze3A_184 = vector.extract %slice3A_183[0] : i32 from vector<1xi32>
        %get3A_185 = arith.constant 64 : index
        %get3A_186 = tpu.vector_load %arg11[%get3A_185] {strides = array<i32>} : memref<80xi32, #tpu.memory_space<vmem>>, vector<16xi32>,
        %slice3A_187 = vector.extract_strided_slice %get3A_186 {offsets = [15], sizes = [1], strides = [1]} : vector<16xi32> to vector<1xi32>
        %squeeze3A_188 = vector.extract %slice3A_187[0] : i32 from vector<1xi32>
        %eq3A_189 = arith.constant 0 : i32
        %eq3A_190 = arith.cmpi eq, %arg0, %eq3A_189 : i32
        %lt3A_191 = arith.constant 5000 : i32
        %lt3A_192 = arith.cmpi slt, %squeeze3A_184, %lt3A_191 : i32
        %ge3A_193 = arith.constant 5000 : i32
        %ge3A_194 = arith.cmpi sge, %squeeze3A_188, %ge3A_193 : i32
        %select_n3A_195 = arith.select %eq3A_190, %lt3A_192, %ge3A_194 : i1
        %jit3A_196 = arith.constant 1 : i32
        %jit3A_197 = arith.constant 0 : i32
        %select_n3A_198 = arith.select %select_n3A_195, %jit3A_196, %jit3A_197 : i32
        %swap3A_199 = arith.constant 2 : i32
        %swap3A_200 = arith.index_cast %swap3A_199 : i32 to index
        %swap3A_201 = memref.load %arg17[%swap3A_200] : memref<4xi32, #tpu.memory_space<smem>>
        memref.store %select_n3A_198, %arg17[%swap3A_200] : memref<4xi32, #tpu.memory_space<smem>>
        %eq3A_202 = arith.constant 1 : i32
        %eq3A_203 = arith.cmpi eq, %select_n3A_198, %eq3A_202 : i32
        %convert_element_type3A_204 = arith.extui %eq3A_203 : i1 to i32
        %cond3A_205 = arith.constant 0 : i32
        %cond3A_206 = arith.cmpi ne, %convert_element_type3A_204, %cond3A_205 : i32
        scf.if %cond3A_206 {
          %get3A_207 = arith.constant 0 : i32
          %get3A_208 = arith.index_cast %get3A_207 : i32 to index
          %get3A_209 = memref.load %arg17[%get3A_208] : memref<4xi32, #tpu.memory_space<smem>>
          %eq3A_210 = arith.constant 1 : i32
          %eq3A_211 = arith.cmpi eq, %get3A_209, %eq3A_210 : i32
          %convert_element_type3A_212 = arith.extui %eq3A_211 : i1 to i32
          %cond3A_213 = arith.constant 0 : i32
          %cond3A_214 = arith.cmpi ne, %convert_element_type3A_212, %cond3A_213 : i32
          scf.if %cond3A_214 {
            %dma_wait3A_221 = arith.constant 0 : i32
            %dma_wait3A_222 = arith.constant 0 : i32
            %dma_wait3A_223 = tpu.memref_slice %arg2[%dma_wait3A_221, %dma_wait3A_222] : memref<320000x128xf32, #tpu.memory_space<hbm>> -> memref<80x128xf32, #tpu.memory_space<hbm>>
            %dma_wait3A_224 = arith.constant 0 : i32
            %dma_wait3A_225 = arith.constant 0 : i32
            %dma_wait3A_226 = tpu.memref_slice %arg2[%dma_wait3A_224, %dma_wait3A_225] : memref<320000x128xf32, #tpu.memory_space<hbm>> -> memref<80x128xf32, #tpu.memory_space<hbm>>
            tpu.wait_dma2 semaphore(%arg20 : memref<!tpu.dma_semaphore, #tpu.memory_space<semaphore_mem>>) src(%dma_wait3A_226 : memref<80x128xf32, #tpu.memory_space<hbm>>) dst(%arg7 : memref<80x128xf32, #tpu.memory_space<vmem>>)
            %dma_wait3A_227 = arith.constant 0 : i32
            %dma_wait3A_228 = arith.constant 0 : i32
            %dma_wait3A_229 = tpu.memref_slice %arg2[%dma_wait3A_227, %dma_wait3A_228] : memref<320000x128xf32, #tpu.memory_space<hbm>> -> memref<80x128xf32, #tpu.memory_space<hbm>>
            %dma_wait3A_230 = arith.constant 0 : i32
            %dma_wait3A_231 = arith.constant 0 : i32
            %dma_wait3A_232 = tpu.memref_slice %arg2[%dma_wait3A_230, %dma_wait3A_231] : memref<320000x128xf32, #tpu.memory_space<hbm>> -> memref<80x128xf32, #tpu.memory_space<hbm>>
            tpu.wait_dma2 semaphore(%arg20 : memref<!tpu.dma_semaphore, #tpu.memory_space<semaphore_mem>>) src(%dma_wait3A_232 : memref<80x128xf32, #tpu.memory_space<hbm>>) dst(%arg9 : memref<80x128xf32, #tpu.memory_space<vmem>>)
            %swap3A_233 = arith.constant 0 : i32
            %swap3A_234 = arith.constant 0 : i32
            %swap3A_235 = arith.index_cast %swap3A_234 : i32 to index
            %swap3A_236 = memref.load %arg17[%swap3A_235] : memref<4xi32, #tpu.memory_space<smem>>
            memref.store %swap3A_233, %arg17[%swap3A_235] : memref<4xi32, #tpu.memory_space<smem>>
          } else {
          }
          %mul3A_215 = arith.constant 80 : i32
          %mul3A_216 = arith.muli %add3A_153, %mul3A_215 : i32
          %dma_start3A_217 = arith.constant 0 : i32
          %dma_start3A_218 = tpu.memref_slice %arg2[%mul3A_216, %dma_start3A_217] : memref<320000x128xf32, #tpu.memory_space<hbm>> -> memref<80x128xf32, #tpu.memory_space<hbm>>
          %dma_start3A_219 = arith.constant 0 : i32
          %dma_start3A_220 = tpu.memref_slice %arg2[%mul3A_216, %dma_start3A_219] : memref<320000x128xf32, #tpu.memory_space<hbm>> -> memref<80x128xf32, #tpu.memory_space<hbm>>
          tpu.enqueue_dma source(%dma_start3A_220 : memref<80x128xf32, #tpu.memory_space<hbm>>) target(%arg7 : memref<80x128xf32, #tpu.memory_space<vmem>>) target_semaphore(%arg22 : memref<!tpu.dma_semaphore, #tpu.memory_space<semaphore_mem>>)
        } else {
        }
      } else {
      }
      %lt3A_159 = arith.constant 4000 : i32
      %lt3A_160 = arith.cmpi slt, %add3A_151, %lt3A_159 : i32
      %get3A_161 = arith.constant 3 : i32
      %get3A_162 = arith.index_cast %get3A_161 : i32 to index
      %get3A_163 = memref.load %arg17[%get3A_162] : memref<4xi32, #tpu.memory_space<smem>>
      %eq3A_164 = arith.constant 1 : i32
      %eq3A_165 = arith.cmpi eq, %get3A_163, %eq3A_164 : i32
      %and3A_166 = arith.andi %lt3A_160, %eq3A_165 : i1
      %convert_element_type3A_167 = arith.extui %and3A_166 : i1 to i32
      %cond3A_168 = arith.constant 0 : i32
      %cond3A_169 = arith.cmpi ne, %convert_element_type3A_167, %cond3A_168 : i32
      scf.if %cond3A_169 {
        %dma_wait3A_177 = arith.constant 0 : i32
        %dma_wait3A_178 = arith.constant 0 : i32
        %dma_wait3A_179 = tpu.memref_slice %arg2[%dma_wait3A_177, %dma_wait3A_178] : memref<320000x128xf32, #tpu.memory_space<hbm>> -> memref<80x128xf32, #tpu.memory_space<hbm>>
        %dma_wait3A_180 = arith.constant 0 : i32
        %dma_wait3A_181 = arith.constant 0 : i32
        %dma_wait3A_182 = tpu.memref_slice %arg2[%dma_wait3A_180, %dma_wait3A_181] : memref<320000x128xf32, #tpu.memory_space<hbm>> -> memref<80x128xf32, #tpu.memory_space<hbm>>
        tpu.wait_dma2 semaphore(%arg23 : memref<!tpu.dma_semaphore, #tpu.memory_space<semaphore_mem>>) src(%dma_wait3A_182 : memref<80x128xf32, #tpu.memory_space<hbm>>) dst(%arg8 : memref<80x128xf32, #tpu.memory_space<vmem>>)
        %get3A_183 = arith.constant 0 : index
        %get3A_184 = tpu.vector_load %arg12[%get3A_183] {strides = array<i32>} : memref<80xi32, #tpu.memory_space<vmem>>, vector<16xi32>,
        %eq3A_185 = arith.constant 0 : i32
        %eq3A_186 = arith.cmpi eq, %arg0, %eq3A_185 : i32
        %min3A = arith.constant 5000 : i32
        %min3A_187 = vector.broadcast %min3A : i32 to vector<16xi32>
        %min3A_188 = arith.minsi %get3A_184, %min3A_187 : vector<16xi32>
        %sub3A = arith.constant 4999 : i32
        %sub3A_189 = vector.broadcast %sub3A : i32 to vector<16xi32>
        %sub3A_190 = arith.subi %get3A_184, %sub3A_189 : vector<16xi32>
        %max3A = arith.constant 0 : i32
        %max3A_191 = vector.broadcast %max3A : i32 to vector<16xi32>
        %max3A_192 = arith.maxsi %sub3A_190, %max3A_191 : vector<16xi32>
        %select_n3A_193 = arith.select %eq3A_186, %min3A_188, %max3A_192 : vector<16xi32>
        %swap3A_194 = arith.constant 0 : i32
        %swap3A_195 = arith.index_cast %swap3A_194 : i32 to index
        %swap3A_196 = arith.constant 0 : index
        %swap3A_197 = tpu.vector_load %arg14[%swap3A_195, %swap3A_196] {strides = array<i32>} : memref<1x80xi32, #tpu.memory_space<vmem>>, vector<16xi32>,
        tpu.vector_store %arg14[%swap3A_195, %swap3A_196], %select_n3A_193 {strides = array<i32>} : memref<1x80xi32, #tpu.memory_space<vmem>>, vector<16xi32>,
        %shift_right_arithmetic3A = arith.constant 7 : i32
        %shift_right_arithmetic3A_198 = vector.broadcast %shift_right_arithmetic3A : i32 to vector<16xi32>
        %shift_right_arithmetic3A_199 = arith.shrsi %select_n3A_193, %shift_right_arithmetic3A_198 : vector<16xi32>
        %and3A_200 = arith.constant 127 : i32
        %and3A_201 = vector.broadcast %and3A_200 : i32 to vector<16xi32>
        %and3A_202 = arith.andi %select_n3A_193, %and3A_201 : vector<16xi32>
        %broadcast_in_dim3A = arith.constant 1.000000e+00 : f32
        %broadcast_in_dim3A_203 = vector.broadcast %broadcast_in_dim3A : f32 to vector<16xf32>
        tpu.vector_store_idx %arg15[%shift_right_arithmetic3A_199, %and3A_202], %broadcast_in_dim3A_203 {add = true} : memref<48x128xf32, #tpu.memory_space<vmem>>[vector<16xi32>, vector<16xi32>], vector<16xf32>,
        %get3A_204 = arith.constant 16 : index
        %get3A_205 = tpu.vector_load %arg12[%get3A_204] {strides = array<i32>} : memref<80xi32, #tpu.memory_space<vmem>>, vector<16xi32>,
        %eq3A_206 = arith.constant 0 : i32
        %eq3A_207 = arith.cmpi eq, %arg0, %eq3A_206 : i32
        %min3A_208 = arith.constant 5000 : i32
        %min3A_209 = vector.broadcast %min3A_208 : i32 to vector<16xi32>
        %min3A_210 = arith.minsi %get3A_205, %min3A_209 : vector<16xi32>
        %sub3A_211 = arith.constant 4999 : i32
        %sub3A_212 = vector.broadcast %sub3A_211 : i32 to vector<16xi32>
        %sub3A_213 = arith.subi %get3A_205, %sub3A_212 : vector<16xi32>
        %max3A_214 = arith.constant 0 : i32
        %max3A_215 = vector.broadcast %max3A_214 : i32 to vector<16xi32>
        %max3A_216 = arith.maxsi %sub3A_213, %max3A_215 : vector<16xi32>
        %select_n3A_217 = arith.select %eq3A_207, %min3A_210, %max3A_216 : vector<16xi32>
        %swap3A_218 = arith.constant 0 : i32
        %swap3A_219 = arith.index_cast %swap3A_218 : i32 to index
        %swap3A_220 = arith.constant 16 : index
        %swap3A_221 = tpu.vector_load %arg14[%swap3A_219, %swap3A_220] {strides = array<i32>} : memref<1x80xi32, #tpu.memory_space<vmem>>, vector<16xi32>,
        tpu.vector_store %arg14[%swap3A_219, %swap3A_220], %select_n3A_217 {strides = array<i32>} : memref<1x80xi32, #tpu.memory_space<vmem>>, vector<16xi32>,
        %shift_right_arithmetic3A_222 = arith.constant 7 : i32
        %shift_right_arithmetic3A_223 = vector.broadcast %shift_right_arithmetic3A_222 : i32 to vector<16xi32>
        %shift_right_arithmetic3A_224 = arith.shrsi %select_n3A_217, %shift_right_arithmetic3A_223 : vector<16xi32>
        %and3A_225 = arith.constant 127 : i32
        %and3A_226 = vector.broadcast %and3A_225 : i32 to vector<16xi32>
        %and3A_227 = arith.andi %select_n3A_217, %and3A_226 : vector<16xi32>
        %broadcast_in_dim3A_228 = arith.constant 1.000000e+00 : f32
        %broadcast_in_dim3A_229 = vector.broadcast %broadcast_in_dim3A_228 : f32 to vector<16xf32>
        tpu.vector_store_idx %arg15[%shift_right_arithmetic3A_224, %and3A_227], %broadcast_in_dim3A_229 {add = true} : memref<48x128xf32, #tpu.memory_space<vmem>>[vector<16xi32>, vector<16xi32>], vector<16xf32>,
        %get3A_230 = arith.constant 32 : index
        %get3A_231 = tpu.vector_load %arg12[%get3A_230] {strides = array<i32>} : memref<80xi32, #tpu.memory_space<vmem>>, vector<16xi32>,
        %eq3A_232 = arith.constant 0 : i32
        %eq3A_233 = arith.cmpi eq, %arg0, %eq3A_232 : i32
        %min3A_234 = arith.constant 5000 : i32
        %min3A_235 = vector.broadcast %min3A_234 : i32 to vector<16xi32>
        %min3A_236 = arith.minsi %get3A_231, %min3A_235 : vector<16xi32>
        %sub3A_237 = arith.constant 4999 : i32
        %sub3A_238 = vector.broadcast %sub3A_237 : i32 to vector<16xi32>
        %sub3A_239 = arith.subi %get3A_231, %sub3A_238 : vector<16xi32>
        %max3A_240 = arith.constant 0 : i32
        %max3A_241 = vector.broadcast %max3A_240 : i32 to vector<16xi32>
        %max3A_242 = arith.maxsi %sub3A_239, %max3A_241 : vector<16xi32>
        %select_n3A_243 = arith.select %eq3A_233, %min3A_236, %max3A_242 : vector<16xi32>
        %swap3A_244 = arith.constant 0 : i32
        %swap3A_245 = arith.index_cast %swap3A_244 : i32 to index
        %swap3A_246 = arith.constant 32 : index
        %swap3A_247 = tpu.vector_load %arg14[%swap3A_245, %swap3A_246] {strides = array<i32>} : memref<1x80xi32, #tpu.memory_space<vmem>>, vector<16xi32>,
        tpu.vector_store %arg14[%swap3A_245, %swap3A_246], %select_n3A_243 {strides = array<i32>} : memref<1x80xi32, #tpu.memory_space<vmem>>, vector<16xi32>,
        %shift_right_arithmetic3A_248 = arith.constant 7 : i32
        %shift_right_arithmetic3A_249 = vector.broadcast %shift_right_arithmetic3A_248 : i32 to vector<16xi32>
        %shift_right_arithmetic3A_250 = arith.shrsi %select_n3A_243, %shift_right_arithmetic3A_249 : vector<16xi32>
        %and3A_251 = arith.constant 127 : i32
        %and3A_252 = vector.broadcast %and3A_251 : i32 to vector<16xi32>
        %and3A_253 = arith.andi %select_n3A_243, %and3A_252 : vector<16xi32>
        %broadcast_in_dim3A_254 = arith.constant 1.000000e+00 : f32
        %broadcast_in_dim3A_255 = vector.broadcast %broadcast_in_dim3A_254 : f32 to vector<16xf32>
        tpu.vector_store_idx %arg15[%shift_right_arithmetic3A_250, %and3A_253], %broadcast_in_dim3A_255 {add = true} : memref<48x128xf32, #tpu.memory_space<vmem>>[vector<16xi32>, vector<16xi32>], vector<16xf32>,
        %get3A_256 = arith.constant 48 : index
        %get3A_257 = tpu.vector_load %arg12[%get3A_256] {strides = array<i32>} : memref<80xi32, #tpu.memory_space<vmem>>, vector<16xi32>,
        %eq3A_258 = arith.constant 0 : i32
        %eq3A_259 = arith.cmpi eq, %arg0, %eq3A_258 : i32
        %min3A_260 = arith.constant 5000 : i32
        %min3A_261 = vector.broadcast %min3A_260 : i32 to vector<16xi32>
        %min3A_262 = arith.minsi %get3A_257, %min3A_261 : vector<16xi32>
        %sub3A_263 = arith.constant 4999 : i32
        %sub3A_264 = vector.broadcast %sub3A_263 : i32 to vector<16xi32>
        %sub3A_265 = arith.subi %get3A_257, %sub3A_264 : vector<16xi32>
        %max3A_266 = arith.constant 0 : i32
        %max3A_267 = vector.broadcast %max3A_266 : i32 to vector<16xi32>
        %max3A_268 = arith.maxsi %sub3A_265, %max3A_267 : vector<16xi32>
        %select_n3A_269 = arith.select %eq3A_259, %min3A_262, %max3A_268 : vector<16xi32>
        %swap3A_270 = arith.constant 0 : i32
        %swap3A_271 = arith.index_cast %swap3A_270 : i32 to index
        %swap3A_272 = arith.constant 48 : index
        %swap3A_273 = tpu.vector_load %arg14[%swap3A_271, %swap3A_272] {strides = array<i32>} : memref<1x80xi32, #tpu.memory_space<vmem>>, vector<16xi32>,
        tpu.vector_store %arg14[%swap3A_271, %swap3A_272], %select_n3A_269 {strides = array<i32>} : memref<1x80xi32, #tpu.memory_space<vmem>>, vector<16xi32>,
        %shift_right_arithmetic3A_274 = arith.constant 7 : i32
        %shift_right_arithmetic3A_275 = vector.broadcast %shift_right_arithmetic3A_274 : i32 to vector<16xi32>
        %shift_right_arithmetic3A_276 = arith.shrsi %select_n3A_269, %shift_right_arithmetic3A_275 : vector<16xi32>
        %and3A_277 = arith.constant 127 : i32
        %and3A_278 = vector.broadcast %and3A_277 : i32 to vector<16xi32>
        %and3A_279 = arith.andi %select_n3A_269, %and3A_278 : vector<16xi32>
        %broadcast_in_dim3A_280 = arith.constant 1.000000e+00 : f32
        %broadcast_in_dim3A_281 = vector.broadcast %broadcast_in_dim3A_280 : f32 to vector<16xf32>
        tpu.vector_store_idx %arg15[%shift_right_arithmetic3A_276, %and3A_279], %broadcast_in_dim3A_281 {add = true} : memref<48x128xf32, #tpu.memory_space<vmem>>[vector<16xi32>, vector<16xi32>], vector<16xf32>,
        %get3A_282 = arith.constant 64 : index
        %get3A_283 = tpu.vector_load %arg12[%get3A_282] {strides = array<i32>} : memref<80xi32, #tpu.memory_space<vmem>>, vector<16xi32>,
        %eq3A_284 = arith.constant 0 : i32
        %eq3A_285 = arith.cmpi eq, %arg0, %eq3A_284 : i32
        %min3A_286 = arith.constant 5000 : i32
        %min3A_287 = vector.broadcast %min3A_286 : i32 to vector<16xi32>
        %min3A_288 = arith.minsi %get3A_283, %min3A_287 : vector<16xi32>
        %sub3A_289 = arith.constant 4999 : i32
        %sub3A_290 = vector.broadcast %sub3A_289 : i32 to vector<16xi32>
        %sub3A_291 = arith.subi %get3A_283, %sub3A_290 : vector<16xi32>
        %max3A_292 = arith.constant 0 : i32
        %max3A_293 = vector.broadcast %max3A_292 : i32 to vector<16xi32>
        %max3A_294 = arith.maxsi %sub3A_291, %max3A_293 : vector<16xi32>
        %select_n3A_295 = arith.select %eq3A_285, %min3A_288, %max3A_294 : vector<16xi32>
        %swap3A_296 = arith.constant 0 : i32
        %swap3A_297 = arith.index_cast %swap3A_296 : i32 to index
        %swap3A_298 = arith.constant 64 : index
        %swap3A_299 = tpu.vector_load %arg14[%swap3A_297, %swap3A_298] {strides = array<i32>} : memref<1x80xi32, #tpu.memory_space<vmem>>, vector<16xi32>,
        tpu.vector_store %arg14[%swap3A_297, %swap3A_298], %select_n3A_295 {strides = array<i32>} : memref<1x80xi32, #tpu.memory_space<vmem>>, vector<16xi32>,
        %shift_right_arithmetic3A_300 = arith.constant 7 : i32
        %shift_right_arithmetic3A_301 = vector.broadcast %shift_right_arithmetic3A_300 : i32 to vector<16xi32>
        %shift_right_arithmetic3A_302 = arith.shrsi %select_n3A_295, %shift_right_arithmetic3A_301 : vector<16xi32>
        %and3A_303 = arith.constant 127 : i32
        %and3A_304 = vector.broadcast %and3A_303 : i32 to vector<16xi32>
        %and3A_305 = arith.andi %select_n3A_295, %and3A_304 : vector<16xi32>
        %broadcast_in_dim3A_306 = arith.constant 1.000000e+00 : f32
        %broadcast_in_dim3A_307 = vector.broadcast %broadcast_in_dim3A_306 : f32 to vector<16xf32>
        tpu.vector_store_idx %arg15[%shift_right_arithmetic3A_302, %and3A_305], %broadcast_in_dim3A_307 {add = true} : memref<48x128xf32, #tpu.memory_space<vmem>>[vector<16xi32>, vector<16xi32>], vector<16xf32>,
        %dma_start3A_308 = arith.constant 0 : i32
        %dma_start3A_309 = arith.constant 0 : i32
        %dma_start3A_310 = tpu.memref_slice %arg14[%dma_start3A_308, %dma_start3A_309] : memref<1x80xi32, #tpu.memory_space<vmem>> -> memref<1x80xi32, #tpu.memory_space<vmem>>
        %dma_start3A_311 = tpu.memref_squeeze %dma_start3A_310 : memref<1x80xi32, #tpu.memory_space<vmem>> -> memref<80xi32, #tpu.memory_space<vmem>>
        %dma_start3A_312 = arith.constant 0 : i32
        %dma_start3A_313 = arith.constant 0 : i32
        %dma_start3A_314 = tpu.memref_slice %arg24[%dma_start3A_312, %dma_start3A_313] : memref<5120x128xf32, #tpu.memory_space<vmem_shared>> -> memref<5120x128xf32, #tpu.memory_space<vmem_shared>>
        tpu.enqueue_indirect_dma source(%arg8 : memref<80x128xf32, #tpu.memory_space<vmem>>) target(%dma_start3A_314 : memref<5120x128xf32, #tpu.memory_space<vmem_shared>>) offsets(%dma_start3A_311 : memref<80xi32, #tpu.memory_space<vmem>>) semaphore(%arg21 : memref<!tpu.dma_semaphore, #tpu.memory_space<semaphore_mem>>) {add = true}
        %parallel_loop3A = arith.constant 0 : i32
        %parallel_loop3A_315 = arith.constant 80 : i32
        %parallel_loop3A_316 = arith.constant 1 : i32
        scf.for %parallel_loop3A_328 = %parallel_loop3A to %parallel_loop3A_315 step %parallel_loop3A_316  : i32 {
          %parallel_loop3A_329 = arith.index_cast %parallel_loop3A_328 : i32 to index
          %parallel_loop3A_330 = arith.constant 0 : index
          %parallel_loop3A_331 = tpu.vector_load %arg8[%parallel_loop3A_329, %parallel_loop3A_330] {strides = array<i32>} : memref<80x128xf32, #tpu.memory_space<vmem>>, vector<16xf32>,
          %parallel_loop3A_332 = arith.mulf %parallel_loop3A_331, %parallel_loop3A_331 : vector<16xf32>
          %parallel_loop3A_333 = arith.index_cast %parallel_loop3A_328 : i32 to index
          %parallel_loop3A_334 = arith.constant 0 : index
          %parallel_loop3A_335 = tpu.vector_load %arg10[%parallel_loop3A_333, %parallel_loop3A_334] {strides = array<i32>} : memref<80x128xf32, #tpu.memory_space<vmem>>, vector<16xf32>,
          tpu.vector_store %arg10[%parallel_loop3A_333, %parallel_loop3A_334], %parallel_loop3A_332 {strides = array<i32>} : memref<80x128xf32, #tpu.memory_space<vmem>>, vector<16xf32>,
          %parallel_loop3A_336 = arith.index_cast %parallel_loop3A_328 : i32 to index
          %parallel_loop3A_337 = arith.constant 16 : index
          %parallel_loop3A_338 = tpu.vector_load %arg8[%parallel_loop3A_336, %parallel_loop3A_337] {strides = array<i32>} : memref<80x128xf32, #tpu.memory_space<vmem>>, vector<16xf32>,
          %parallel_loop3A_339 = arith.mulf %parallel_loop3A_338, %parallel_loop3A_338 : vector<16xf32>
          %parallel_loop3A_340 = arith.index_cast %parallel_loop3A_328 : i32 to index
          %parallel_loop3A_341 = arith.constant 16 : index
          %parallel_loop3A_342 = tpu.vector_load %arg10[%parallel_loop3A_340, %parallel_loop3A_341] {strides = array<i32>} : memref<80x128xf32, #tpu.memory_space<vmem>>, vector<16xf32>,
          tpu.vector_store %arg10[%parallel_loop3A_340, %parallel_loop3A_341], %parallel_loop3A_339 {strides = array<i32>} : memref<80x128xf32, #tpu.memory_space<vmem>>, vector<16xf32>,
          %parallel_loop3A_343 = arith.index_cast %parallel_loop3A_328 : i32 to index
          %parallel_loop3A_344 = arith.constant 32 : index
          %parallel_loop3A_345 = tpu.vector_load %arg8[%parallel_loop3A_343, %parallel_loop3A_344] {strides = array<i32>} : memref<80x128xf32, #tpu.memory_space<vmem>>, vector<16xf32>,
          %parallel_loop3A_346 = arith.mulf %parallel_loop3A_345, %parallel_loop3A_345 : vector<16xf32>
          %parallel_loop3A_347 = arith.index_cast %parallel_loop3A_328 : i32 to index
          %parallel_loop3A_348 = arith.constant 32 : index
          %parallel_loop3A_349 = tpu.vector_load %arg10[%parallel_loop3A_347, %parallel_loop3A_348] {strides = array<i32>} : memref<80x128xf32, #tpu.memory_space<vmem>>, vector<16xf32>,
          tpu.vector_store %arg10[%parallel_loop3A_347, %parallel_loop3A_348], %parallel_loop3A_346 {strides = array<i32>} : memref<80x128xf32, #tpu.memory_space<vmem>>, vector<16xf32>,
          %parallel_loop3A_350 = arith.index_cast %parallel_loop3A_328 : i32 to index
          %parallel_loop3A_351 = arith.constant 48 : index
          %parallel_loop3A_352 = tpu.vector_load %arg8[%parallel_loop3A_350, %parallel_loop3A_351] {strides = array<i32>} : memref<80x128xf32, #tpu.memory_space<vmem>>, vector<16xf32>,
          %parallel_loop3A_353 = arith.mulf %parallel_loop3A_352, %parallel_loop3A_352 : vector<16xf32>
          %parallel_loop3A_354 = arith.index_cast %parallel_loop3A_328 : i32 to index
          %parallel_loop3A_355 = arith.constant 48 : index
          %parallel_loop3A_356 = tpu.vector_load %arg10[%parallel_loop3A_354, %parallel_loop3A_355] {strides = array<i32>} : memref<80x128xf32, #tpu.memory_space<vmem>>, vector<16xf32>,
          tpu.vector_store %arg10[%parallel_loop3A_354, %parallel_loop3A_355], %parallel_loop3A_353 {strides = array<i32>} : memref<80x128xf32, #tpu.memory_space<vmem>>, vector<16xf32>,
          %parallel_loop3A_357 = arith.index_cast %parallel_loop3A_328 : i32 to index
          %parallel_loop3A_358 = arith.constant 64 : index
          %parallel_loop3A_359 = tpu.vector_load %arg8[%parallel_loop3A_357, %parallel_loop3A_358] {strides = array<i32>} : memref<80x128xf32, #tpu.memory_space<vmem>>, vector<16xf32>,
          %parallel_loop3A_360 = arith.mulf %parallel_loop3A_359, %parallel_loop3A_359 : vector<16xf32>
          %parallel_loop3A_361 = arith.index_cast %parallel_loop3A_328 : i32 to index
          %parallel_loop3A_362 = arith.constant 64 : index
          %parallel_loop3A_363 = tpu.vector_load %arg10[%parallel_loop3A_361, %parallel_loop3A_362] {strides = array<i32>} : memref<80x128xf32, #tpu.memory_space<vmem>>, vector<16xf32>,
          tpu.vector_store %arg10[%parallel_loop3A_361, %parallel_loop3A_362], %parallel_loop3A_360 {strides = array<i32>} : memref<80x128xf32, #tpu.memory_space<vmem>>, vector<16xf32>,
          %parallel_loop3A_364 = arith.index_cast %parallel_loop3A_328 : i32 to index
          %parallel_loop3A_365 = arith.constant 80 : index
          %parallel_loop3A_366 = tpu.vector_load %arg8[%parallel_loop3A_364, %parallel_loop3A_365] {strides = array<i32>} : memref<80x128xf32, #tpu.memory_space<vmem>>, vector<16xf32>,
          %parallel_loop3A_367 = arith.mulf %parallel_loop3A_366, %parallel_loop3A_366 : vector<16xf32>
          %parallel_loop3A_368 = arith.index_cast %parallel_loop3A_328 : i32 to index
          %parallel_loop3A_369 = arith.constant 80 : index
          %parallel_loop3A_370 = tpu.vector_load %arg10[%parallel_loop3A_368, %parallel_loop3A_369] {strides = array<i32>} : memref<80x128xf32, #tpu.memory_space<vmem>>, vector<16xf32>,
          tpu.vector_store %arg10[%parallel_loop3A_368, %parallel_loop3A_369], %parallel_loop3A_367 {strides = array<i32>} : memref<80x128xf32, #tpu.memory_space<vmem>>, vector<16xf32>,
          %parallel_loop3A_371 = arith.index_cast %parallel_loop3A_328 : i32 to index
          %parallel_loop3A_372 = arith.constant 96 : index
          %parallel_loop3A_373 = tpu.vector_load %arg8[%parallel_loop3A_371, %parallel_loop3A_372] {strides = array<i32>} : memref<80x128xf32, #tpu.memory_space<vmem>>, vector<16xf32>,
          %parallel_loop3A_374 = arith.mulf %parallel_loop3A_373, %parallel_loop3A_373 : vector<16xf32>
          %parallel_loop3A_375 = arith.index_cast %parallel_loop3A_328 : i32 to index
          %parallel_loop3A_376 = arith.constant 96 : index
          %parallel_loop3A_377 = tpu.vector_load %arg10[%parallel_loop3A_375, %parallel_loop3A_376] {strides = array<i32>} : memref<80x128xf32, #tpu.memory_space<vmem>>, vector<16xf32>,
          tpu.vector_store %arg10[%parallel_loop3A_375, %parallel_loop3A_376], %parallel_loop3A_374 {strides = array<i32>} : memref<80x128xf32, #tpu.memory_space<vmem>>, vector<16xf32>,
          %parallel_loop3A_378 = arith.index_cast %parallel_loop3A_328 : i32 to index
          %parallel_loop3A_379 = arith.constant 112 : index
          %parallel_loop3A_380 = tpu.vector_load %arg8[%parallel_loop3A_378, %parallel_loop3A_379] {strides = array<i32>} : memref<80x128xf32, #tpu.memory_space<vmem>>, vector<16xf32>,
          %parallel_loop3A_381 = arith.mulf %parallel_loop3A_380, %parallel_loop3A_380 : vector<16xf32>
          %parallel_loop3A_382 = arith.index_cast %parallel_loop3A_328 : i32 to index
          %parallel_loop3A_383 = arith.constant 112 : index
          %parallel_loop3A_384 = tpu.vector_load %arg10[%parallel_loop3A_382, %parallel_loop3A_383] {strides = array<i32>} : memref<80x128xf32, #tpu.memory_space<vmem>>, vector<16xf32>,
          tpu.vector_store %arg10[%parallel_loop3A_382, %parallel_loop3A_383], %parallel_loop3A_381 {strides = array<i32>} : memref<80x128xf32, #tpu.memory_space<vmem>>, vector<16xf32>,
        } {sc.loop_unroll_factor = 8 : i64, sc.parallel_access}
        %dma_start3A_317 = arith.constant 0 : i32
        %dma_start3A_318 = arith.constant 0 : i32
        %dma_start3A_319 = tpu.memref_slice %arg14[%dma_start3A_317, %dma_start3A_318] : memref<1x80xi32, #tpu.memory_space<vmem>> -> memref<1x80xi32, #tpu.memory_space<vmem>>
        %dma_start3A_320 = tpu.memref_squeeze %dma_start3A_319 : memref<1x80xi32, #tpu.memory_space<vmem>> -> memref<80xi32, #tpu.memory_space<vmem>>
        %dma_start3A_321 = arith.constant 0 : i32
        %dma_start3A_322 = arith.constant 0 : i32
        %dma_start3A_323 = tpu.memref_slice %arg25[%dma_start3A_321, %dma_start3A_322] : memref<5120x128xf32, #tpu.memory_space<vmem_shared>> -> memref<5120x128xf32, #tpu.memory_space<vmem_shared>>
        tpu.enqueue_indirect_dma source(%arg10 : memref<80x128xf32, #tpu.memory_space<vmem>>) target(%dma_start3A_323 : memref<5120x128xf32, #tpu.memory_space<vmem_shared>>) offsets(%dma_start3A_320 : memref<80xi32, #tpu.memory_space<vmem>>) semaphore(%arg21 : memref<!tpu.dma_semaphore, #tpu.memory_space<semaphore_mem>>) {add = true}
        %swap3A_324 = arith.constant 1 : i32
        %swap3A_325 = arith.constant 1 : i32
        %swap3A_326 = arith.index_cast %swap3A_325 : i32 to index
        %swap3A_327 = memref.load %arg17[%swap3A_326] : memref<4xi32, #tpu.memory_space<smem>>
        memref.store %swap3A_324, %arg17[%swap3A_326] : memref<4xi32, #tpu.memory_space<smem>>
      } else {
      }
      %add3A_170 = arith.constant 32 : i32
      %add3A_171 = arith.addi %add3A_151, %add3A_170 : i32
      %lt3A_172 = arith.constant 4000 : i32
      %lt3A_173 = arith.cmpi slt, %add3A_171, %lt3A_172 : i32
      %convert_element_type3A_174 = arith.extui %lt3A_173 : i1 to i32
      %cond3A_175 = arith.constant 0 : i32
      %cond3A_176 = arith.cmpi ne, %convert_element_type3A_174, %cond3A_175 : i32
      scf.if %cond3A_176 {
        %add3A_177 = arith.constant 32 : i32
        %add3A_178 = arith.addi %add3A_151, %add3A_177 : i32
        %mul3A_179 = arith.constant 80 : i32
        %mul3A_180 = arith.muli %add3A_178, %mul3A_179 : i32
        %dma_start3A_181 = tpu.memref_slice %arg3[%mul3A_180] : memref<320000xi32, #tpu.memory_space<hbm>> -> memref<80xi32, #tpu.memory_space<hbm>>
        %dma_start3A_182 = tpu.memref_slice %arg3[%mul3A_180] : memref<320000xi32, #tpu.memory_space<hbm>> -> memref<80xi32, #tpu.memory_space<hbm>>
        tpu.enqueue_dma source(%dma_start3A_182 : memref<80xi32, #tpu.memory_space<hbm>>) target(%arg12 : memref<80xi32, #tpu.memory_space<vmem>>) target_semaphore(%arg19 : memref<!tpu.dma_semaphore, #tpu.memory_space<semaphore_mem>>)
      } else {
      }
    }
    %scan3A_77 = arith.constant 125 : i32
    %get3A_78 = arith.constant 0 : i32
    %get3A_79 = arith.index_cast %get3A_78 : i32 to index
    %get3A_80 = memref.load %arg17[%get3A_79] : memref<4xi32, #tpu.memory_space<smem>>
    %eq3A_81 = arith.constant 1 : i32
    %eq3A_82 = arith.cmpi eq, %get3A_80, %eq3A_81 : i32
    %convert_element_type3A_83 = arith.extui %eq3A_82 : i1 to i32
    %cond3A_84 = arith.constant 0 : i32
    %cond3A_85 = arith.cmpi ne, %convert_element_type3A_83, %cond3A_84 : i32
    scf.if %cond3A_85 {
      %dma_wait3A_109 = arith.constant 0 : i32
      %dma_wait3A_110 = arith.constant 0 : i32
      %dma_wait3A_111 = tpu.memref_slice %arg2[%dma_wait3A_109, %dma_wait3A_110] : memref<320000x128xf32, #tpu.memory_space<hbm>> -> memref<80x128xf32, #tpu.memory_space<hbm>>
      %dma_wait3A_112 = arith.constant 0 : i32
      %dma_wait3A_113 = arith.constant 0 : i32
      %dma_wait3A_114 = tpu.memref_slice %arg2[%dma_wait3A_112, %dma_wait3A_113] : memref<320000x128xf32, #tpu.memory_space<hbm>> -> memref<80x128xf32, #tpu.memory_space<hbm>>
      tpu.wait_dma2 semaphore(%arg20 : memref<!tpu.dma_semaphore, #tpu.memory_space<semaphore_mem>>) src(%dma_wait3A_114 : memref<80x128xf32, #tpu.memory_space<hbm>>) dst(%arg7 : memref<80x128xf32, #tpu.memory_space<vmem>>)
      %dma_wait3A_115 = arith.constant 0 : i32
      %dma_wait3A_116 = arith.constant 0 : i32
      %dma_wait3A_117 = tpu.memref_slice %arg2[%dma_wait3A_115, %dma_wait3A_116] : memref<320000x128xf32, #tpu.memory_space<hbm>> -> memref<80x128xf32, #tpu.memory_space<hbm>>
      %dma_wait3A_118 = arith.constant 0 : i32
      %dma_wait3A_119 = arith.constant 0 : i32
      %dma_wait3A_120 = tpu.memref_slice %arg2[%dma_wait3A_118, %dma_wait3A_119] : memref<320000x128xf32, #tpu.memory_space<hbm>> -> memref<80x128xf32, #tpu.memory_space<hbm>>
      tpu.wait_dma2 semaphore(%arg20 : memref<!tpu.dma_semaphore, #tpu.memory_space<semaphore_mem>>) src(%dma_wait3A_120 : memref<80x128xf32, #tpu.memory_space<hbm>>) dst(%arg9 : memref<80x128xf32, #tpu.memory_space<vmem>>)
    } else {
    }
    %get3A_86 = arith.constant 1 : i32
    %get3A_87 = arith.index_cast %get3A_86 : i32 to index
    %get3A_88 = memref.load %arg17[%get3A_87] : memref<4xi32, #tpu.memory_space<smem>>
    %eq3A_89 = arith.constant 1 : i32
    %eq3A_90 = arith.cmpi eq, %get3A_88, %eq3A_89 : i32
    %convert_element_type3A_91 = arith.extui %eq3A_90 : i1 to i32
    %cond3A_92 = arith.constant 0 : i32
    %cond3A_93 = arith.cmpi ne, %convert_element_type3A_91, %cond3A_92 : i32
    scf.if %cond3A_93 {
      %dma_wait3A_109 = arith.constant 0 : i32
      %dma_wait3A_110 = arith.constant 0 : i32
      %dma_wait3A_111 = tpu.memref_slice %arg2[%dma_wait3A_109, %dma_wait3A_110] : memref<320000x128xf32, #tpu.memory_space<hbm>> -> memref<80x128xf32, #tpu.memory_space<hbm>>
      %dma_wait3A_112 = arith.constant 0 : i32
      %dma_wait3A_113 = arith.constant 0 : i32
      %dma_wait3A_114 = tpu.memref_slice %arg2[%dma_wait3A_112, %dma_wait3A_113] : memref<320000x128xf32, #tpu.memory_space<hbm>> -> memref<80x128xf32, #tpu.memory_space<hbm>>
      tpu.wait_dma2 semaphore(%arg21 : memref<!tpu.dma_semaphore, #tpu.memory_space<semaphore_mem>>) src(%dma_wait3A_114 : memref<80x128xf32, #tpu.memory_space<hbm>>) dst(%arg8 : memref<80x128xf32, #tpu.memory_space<vmem>>)
      %dma_wait3A_115 = arith.constant 0 : i32
      %dma_wait3A_116 = arith.constant 0 : i32
      %dma_wait3A_117 = tpu.memref_slice %arg2[%dma_wait3A_115, %dma_wait3A_116] : memref<320000x128xf32, #tpu.memory_space<hbm>> -> memref<80x128xf32, #tpu.memory_space<hbm>>
      %dma_wait3A_118 = arith.constant 0 : i32
      %dma_wait3A_119 = arith.constant 0 : i32
      %dma_wait3A_120 = tpu.memref_slice %arg2[%dma_wait3A_118, %dma_wait3A_119] : memref<320000x128xf32, #tpu.memory_space<hbm>> -> memref<80x128xf32, #tpu.memory_space<hbm>>
      tpu.wait_dma2 semaphore(%arg21 : memref<!tpu.dma_semaphore, #tpu.memory_space<semaphore_mem>>) src(%dma_wait3A_120 : memref<80x128xf32, #tpu.memory_space<hbm>>) dst(%arg10 : memref<80x128xf32, #tpu.memory_space<vmem>>)
    } else {
    }
    %barrier3A_94 = arith.constant 0 : index
    tpu.barrier barrier_id(%barrier3A_94)
    "tpu.region"() ({
      %run_scoped3A = tpu.sem_alloc : memref<!tpu.dma_semaphore, #tpu.memory_space<semaphore_mem>>
      %dma_start3A_109 = arith.constant 0 : i32
      %dma_start3A_110 = arith.constant 0 : i32
      %dma_start3A_111 = tpu.memref_slice %arg26[%dma_start3A_109, %dma_start3A_110] : memref<48x128xf32, #tpu.memory_space<vmem_shared>> -> memref<48x128xf32, #tpu.memory_space<vmem_shared>>
      tpu.enqueue_indirect_dma source(%arg15 : memref<48x128xf32, #tpu.memory_space<vmem>>) target(%dma_start3A_111 : memref<48x128xf32, #tpu.memory_space<vmem_shared>>) offsets(%arg16 : memref<48xi32, #tpu.memory_space<vmem>>) semaphore(%run_scoped3A : memref<!tpu.dma_semaphore, #tpu.memory_space<semaphore_mem>>) {add = true}
      %dma_wait3A_112 = arith.constant 0 : i32
      %dma_wait3A_113 = arith.constant 0 : i32
      %dma_wait3A_114 = tpu.memref_slice %arg26[%dma_wait3A_112, %dma_wait3A_113] : memref<48x128xf32, #tpu.memory_space<vmem_shared>> -> memref<48x128xf32, #tpu.memory_space<vmem_shared>>
      tpu.wait_indirect_dma semaphore(%run_scoped3A : memref<!tpu.dma_semaphore, #tpu.memory_space<semaphore_mem>>) src(%arg15 : memref<48x128xf32, #tpu.memory_space<vmem>>) dst(%dma_wait3A_114 : memref<48x128xf32, #tpu.memory_space<vmem_shared>>)
      tpu.yield
    }) : () -> ()
    %barrier3A_95 = arith.constant 0 : index
    tpu.barrier barrier_id(%barrier3A_95)
    %add3A_96 = arith.constant 0 : i32
    %add3A_97 = arith.addi %mul3A_21, %add3A_96 : i32
    "tpu.region"() ({
      %run_scoped3A = tpu.sem_alloc : memref<!tpu.dma_semaphore, #tpu.memory_space<semaphore_mem>>
      %dma_start3A_109 = arith.constant 0 : i32
      %dma_start3A_110 = tpu.memref_slice %arg24[%add3A_97, %dma_start3A_109] : memref<5120x128xf32, #tpu.memory_space<vmem_shared>> -> memref<80x128xf32, #tpu.memory_space<vmem_shared>>
      %dma_start3A_111 = arith.constant 0 : i32
      %dma_start3A_112 = tpu.memref_slice %arg24[%add3A_97, %dma_start3A_111] : memref<5120x128xf32, #tpu.memory_space<vmem_shared>> -> memref<80x128xf32, #tpu.memory_space<vmem_shared>>
      tpu.enqueue_dma source(%dma_start3A_112 : memref<80x128xf32, #tpu.memory_space<vmem_shared>>) target(%arg7 : memref<80x128xf32, #tpu.memory_space<vmem>>) target_semaphore(%run_scoped3A : memref<!tpu.dma_semaphore, #tpu.memory_space<semaphore_mem>>)
      %dma_wait3A_113 = arith.constant 0 : i32
      %dma_wait3A_114 = tpu.memref_slice %arg24[%add3A_97, %dma_wait3A_113] : memref<5120x128xf32, #tpu.memory_space<vmem_shared>> -> memref<80x128xf32, #tpu.memory_space<vmem_shared>>
      %dma_wait3A_115 = arith.constant 0 : i32
      %dma_wait3A_116 = tpu.memref_slice %arg24[%add3A_97, %dma_wait3A_115] : memref<5120x128xf32, #tpu.memory_space<vmem_shared>> -> memref<80x128xf32, #tpu.memory_space<vmem_shared>>
      tpu.wait_dma2 semaphore(%run_scoped3A : memref<!tpu.dma_semaphore, #tpu.memory_space<semaphore_mem>>) src(%dma_wait3A_116 : memref<80x128xf32, #tpu.memory_space<vmem_shared>>) dst(%arg7 : memref<80x128xf32, #tpu.memory_space<vmem>>)
      tpu.yield
    }) : () -> ()
    "tpu.region"() ({
      %run_scoped3A = tpu.sem_alloc : memref<!tpu.dma_semaphore, #tpu.memory_space<semaphore_mem>>
      %dma_start3A_109 = arith.constant 0 : i32
      %dma_start3A_110 = tpu.memref_slice %arg4[%arg0, %add3A_97, %dma_start3A_109] : memref<2x5120x128xf32, #tpu.memory_space<hbm>> -> memref<1x80x128xf32, #tpu.memory_space<hbm>>
      %dma_start3A_111 = tpu.memref_squeeze %dma_start3A_110 : memref<1x80x128xf32, #tpu.memory_space<hbm>> -> memref<80x128xf32, #tpu.memory_space<hbm>>
      %dma_start3A_112 = arith.constant 0 : i32
      %dma_start3A_113 = tpu.memref_slice %arg4[%arg0, %add3A_97, %dma_start3A_112] : memref<2x5120x128xf32, #tpu.memory_space<hbm>> -> memref<1x80x128xf32, #tpu.memory_space<hbm>>
      %dma_start3A_114 = tpu.memref_squeeze %dma_start3A_113 : memref<1x80x128xf32, #tpu.memory_space<hbm>> -> memref<80x128xf32, #tpu.memory_space<hbm>>
      tpu.enqueue_dma source(%arg7 : memref<80x128xf32, #tpu.memory_space<vmem>>) target(%dma_start3A_114 : memref<80x128xf32, #tpu.memory_space<hbm>>) target_semaphore(%run_scoped3A : memref<!tpu.dma_semaphore, #tpu.memory_space<semaphore_mem>>)
      %dma_wait3A_115 = arith.constant 0 : i32
      %dma_wait3A_116 = tpu.memref_slice %arg4[%arg0, %add3A_97, %dma_wait3A_115] : memref<2x5120x128xf32, #tpu.memory_space<hbm>> -> memref<1x80x128xf32, #tpu.memory_space<hbm>>
      %dma_wait3A_117 = tpu.memref_squeeze %dma_wait3A_116 : memref<1x80x128xf32, #tpu.memory_space<hbm>> -> memref<80x128xf32, #tpu.memory_space<hbm>>
      %dma_wait3A_118 = arith.constant 0 : i32
      %dma_wait3A_119 = tpu.memref_slice %arg4[%arg0, %add3A_97, %dma_wait3A_118] : memref<2x5120x128xf32, #tpu.memory_space<hbm>> -> memref<1x80x128xf32, #tpu.memory_space<hbm>>
      %dma_wait3A_120 = tpu.memref_squeeze %dma_wait3A_119 : memref<1x80x128xf32, #tpu.memory_space<hbm>> -> memref<80x128xf32, #tpu.memory_space<hbm>>
      tpu.wait_dma2 semaphore(%run_scoped3A : memref<!tpu.dma_semaphore, #tpu.memory_space<semaphore_mem>>) src(%arg7 : memref<80x128xf32, #tpu.memory_space<vmem>>) dst(%dma_wait3A_120 : memref<80x128xf32, #tpu.memory_space<hbm>>)
      tpu.yield
    }) : () -> ()
    "tpu.region"() ({
      %run_scoped3A = tpu.sem_alloc : memref<!tpu.dma_semaphore, #tpu.memory_space<semaphore_mem>>
      %dma_start3A_109 = arith.constant 0 : i32
      %dma_start3A_110 = tpu.memref_slice %arg25[%add3A_97, %dma_start3A_109] : memref<5120x128xf32, #tpu.memory_space<vmem_shared>> -> memref<80x128xf32, #tpu.memory_space<vmem_shared>>
      %dma_start3A_111 = arith.constant 0 : i32
      %dma_start3A_112 = tpu.memref_slice %arg25[%add3A_97, %dma_start3A_111] : memref<5120x128xf32, #tpu.memory_space<vmem_shared>> -> memref<80x128xf32, #tpu.memory_space<vmem_shared>>
      tpu.enqueue_dma source(%dma_start3A_112 : memref<80x128xf32, #tpu.memory_space<vmem_shared>>) target(%arg8 : memref<80x128xf32, #tpu.memory_space<vmem>>) target_semaphore(%run_scoped3A : memref<!tpu.dma_semaphore, #tpu.memory_space<semaphore_mem>>)
      %dma_wait3A_113 = arith.constant 0 : i32
      %dma_wait3A_114 = tpu.memref_slice %arg25[%add3A_97, %dma_wait3A_113] : memref<5120x128xf32, #tpu.memory_space<vmem_shared>> -> memref<80x128xf32, #tpu.memory_space<vmem_shared>>
      %dma_wait3A_115 = arith.constant 0 : i32
      %dma_wait3A_116 = tpu.memref_slice %arg25[%add3A_97, %dma_wait3A_115] : memref<5120x128xf32, #tpu.memory_space<vmem_shared>> -> memref<80x128xf32, #tpu.memory_space<vmem_shared>>
      tpu.wait_dma2 semaphore(%run_scoped3A : memref<!tpu.dma_semaphore, #tpu.memory_space<semaphore_mem>>) src(%dma_wait3A_116 : memref<80x128xf32, #tpu.memory_space<vmem_shared>>) dst(%arg8 : memref<80x128xf32, #tpu.memory_space<vmem>>)
      tpu.yield
    }) : () -> ()
    "tpu.region"() ({
      %run_scoped3A = tpu.sem_alloc : memref<!tpu.dma_semaphore, #tpu.memory_space<semaphore_mem>>
      %dma_start3A_109 = arith.constant 0 : i32
      %dma_start3A_110 = tpu.memref_slice %arg5[%arg0, %add3A_97, %dma_start3A_109] : memref<2x5120x128xf32, #tpu.memory_space<hbm>> -> memref<1x80x128xf32, #tpu.memory_space<hbm>>
      %dma_start3A_111 = tpu.memref_squeeze %dma_start3A_110 : memref<1x80x128xf32, #tpu.memory_space<hbm>> -> memref<80x128xf32, #tpu.memory_space<hbm>>
      %dma_start3A_112 = arith.constant 0 : i32
      %dma_start3A_113 = tpu.memref_slice %arg5[%arg0, %add3A_97, %dma_start3A_112] : memref<2x5120x128xf32, #tpu.memory_space<hbm>> -> memref<1x80x128xf32, #tpu.memory_space<hbm>>
      %dma_start3A_114 = tpu.memref_squeeze %dma_start3A_113 : memref<1x80x128xf32, #tpu.memory_space<hbm>> -> memref<80x128xf32, #tpu.memory_space<hbm>>
      tpu.enqueue_dma source(%arg8 : memref<80x128xf32, #tpu.memory_space<vmem>>) target(%dma_start3A_114 : memref<80x128xf32, #tpu.memory_space<hbm>>) target_semaphore(%run_scoped3A : memref<!tpu.dma_semaphore, #tpu.memory_space<semaphore_mem>>)
      %dma_wait3A_115 = arith.constant 0 : i32
      %dma_wait3A_116 = tpu.memref_slice %arg5[%arg0, %add3A_97, %dma_wait3A_115] : memref<2x5120x128xf32, #tpu.memory_space<hbm>> -> memref<1x80x128xf32, #tpu.memory_space<hbm>>
      %dma_wait3A_117 = tpu.memref_squeeze %dma_wait3A_116 : memref<1x80x128xf32, #tpu.memory_space<hbm>> -> memref<80x128xf32, #tpu.memory_space<hbm>>
      %dma_wait3A_118 = arith.constant 0 : i32
      %dma_wait3A_119 = tpu.memref_slice %arg5[%arg0, %add3A_97, %dma_wait3A_118] : memref<2x5120x128xf32, #tpu.memory_space<hbm>> -> memref<1x80x128xf32, #tpu.memory_space<hbm>>
      %dma_wait3A_120 = tpu.memref_squeeze %dma_wait3A_119 : memref<1x80x128xf32, #tpu.memory_space<hbm>> -> memref<80x128xf32, #tpu.memory_space<hbm>>
      tpu.wait_dma2 semaphore(%run_scoped3A : memref<!tpu.dma_semaphore, #tpu.memory_space<semaphore_mem>>) src(%arg8 : memref<80x128xf32, #tpu.memory_space<vmem>>) dst(%dma_wait3A_120 : memref<80x128xf32, #tpu.memory_space<hbm>>)
      tpu.yield
    }) : () -> ()
    %add3A_98 = arith.constant 80 : i32
    %add3A_99 = arith.addi %mul3A_21, %add3A_98 : i32
    "tpu.region"() ({
      %run_scoped3A = tpu.sem_alloc : memref<!tpu.dma_semaphore, #tpu.memory_space<semaphore_mem>>
      %dma_start3A_109 = arith.constant 0 : i32
      %dma_start3A_110 = tpu.memref_slice %arg24[%add3A_99, %dma_start3A_109] : memref<5120x128xf32, #tpu.memory_space<vmem_shared>> -> memref<80x128xf32, #tpu.memory_space<vmem_shared>>
      %dma_start3A_111 = arith.constant 0 : i32
      %dma_start3A_112 = tpu.memref_slice %arg24[%add3A_99, %dma_start3A_111] : memref<5120x128xf32, #tpu.memory_space<vmem_shared>> -> memref<80x128xf32, #tpu.memory_space<vmem_shared>>
      tpu.enqueue_dma source(%dma_start3A_112 : memref<80x128xf32, #tpu.memory_space<vmem_shared>>) target(%arg7 : memref<80x128xf32, #tpu.memory_space<vmem>>) target_semaphore(%run_scoped3A : memref<!tpu.dma_semaphore, #tpu.memory_space<semaphore_mem>>)
      %dma_wait3A_113 = arith.constant 0 : i32
      %dma_wait3A_114 = tpu.memref_slice %arg24[%add3A_99, %dma_wait3A_113] : memref<5120x128xf32, #tpu.memory_space<vmem_shared>> -> memref<80x128xf32, #tpu.memory_space<vmem_shared>>
      %dma_wait3A_115 = arith.constant 0 : i32
      %dma_wait3A_116 = tpu.memref_slice %arg24[%add3A_99, %dma_wait3A_115] : memref<5120x128xf32, #tpu.memory_space<vmem_shared>> -> memref<80x128xf32, #tpu.memory_space<vmem_shared>>
      tpu.wait_dma2 semaphore(%run_scoped3A : memref<!tpu.dma_semaphore, #tpu.memory_space<semaphore_mem>>) src(%dma_wait3A_116 : memref<80x128xf32, #tpu.memory_space<vmem_shared>>) dst(%arg7 : memref<80x128xf32, #tpu.memory_space<vmem>>)
      tpu.yield
    }) : () -> ()
    "tpu.region"() ({
      %run_scoped3A = tpu.sem_alloc : memref<!tpu.dma_semaphore, #tpu.memory_space<semaphore_mem>>
      %dma_start3A_109 = arith.constant 0 : i32
      %dma_start3A_110 = tpu.memref_slice %arg4[%arg0, %add3A_99, %dma_start3A_109] : memref<2x5120x128xf32, #tpu.memory_space<hbm>> -> memref<1x80x128xf32, #tpu.memory_space<hbm>>
      %dma_start3A_111 = tpu.memref_squeeze %dma_start3A_110 : memref<1x80x128xf32, #tpu.memory_space<hbm>> -> memref<80x128xf32, #tpu.memory_space<hbm>>
      %dma_start3A_112 = arith.constant 0 : i32
      %dma_start3A_113 = tpu.memref_slice %arg4[%arg0, %add3A_99, %dma_start3A_112] : memref<2x5120x128xf32, #tpu.memory_space<hbm>> -> memref<1x80x128xf32, #tpu.memory_space<hbm>>
      %dma_start3A_114 = tpu.memref_squeeze %dma_start3A_113 : memref<1x80x128xf32, #tpu.memory_space<hbm>> -> memref<80x128xf32, #tpu.memory_space<hbm>>
      tpu.enqueue_dma source(%arg7 : memref<80x128xf32, #tpu.memory_space<vmem>>) target(%dma_start3A_114 : memref<80x128xf32, #tpu.memory_space<hbm>>) target_semaphore(%run_scoped3A : memref<!tpu.dma_semaphore, #tpu.memory_space<semaphore_mem>>)
      %dma_wait3A_115 = arith.constant 0 : i32
      %dma_wait3A_116 = tpu.memref_slice %arg4[%arg0, %add3A_99, %dma_wait3A_115] : memref<2x5120x128xf32, #tpu.memory_space<hbm>> -> memref<1x80x128xf32, #tpu.memory_space<hbm>>
      %dma_wait3A_117 = tpu.memref_squeeze %dma_wait3A_116 : memref<1x80x128xf32, #tpu.memory_space<hbm>> -> memref<80x128xf32, #tpu.memory_space<hbm>>
      %dma_wait3A_118 = arith.constant 0 : i32
      %dma_wait3A_119 = tpu.memref_slice %arg4[%arg0, %add3A_99, %dma_wait3A_118] : memref<2x5120x128xf32, #tpu.memory_space<hbm>> -> memref<1x80x128xf32, #tpu.memory_space<hbm>>
      %dma_wait3A_120 = tpu.memref_squeeze %dma_wait3A_119 : memref<1x80x128xf32, #tpu.memory_space<hbm>> -> memref<80x128xf32, #tpu.memory_space<hbm>>
      tpu.wait_dma2 semaphore(%run_scoped3A : memref<!tpu.dma_semaphore, #tpu.memory_space<semaphore_mem>>) src(%arg7 : memref<80x128xf32, #tpu.memory_space<vmem>>) dst(%dma_wait3A_120 : memref<80x128xf32, #tpu.memory_space<hbm>>)
      tpu.yield
    }) : () -> ()
    "tpu.region"() ({
      %run_scoped3A = tpu.sem_alloc : memref<!tpu.dma_semaphore, #tpu.memory_space<semaphore_mem>>
      %dma_start3A_109 = arith.constant 0 : i32
      %dma_start3A_110 = tpu.memref_slice %arg25[%add3A_99, %dma_start3A_109] : memref<5120x128xf32, #tpu.memory_space<vmem_shared>> -> memref<80x128xf32, #tpu.memory_space<vmem_shared>>
      %dma_start3A_111 = arith.constant 0 : i32
      %dma_start3A_112 = tpu.memref_slice %arg25[%add3A_99, %dma_start3A_111] : memref<5120x128xf32, #tpu.memory_space<vmem_shared>> -> memref<80x128xf32, #tpu.memory_space<vmem_shared>>
      tpu.enqueue_dma source(%dma_start3A_112 : memref<80x128xf32, #tpu.memory_space<vmem_shared>>) target(%arg8 : memref<80x128xf32, #tpu.memory_space<vmem>>) target_semaphore(%run_scoped3A : memref<!tpu.dma_semaphore, #tpu.memory_space<semaphore_mem>>)
      %dma_wait3A_113 = arith.constant 0 : i32
      %dma_wait3A_114 = tpu.memref_slice %arg25[%add3A_99, %dma_wait3A_113] : memref<5120x128xf32, #tpu.memory_space<vmem_shared>> -> memref<80x128xf32, #tpu.memory_space<vmem_shared>>
      %dma_wait3A_115 = arith.constant 0 : i32
      %dma_wait3A_116 = tpu.memref_slice %arg25[%add3A_99, %dma_wait3A_115] : memref<5120x128xf32, #tpu.memory_space<vmem_shared>> -> memref<80x128xf32, #tpu.memory_space<vmem_shared>>
      tpu.wait_dma2 semaphore(%run_scoped3A : memref<!tpu.dma_semaphore, #tpu.memory_space<semaphore_mem>>) src(%dma_wait3A_116 : memref<80x128xf32, #tpu.memory_space<vmem_shared>>) dst(%arg8 : memref<80x128xf32, #tpu.memory_space<vmem>>)
      tpu.yield
    }) : () -> ()
    "tpu.region"() ({
      %run_scoped3A = tpu.sem_alloc : memref<!tpu.dma_semaphore, #tpu.memory_space<semaphore_mem>>
      %dma_start3A_109 = arith.constant 0 : i32
      %dma_start3A_110 = tpu.memref_slice %arg5[%arg0, %add3A_99, %dma_start3A_109] : memref<2x5120x128xf32, #tpu.memory_space<hbm>> -> memref<1x80x128xf32, #tpu.memory_space<hbm>>
      %dma_start3A_111 = tpu.memref_squeeze %dma_start3A_110 : memref<1x80x128xf32, #tpu.memory_space<hbm>> -> memref<80x128xf32, #tpu.memory_space<hbm>>
      %dma_start3A_112 = arith.constant 0 : i32
      %dma_start3A_113 = tpu.memref_slice %arg5[%arg0, %add3A_99, %dma_start3A_112] : memref<2x5120x128xf32, #tpu.memory_space<hbm>> -> memref<1x80x128xf32, #tpu.memory_space<hbm>>
      %dma_start3A_114 = tpu.memref_squeeze %dma_start3A_113 : memref<1x80x128xf32, #tpu.memory_space<hbm>> -> memref<80x128xf32, #tpu.memory_space<hbm>>
      tpu.enqueue_dma source(%arg8 : memref<80x128xf32, #tpu.memory_space<vmem>>) target(%dma_start3A_114 : memref<80x128xf32, #tpu.memory_space<hbm>>) target_semaphore(%run_scoped3A : memref<!tpu.dma_semaphore, #tpu.memory_space<semaphore_mem>>)
      %dma_wait3A_115 = arith.constant 0 : i32
      %dma_wait3A_116 = tpu.memref_slice %arg5[%arg0, %add3A_99, %dma_wait3A_115] : memref<2x5120x128xf32, #tpu.memory_space<hbm>> -> memref<1x80x128xf32, #tpu.memory_space<hbm>>
      %dma_wait3A_117 = tpu.memref_squeeze %dma_wait3A_116 : memref<1x80x128xf32, #tpu.memory_space<hbm>> -> memref<80x128xf32, #tpu.memory_space<hbm>>
      %dma_wait3A_118 = arith.constant 0 : i32
      %dma_wait3A_119 = tpu.memref_slice %arg5[%arg0, %add3A_99, %dma_wait3A_118] : memref<2x5120x128xf32, #tpu.memory_space<hbm>> -> memref<1x80x128xf32, #tpu.memory_space<hbm>>
      %dma_wait3A_120 = tpu.memref_squeeze %dma_wait3A_119 : memref<1x80x128xf32, #tpu.memory_space<hbm>> -> memref<80x128xf32, #tpu.memory_space<hbm>>
      tpu.wait_dma2 semaphore(%run_scoped3A : memref<!tpu.dma_semaphore, #tpu.memory_space<semaphore_mem>>) src(%arg8 : memref<80x128xf32, #tpu.memory_space<vmem>>) dst(%dma_wait3A_120 : memref<80x128xf32, #tpu.memory_space<hbm>>)
      tpu.yield
    }) : () -> ()
    %add3A_100 = arith.constant 160 : i32
    %add3A_101 = arith.addi %mul3A_21, %add3A_100 : i32
    "tpu.region"() ({
      %run_scoped3A = tpu.sem_alloc : memref<!tpu.dma_semaphore, #tpu.memory_space<semaphore_mem>>
      %dma_start3A_109 = arith.constant 0 : i32
      %dma_start3A_110 = tpu.memref_slice %arg24[%add3A_101, %dma_start3A_109] : memref<5120x128xf32, #tpu.memory_space<vmem_shared>> -> memref<80x128xf32, #tpu.memory_space<vmem_shared>>
      %dma_start3A_111 = arith.constant 0 : i32
      %dma_start3A_112 = tpu.memref_slice %arg24[%add3A_101, %dma_start3A_111] : memref<5120x128xf32, #tpu.memory_space<vmem_shared>> -> memref<80x128xf32, #tpu.memory_space<vmem_shared>>
      tpu.enqueue_dma source(%dma_start3A_112 : memref<80x128xf32, #tpu.memory_space<vmem_shared>>) target(%arg7 : memref<80x128xf32, #tpu.memory_space<vmem>>) target_semaphore(%run_scoped3A : memref<!tpu.dma_semaphore, #tpu.memory_space<semaphore_mem>>)
      %dma_wait3A_113 = arith.constant 0 : i32
      %dma_wait3A_114 = tpu.memref_slice %arg24[%add3A_101, %dma_wait3A_113] : memref<5120x128xf32, #tpu.memory_space<vmem_shared>> -> memref<80x128xf32, #tpu.memory_space<vmem_shared>>
      %dma_wait3A_115 = arith.constant 0 : i32
      %dma_wait3A_116 = tpu.memref_slice %arg24[%add3A_101, %dma_wait3A_115] : memref<5120x128xf32, #tpu.memory_space<vmem_shared>> -> memref<80x128xf32, #tpu.memory_space<vmem_shared>>
      tpu.wait_dma2 semaphore(%run_scoped3A : memref<!tpu.dma_semaphore, #tpu.memory_space<semaphore_mem>>) src(%dma_wait3A_116 : memref<80x128xf32, #tpu.memory_space<vmem_shared>>) dst(%arg7 : memref<80x128xf32, #tpu.memory_space<vmem>>)
      tpu.yield
    }) : () -> ()
    "tpu.region"() ({
      %run_scoped3A = tpu.sem_alloc : memref<!tpu.dma_semaphore, #tpu.memory_space<semaphore_mem>>
      %dma_start3A_109 = arith.constant 0 : i32
      %dma_start3A_110 = tpu.memref_slice %arg4[%arg0, %add3A_101, %dma_start3A_109] : memref<2x5120x128xf32, #tpu.memory_space<hbm>> -> memref<1x80x128xf32, #tpu.memory_space<hbm>>
      %dma_start3A_111 = tpu.memref_squeeze %dma_start3A_110 : memref<1x80x128xf32, #tpu.memory_space<hbm>> -> memref<80x128xf32, #tpu.memory_space<hbm>>
      %dma_start3A_112 = arith.constant 0 : i32
      %dma_start3A_113 = tpu.memref_slice %arg4[%arg0, %add3A_101, %dma_start3A_112] : memref<2x5120x128xf32, #tpu.memory_space<hbm>> -> memref<1x80x128xf32, #tpu.memory_space<hbm>>
      %dma_start3A_114 = tpu.memref_squeeze %dma_start3A_113 : memref<1x80x128xf32, #tpu.memory_space<hbm>> -> memref<80x128xf32, #tpu.memory_space<hbm>>
      tpu.enqueue_dma source(%arg7 : memref<80x128xf32, #tpu.memory_space<vmem>>) target(%dma_start3A_114 : memref<80x128xf32, #tpu.memory_space<hbm>>) target_semaphore(%run_scoped3A : memref<!tpu.dma_semaphore, #tpu.memory_space<semaphore_mem>>)
      %dma_wait3A_115 = arith.constant 0 : i32
      %dma_wait3A_116 = tpu.memref_slice %arg4[%arg0, %add3A_101, %dma_wait3A_115] : memref<2x5120x128xf32, #tpu.memory_space<hbm>> -> memref<1x80x128xf32, #tpu.memory_space<hbm>>
      %dma_wait3A_117 = tpu.memref_squeeze %dma_wait3A_116 : memref<1x80x128xf32, #tpu.memory_space<hbm>> -> memref<80x128xf32, #tpu.memory_space<hbm>>
      %dma_wait3A_118 = arith.constant 0 : i32
      %dma_wait3A_119 = tpu.memref_slice %arg4[%arg0, %add3A_101, %dma_wait3A_118] : memref<2x5120x128xf32, #tpu.memory_space<hbm>> -> memref<1x80x128xf32, #tpu.memory_space<hbm>>
      %dma_wait3A_120 = tpu.memref_squeeze %dma_wait3A_119 : memref<1x80x128xf32, #tpu.memory_space<hbm>> -> memref<80x128xf32, #tpu.memory_space<hbm>>
      tpu.wait_dma2 semaphore(%run_scoped3A : memref<!tpu.dma_semaphore, #tpu.memory_space<semaphore_mem>>) src(%arg7 : memref<80x128xf32, #tpu.memory_space<vmem>>) dst(%dma_wait3A_120 : memref<80x128xf32, #tpu.memory_space<hbm>>)
      tpu.yield
    }) : () -> ()
    "tpu.region"() ({
      %run_scoped3A = tpu.sem_alloc : memref<!tpu.dma_semaphore, #tpu.memory_space<semaphore_mem>>
      %dma_start3A_109 = arith.constant 0 : i32
      %dma_start3A_110 = tpu.memref_slice %arg25[%add3A_101, %dma_start3A_109] : memref<5120x128xf32, #tpu.memory_space<vmem_shared>> -> memref<80x128xf32, #tpu.memory_space<vmem_shared>>
      %dma_start3A_111 = arith.constant 0 : i32
      %dma_start3A_112 = tpu.memref_slice %arg25[%add3A_101, %dma_start3A_111] : memref<5120x128xf32, #tpu.memory_space<vmem_shared>> -> memref<80x128xf32, #tpu.memory_space<vmem_shared>>
      tpu.enqueue_dma source(%dma_start3A_112 : memref<80x128xf32, #tpu.memory_space<vmem_shared>>) target(%arg8 : memref<80x128xf32, #tpu.memory_space<vmem>>) target_semaphore(%run_scoped3A : memref<!tpu.dma_semaphore, #tpu.memory_space<semaphore_mem>>)
      %dma_wait3A_113 = arith.constant 0 : i32
      %dma_wait3A_114 = tpu.memref_slice %arg25[%add3A_101, %dma_wait3A_113] : memref<5120x128xf32, #tpu.memory_space<vmem_shared>> -> memref<80x128xf32, #tpu.memory_space<vmem_shared>>
      %dma_wait3A_115 = arith.constant 0 : i32
      %dma_wait3A_116 = tpu.memref_slice %arg25[%add3A_101, %dma_wait3A_115] : memref<5120x128xf32, #tpu.memory_space<vmem_shared>> -> memref<80x128xf32, #tpu.memory_space<vmem_shared>>
      tpu.wait_dma2 semaphore(%run_scoped3A : memref<!tpu.dma_semaphore, #tpu.memory_space<semaphore_mem>>) src(%dma_wait3A_116 : memref<80x128xf32, #tpu.memory_space<vmem_shared>>) dst(%arg8 : memref<80x128xf32, #tpu.memory_space<vmem>>)
      tpu.yield
    }) : () -> ()
    "tpu.region"() ({
      %run_scoped3A = tpu.sem_alloc : memref<!tpu.dma_semaphore, #tpu.memory_space<semaphore_mem>>
      %dma_start3A_109 = arith.constant 0 : i32
      %dma_start3A_110 = tpu.memref_slice %arg5[%arg0, %add3A_101, %dma_start3A_109] : memref<2x5120x128xf32, #tpu.memory_space<hbm>> -> memref<1x80x128xf32, #tpu.memory_space<hbm>>
      %dma_start3A_111 = tpu.memref_squeeze %dma_start3A_110 : memref<1x80x128xf32, #tpu.memory_space<hbm>> -> memref<80x128xf32, #tpu.memory_space<hbm>>
      %dma_start3A_112 = arith.constant 0 : i32
      %dma_start3A_113 = tpu.memref_slice %arg5[%arg0, %add3A_101, %dma_start3A_112] : memref<2x5120x128xf32, #tpu.memory_space<hbm>> -> memref<1x80x128xf32, #tpu.memory_space<hbm>>
      %dma_start3A_114 = tpu.memref_squeeze %dma_start3A_113 : memref<1x80x128xf32, #tpu.memory_space<hbm>> -> memref<80x128xf32, #tpu.memory_space<hbm>>
      tpu.enqueue_dma source(%arg8 : memref<80x128xf32, #tpu.memory_space<vmem>>) target(%dma_start3A_114 : memref<80x128xf32, #tpu.memory_space<hbm>>) target_semaphore(%run_scoped3A : memref<!tpu.dma_semaphore, #tpu.memory_space<semaphore_mem>>)
      %dma_wait3A_115 = arith.constant 0 : i32
      %dma_wait3A_116 = tpu.memref_slice %arg5[%arg0, %add3A_101, %dma_wait3A_115] : memref<2x5120x128xf32, #tpu.memory_space<hbm>> -> memref<1x80x128xf32, #tpu.memory_space<hbm>>
      %dma_wait3A_117 = tpu.memref_squeeze %dma_wait3A_116 : memref<1x80x128xf32, #tpu.memory_space<hbm>> -> memref<80x128xf32, #tpu.memory_space<hbm>>
      %dma_wait3A_118 = arith.constant 0 : i32
      %dma_wait3A_119 = tpu.memref_slice %arg5[%arg0, %add3A_101, %dma_wait3A_118] : memref<2x5120x128xf32, #tpu.memory_space<hbm>> -> memref<1x80x128xf32, #tpu.memory_space<hbm>>
      %dma_wait3A_120 = tpu.memref_squeeze %dma_wait3A_119 : memref<1x80x128xf32, #tpu.memory_space<hbm>> -> memref<80x128xf32, #tpu.memory_space<hbm>>
      tpu.wait_dma2 semaphore(%run_scoped3A : memref<!tpu.dma_semaphore, #tpu.memory_space<semaphore_mem>>) src(%arg8 : memref<80x128xf32, #tpu.memory_space<vmem>>) dst(%dma_wait3A_120 : memref<80x128xf32, #tpu.memory_space<hbm>>)
      tpu.yield
    }) : () -> ()
    %add3A_102 = arith.constant 240 : i32
    %add3A_103 = arith.addi %mul3A_21, %add3A_102 : i32
    "tpu.region"() ({
      %run_scoped3A = tpu.sem_alloc : memref<!tpu.dma_semaphore, #tpu.memory_space<semaphore_mem>>
      %dma_start3A_109 = arith.constant 0 : i32
      %dma_start3A_110 = tpu.memref_slice %arg24[%add3A_103, %dma_start3A_109] : memref<5120x128xf32, #tpu.memory_space<vmem_shared>> -> memref<80x128xf32, #tpu.memory_space<vmem_shared>>
      %dma_start3A_111 = arith.constant 0 : i32
      %dma_start3A_112 = tpu.memref_slice %arg24[%add3A_103, %dma_start3A_111] : memref<5120x128xf32, #tpu.memory_space<vmem_shared>> -> memref<80x128xf32, #tpu.memory_space<vmem_shared>>
      tpu.enqueue_dma source(%dma_start3A_112 : memref<80x128xf32, #tpu.memory_space<vmem_shared>>) target(%arg7 : memref<80x128xf32, #tpu.memory_space<vmem>>) target_semaphore(%run_scoped3A : memref<!tpu.dma_semaphore, #tpu.memory_space<semaphore_mem>>)
      %dma_wait3A_113 = arith.constant 0 : i32
      %dma_wait3A_114 = tpu.memref_slice %arg24[%add3A_103, %dma_wait3A_113] : memref<5120x128xf32, #tpu.memory_space<vmem_shared>> -> memref<80x128xf32, #tpu.memory_space<vmem_shared>>
      %dma_wait3A_115 = arith.constant 0 : i32
      %dma_wait3A_116 = tpu.memref_slice %arg24[%add3A_103, %dma_wait3A_115] : memref<5120x128xf32, #tpu.memory_space<vmem_shared>> -> memref<80x128xf32, #tpu.memory_space<vmem_shared>>
      tpu.wait_dma2 semaphore(%run_scoped3A : memref<!tpu.dma_semaphore, #tpu.memory_space<semaphore_mem>>) src(%dma_wait3A_116 : memref<80x128xf32, #tpu.memory_space<vmem_shared>>) dst(%arg7 : memref<80x128xf32, #tpu.memory_space<vmem>>)
      tpu.yield
    }) : () -> ()
    "tpu.region"() ({
      %run_scoped3A = tpu.sem_alloc : memref<!tpu.dma_semaphore, #tpu.memory_space<semaphore_mem>>
      %dma_start3A_109 = arith.constant 0 : i32
      %dma_start3A_110 = tpu.memref_slice %arg4[%arg0, %add3A_103, %dma_start3A_109] : memref<2x5120x128xf32, #tpu.memory_space<hbm>> -> memref<1x80x128xf32, #tpu.memory_space<hbm>>
      %dma_start3A_111 = tpu.memref_squeeze %dma_start3A_110 : memref<1x80x128xf32, #tpu.memory_space<hbm>> -> memref<80x128xf32, #tpu.memory_space<hbm>>
      %dma_start3A_112 = arith.constant 0 : i32
      %dma_start3A_113 = tpu.memref_slice %arg4[%arg0, %add3A_103, %dma_start3A_112] : memref<2x5120x128xf32, #tpu.memory_space<hbm>> -> memref<1x80x128xf32, #tpu.memory_space<hbm>>
      %dma_start3A_114 = tpu.memref_squeeze %dma_start3A_113 : memref<1x80x128xf32, #tpu.memory_space<hbm>> -> memref<80x128xf32, #tpu.memory_space<hbm>>
      tpu.enqueue_dma source(%arg7 : memref<80x128xf32, #tpu.memory_space<vmem>>) target(%dma_start3A_114 : memref<80x128xf32, #tpu.memory_space<hbm>>) target_semaphore(%run_scoped3A : memref<!tpu.dma_semaphore, #tpu.memory_space<semaphore_mem>>)
      %dma_wait3A_115 = arith.constant 0 : i32
      %dma_wait3A_116 = tpu.memref_slice %arg4[%arg0, %add3A_103, %dma_wait3A_115] : memref<2x5120x128xf32, #tpu.memory_space<hbm>> -> memref<1x80x128xf32, #tpu.memory_space<hbm>>
      %dma_wait3A_117 = tpu.memref_squeeze %dma_wait3A_116 : memref<1x80x128xf32, #tpu.memory_space<hbm>> -> memref<80x128xf32, #tpu.memory_space<hbm>>
      %dma_wait3A_118 = arith.constant 0 : i32
      %dma_wait3A_119 = tpu.memref_slice %arg4[%arg0, %add3A_103, %dma_wait3A_118] : memref<2x5120x128xf32, #tpu.memory_space<hbm>> -> memref<1x80x128xf32, #tpu.memory_space<hbm>>
      %dma_wait3A_120 = tpu.memref_squeeze %dma_wait3A_119 : memref<1x80x128xf32, #tpu.memory_space<hbm>> -> memref<80x128xf32, #tpu.memory_space<hbm>>
      tpu.wait_dma2 semaphore(%run_scoped3A : memref<!tpu.dma_semaphore, #tpu.memory_space<semaphore_mem>>) src(%arg7 : memref<80x128xf32, #tpu.memory_space<vmem>>) dst(%dma_wait3A_120 : memref<80x128xf32, #tpu.memory_space<hbm>>)
      tpu.yield
    }) : () -> ()
    "tpu.region"() ({
      %run_scoped3A = tpu.sem_alloc : memref<!tpu.dma_semaphore, #tpu.memory_space<semaphore_mem>>
      %dma_start3A_109 = arith.constant 0 : i32
      %dma_start3A_110 = tpu.memref_slice %arg25[%add3A_103, %dma_start3A_109] : memref<5120x128xf32, #tpu.memory_space<vmem_shared>> -> memref<80x128xf32, #tpu.memory_space<vmem_shared>>
      %dma_start3A_111 = arith.constant 0 : i32
      %dma_start3A_112 = tpu.memref_slice %arg25[%add3A_103, %dma_start3A_111] : memref<5120x128xf32, #tpu.memory_space<vmem_shared>> -> memref<80x128xf32, #tpu.memory_space<vmem_shared>>
      tpu.enqueue_dma source(%dma_start3A_112 : memref<80x128xf32, #tpu.memory_space<vmem_shared>>) target(%arg8 : memref<80x128xf32, #tpu.memory_space<vmem>>) target_semaphore(%run_scoped3A : memref<!tpu.dma_semaphore, #tpu.memory_space<semaphore_mem>>)
      %dma_wait3A_113 = arith.constant 0 : i32
      %dma_wait3A_114 = tpu.memref_slice %arg25[%add3A_103, %dma_wait3A_113] : memref<5120x128xf32, #tpu.memory_space<vmem_shared>> -> memref<80x128xf32, #tpu.memory_space<vmem_shared>>
      %dma_wait3A_115 = arith.constant 0 : i32
      %dma_wait3A_116 = tpu.memref_slice %arg25[%add3A_103, %dma_wait3A_115] : memref<5120x128xf32, #tpu.memory_space<vmem_shared>> -> memref<80x128xf32, #tpu.memory_space<vmem_shared>>
      tpu.wait_dma2 semaphore(%run_scoped3A : memref<!tpu.dma_semaphore, #tpu.memory_space<semaphore_mem>>) src(%dma_wait3A_116 : memref<80x128xf32, #tpu.memory_space<vmem_shared>>) dst(%arg8 : memref<80x128xf32, #tpu.memory_space<vmem>>)
      tpu.yield
    }) : () -> ()
    "tpu.region"() ({
      %run_scoped3A = tpu.sem_alloc : memref<!tpu.dma_semaphore, #tpu.memory_space<semaphore_mem>>
      %dma_start3A_109 = arith.constant 0 : i32
      %dma_start3A_110 = tpu.memref_slice %arg5[%arg0, %add3A_103, %dma_start3A_109] : memref<2x5120x128xf32, #tpu.memory_space<hbm>> -> memref<1x80x128xf32, #tpu.memory_space<hbm>>
      %dma_start3A_111 = tpu.memref_squeeze %dma_start3A_110 : memref<1x80x128xf32, #tpu.memory_space<hbm>> -> memref<80x128xf32, #tpu.memory_space<hbm>>
      %dma_start3A_112 = arith.constant 0 : i32
      %dma_start3A_113 = tpu.memref_slice %arg5[%arg0, %add3A_103, %dma_start3A_112] : memref<2x5120x128xf32, #tpu.memory_space<hbm>> -> memref<1x80x128xf32, #tpu.memory_space<hbm>>
      %dma_start3A_114 = tpu.memref_squeeze %dma_start3A_113 : memref<1x80x128xf32, #tpu.memory_space<hbm>> -> memref<80x128xf32, #tpu.memory_space<hbm>>
      tpu.enqueue_dma source(%arg8 : memref<80x128xf32, #tpu.memory_space<vmem>>) target(%dma_start3A_114 : memref<80x128xf32, #tpu.memory_space<hbm>>) target_semaphore(%run_scoped3A : memref<!tpu.dma_semaphore, #tpu.memory_space<semaphore_mem>>)
      %dma_wait3A_115 = arith.constant 0 : i32
      %dma_wait3A_116 = tpu.memref_slice %arg5[%arg0, %add3A_103, %dma_wait3A_115] : memref<2x5120x128xf32, #tpu.memory_space<hbm>> -> memref<1x80x128xf32, #tpu.memory_space<hbm>>
      %dma_wait3A_117 = tpu.memref_squeeze %dma_wait3A_116 : memref<1x80x128xf32, #tpu.memory_space<hbm>> -> memref<80x128xf32, #tpu.memory_space<hbm>>
      %dma_wait3A_118 = arith.constant 0 : i32
      %dma_wait3A_119 = tpu.memref_slice %arg5[%arg0, %add3A_103, %dma_wait3A_118] : memref<2x5120x128xf32, #tpu.memory_space<hbm>> -> memref<1x80x128xf32, #tpu.memory_space<hbm>>
      %dma_wait3A_120 = tpu.memref_squeeze %dma_wait3A_119 : memref<1x80x128xf32, #tpu.memory_space<hbm>> -> memref<80x128xf32, #tpu.memory_space<hbm>>
      tpu.wait_dma2 semaphore(%run_scoped3A : memref<!tpu.dma_semaphore, #tpu.memory_space<semaphore_mem>>) src(%arg8 : memref<80x128xf32, #tpu.memory_space<vmem>>) dst(%dma_wait3A_120 : memref<80x128xf32, #tpu.memory_space<hbm>>)
      tpu.yield
    }) : () -> ()
    %eq3A_104 = arith.constant 0 : i32
    %eq3A_105 = arith.cmpi eq, %arg1, %eq3A_104 : i32
    %convert_element_type3A_106 = arith.extui %eq3A_105 : i1 to i32
    %cond3A_107 = arith.constant 0 : i32
    %cond3A_108 = arith.cmpi ne, %convert_element_type3A_106, %cond3A_107 : i32
    scf.if %cond3A_108 {
      "tpu.region"() ({
        %run_scoped3A = tpu.sem_alloc : memref<!tpu.dma_semaphore, #tpu.memory_space<semaphore_mem>>
        %dma_start3A_109 = arith.constant 0 : i32
        %dma_start3A_110 = arith.constant 0 : i32
        %dma_start3A_111 = tpu.memref_slice %arg26[%dma_start3A_109, %dma_start3A_110] : memref<48x128xf32, #tpu.memory_space<vmem_shared>> -> memref<48x128xf32, #tpu.memory_space<vmem_shared>>
        %dma_start3A_112 = arith.constant 0 : i32
        %dma_start3A_113 = arith.constant 0 : i32
        %dma_start3A_114 = tpu.memref_slice %arg26[%dma_start3A_112, %dma_start3A_113] : memref<48x128xf32, #tpu.memory_space<vmem_shared>> -> memref<48x128xf32, #tpu.memory_space<vmem_shared>>
        tpu.enqueue_dma source(%dma_start3A_114 : memref<48x128xf32, #tpu.memory_space<vmem_shared>>) target(%arg15 : memref<48x128xf32, #tpu.memory_space<vmem>>) target_semaphore(%run_scoped3A : memref<!tpu.dma_semaphore, #tpu.memory_space<semaphore_mem>>)
        %dma_wait3A_115 = arith.constant 0 : i32
        %dma_wait3A_116 = arith.constant 0 : i32
        %dma_wait3A_117 = tpu.memref_slice %arg26[%dma_wait3A_115, %dma_wait3A_116] : memref<48x128xf32, #tpu.memory_space<vmem_shared>> -> memref<48x128xf32, #tpu.memory_space<vmem_shared>>
        %dma_wait3A_118 = arith.constant 0 : i32
        %dma_wait3A_119 = arith.constant 0 : i32
        %dma_wait3A_120 = tpu.memref_slice %arg26[%dma_wait3A_118, %dma_wait3A_119] : memref<48x128xf32, #tpu.memory_space<vmem_shared>> -> memref<48x128xf32, #tpu.memory_space<vmem_shared>>
        tpu.wait_dma2 semaphore(%run_scoped3A : memref<!tpu.dma_semaphore, #tpu.memory_space<semaphore_mem>>) src(%dma_wait3A_120 : memref<48x128xf32, #tpu.memory_space<vmem_shared>>) dst(%arg15 : memref<48x128xf32, #tpu.memory_space<vmem>>)
        tpu.yield
      }) : () -> ()
      "tpu.region"() ({
        %run_scoped3A = tpu.sem_alloc : memref<!tpu.dma_semaphore, #tpu.memory_space<semaphore_mem>>
        %dma_start3A_109 = arith.constant 0 : i32
        %dma_start3A_110 = arith.constant 0 : i32
        %dma_start3A_111 = tpu.memref_slice %arg6[%arg0, %dma_start3A_109, %dma_start3A_110] : memref<2x48x128xf32, #tpu.memory_space<hbm>> -> memref<1x48x128xf32, #tpu.memory_space<hbm>>
        %dma_start3A_112 = tpu.memref_squeeze %dma_start3A_111 : memref<1x48x128xf32, #tpu.memory_space<hbm>> -> memref<48x128xf32, #tpu.memory_space<hbm>>
        %dma_start3A_113 = arith.constant 0 : i32
        %dma_start3A_114 = arith.constant 0 : i32
        %dma_start3A_115 = tpu.memref_slice %arg6[%arg0, %dma_start3A_113, %dma_start3A_114] : memref<2x48x128xf32, #tpu.memory_space<hbm>> -> memref<1x48x128xf32, #tpu.memory_space<hbm>>
        %dma_start3A_116 = tpu.memref_squeeze %dma_start3A_115 : memref<1x48x128xf32, #tpu.memory_space<hbm>> -> memref<48x128xf32, #tpu.memory_space<hbm>>
        tpu.enqueue_dma source(%arg15 : memref<48x128xf32, #tpu.memory_space<vmem>>) target(%dma_start3A_116 : memref<48x128xf32, #tpu.memory_space<hbm>>) target_semaphore(%run_scoped3A : memref<!tpu.dma_semaphore, #tpu.memory_space<semaphore_mem>>)
        %dma_wait3A_117 = arith.constant 0 : i32
        %dma_wait3A_118 = arith.constant 0 : i32
        %dma_wait3A_119 = tpu.memref_slice %arg6[%arg0, %dma_wait3A_117, %dma_wait3A_118] : memref<2x48x128xf32, #tpu.memory_space<hbm>> -> memref<1x48x128xf32, #tpu.memory_space<hbm>>
        %dma_wait3A_120 = tpu.memref_squeeze %dma_wait3A_119 : memref<1x48x128xf32, #tpu.memory_space<hbm>> -> memref<48x128xf32, #tpu.memory_space<hbm>>
        %dma_wait3A_121 = arith.constant 0 : i32
        %dma_wait3A_122 = arith.constant 0 : i32
        %dma_wait3A_123 = tpu.memref_slice %arg6[%arg0, %dma_wait3A_121, %dma_wait3A_122] : memref<2x48x128xf32, #tpu.memory_space<hbm>> -> memref<1x48x128xf32, #tpu.memory_space<hbm>>
        %dma_wait3A_124 = tpu.memref_squeeze %dma_wait3A_123 : memref<1x48x128xf32, #tpu.memory_space<hbm>> -> memref<48x128xf32, #tpu.memory_space<hbm>>
        tpu.wait_dma2 semaphore(%run_scoped3A : memref<!tpu.dma_semaphore, #tpu.memory_space<semaphore_mem>>) src(%arg15 : memref<48x128xf32, #tpu.memory_space<vmem>>) dst(%dma_wait3A_124 : memref<48x128xf32, #tpu.memory_space<hbm>>)
        tpu.yield
      }) : () -> ()
    } else {
    }
    return
  }
}

module attributes {stable_mosaic.version = 14 : i64} {
  func.func @_mm_body(%arg0: i32, %arg1: memref<2560x128xf32, #tpu.memory_space<vmem>>, %arg2: memref<128x128xf32, #tpu.memory_space<vmem>>, %arg3: memref<1x128xf32, #tpu.memory_space<vmem>>, %arg4: memref<2560x128xf32, #tpu.memory_space<vmem>>) attributes {dimension_semantics = [#tpu.dimension_semantics<arbitrary>], iteration_bounds = array<i64: 125>, scalar_prefetch = 0 : i64, scratch_operands = 0 : i64, tpu.core_type = #tpu.core_type<tc>, window_params = [{transform_indices = @transform_0, window_bounds = array<i64: 2560, 128>}, {pipeline_mode = #tpu.pipeline_mode<synchronous>, transform_indices = @transform_1, window_bounds = array<i64: 128, 128>}, {pipeline_mode = #tpu.pipeline_mode<synchronous>, transform_indices = @transform_2, window_bounds = array<i64: 1, 128>}, {transform_indices = @transform_3, window_bounds = array<i64: 2560, 128>}]} {
    %get3A = arith.constant 0 : index
    %get3A_0 = arith.constant 0 : index
    %get3A_1 = vector.load %arg1[%get3A, %get3A_0] : memref<2560x128xf32, #tpu.memory_space<vmem>>, vector<2560x128xf32>
    %get3A_2 = arith.constant 0 : index
    %get3A_3 = arith.constant 0 : index
    %get3A_4 = vector.load %arg2[%get3A_2, %get3A_3] : memref<128x128xf32, #tpu.memory_space<vmem>>, vector<128x128xf32>
    %dot_general3A = arith.constant dense<0.000000e+00> : vector<2560x128xf32>
    %dot_general3A_5 = tpu.matmul %get3A_1, %get3A_4, %dot_general3A {dimension_numbers = #tpu.dot_dimension_numbers<[1], [0], [0], [1], [0, 0, 1, 1], [], []>, transpose_lhs_hint = false} : vector<2560x128xf32>, vector<128x128xf32>, vector<2560x128xf32> -> vector<2560x128xf32>
    %get3A_6 = arith.constant 0 : index
    %get3A_7 = arith.constant 0 : index
    %get3A_8 = vector.load %arg3[%get3A_6, %get3A_7] : memref<1x128xf32, #tpu.memory_space<vmem>>, vector<1x128xf32>
    %add3A = vector.broadcast %get3A_8 : vector<1x128xf32> to vector<2560x128xf32>
    %add3A_9 = arith.addf %dot_general3A_5, %add3A : vector<2560x128xf32>
    %swap3A = arith.constant 0 : index
    %swap3A_10 = arith.constant 0 : index
    %swap3A_11 = vector.load %arg4[%swap3A, %swap3A_10] : memref<2560x128xf32, #tpu.memory_space<vmem>>, vector<2560x128xf32>
    tpu.vector_store %arg4[%swap3A, %swap3A_10], %add3A_9 {strides = array<i32>} : memref<2560x128xf32, #tpu.memory_space<vmem>>, vector<2560x128xf32>,
    return
  }
  func.func @transform_0(%arg0: i32) -> (i32, i32) {
    %c0_i32 = arith.constant 0 : i32
    %c0_i32_0 = arith.constant 0 : i32
    return %arg0, %c0_i32 : i32, i32
  }
  func.func @transform_1(%arg0: i32) -> (i32, i32) {
    %c0_i32 = arith.constant 0 : i32
    %c0_i32_0 = arith.constant 0 : i32
    %c0_i32_1 = arith.constant 0 : i32
    return %c0_i32, %c0_i32_0 : i32, i32
  }
  func.func @transform_2(%arg0: i32) -> (i32, i32) {
    %c0_i32 = arith.constant 0 : i32
    %c0_i32_0 = arith.constant 0 : i32
    %c0_i32_1 = arith.constant 0 : i32
    return %c0_i32, %c0_i32_0 : i32, i32
  }
  func.func @transform_3(%arg0: i32) -> (i32, i32) {
    %c0_i32 = arith.constant 0 : i32
    %c0_i32_0 = arith.constant 0 : i32
    return %arg0, %c0_i32 : i32, i32
  }
}

module attributes {stable_mosaic.version = 14 : i64} {
  func.func @_fin_body(%arg0: i32, %arg1: memref<2000x128xf32, #tpu.memory_space<vmem>>, %arg2: memref<2000x128xf32, #tpu.memory_space<vmem>>, %arg3: memref<2000x1xf32, #tpu.memory_space<vmem>>, %arg4: memref<2000x128xf32, #tpu.memory_space<vmem>>, %arg5: memref<2000x128xf32, #tpu.memory_space<vmem>>, %arg6: memref<2000x1xf32, #tpu.memory_space<vmem>>, %arg7: memref<2000x128xf32, #tpu.memory_space<vmem>>, %arg8: memref<2000x128xf32, #tpu.memory_space<vmem>>, %arg9: memref<2000x1xf32, #tpu.memory_space<vmem>>) attributes {dimension_semantics = [#tpu.dimension_semantics<arbitrary>], iteration_bounds = array<i64: 5>, scalar_prefetch = 0 : i64, scratch_operands = 0 : i64, tpu.core_type = #tpu.core_type<tc>, window_params = [{transform_indices = @transform_0, window_bounds = array<i64: 2000, 128>}, {transform_indices = @transform_1, window_bounds = array<i64: 2000, 128>}, {transform_indices = @transform_2, window_bounds = array<i64: 2000, 1>}, {transform_indices = @transform_3, window_bounds = array<i64: 2000, 128>}, {transform_indices = @transform_4, window_bounds = array<i64: 2000, 128>}, {transform_indices = @transform_5, window_bounds = array<i64: 2000, 1>}, {transform_indices = @transform_6, window_bounds = array<i64: 2000, 128>}, {transform_indices = @transform_7, window_bounds = array<i64: 2000, 128>}, {transform_indices = @transform_8, window_bounds = array<i64: 2000, 1>}]} {
    %get3A = arith.constant 0 : index
    %get3A_0 = arith.constant 0 : index
    %get3A_1 = vector.load %arg3[%get3A, %get3A_0] : memref<2000x1xf32, #tpu.memory_space<vmem>>, vector<2000x1xf32>
    %max3A = arith.constant 1.000000e+00 : f32
    %max3A_2 = vector.broadcast %max3A : f32 to vector<2000x1xf32>
    %max3A_3 = arith.maximumf %get3A_1, %max3A_2 : vector<2000x1xf32>
    %get3A_4 = arith.constant 0 : index
    %get3A_5 = arith.constant 0 : index
    %get3A_6 = vector.load %arg1[%get3A_4, %get3A_5] : memref<2000x128xf32, #tpu.memory_space<vmem>>, vector<2000x128xf32>
    %div3A = vector.broadcast %max3A_3 : vector<2000x1xf32> to vector<2000x128xf32>
    %div3A_7 = arith.divf %get3A_6, %div3A : vector<2000x128xf32>
    %get3A_8 = arith.constant 0 : index
    %get3A_9 = arith.constant 0 : index
    %get3A_10 = vector.load %arg2[%get3A_8, %get3A_9] : memref<2000x128xf32, #tpu.memory_space<vmem>>, vector<2000x128xf32>
    %div3A_11 = vector.broadcast %max3A_3 : vector<2000x1xf32> to vector<2000x128xf32>
    %div3A_12 = arith.divf %get3A_10, %div3A_11 : vector<2000x128xf32>
    %mul3A = arith.mulf %div3A_7, %div3A_7 : vector<2000x128xf32>
    %sub3A = arith.subf %div3A_12, %mul3A : vector<2000x128xf32>
    %gt3A = arith.constant 0.000000e+00 : f32
    %gt3A_13 = vector.broadcast %gt3A : f32 to vector<2000x1xf32>
    %gt3A_14 = arith.cmpf ogt, %get3A_1, %gt3A_13 : vector<2000x1xf32>
    %jit3A = arith.constant 0.000000e+00 : f32
    %broadcast_in_dim3A = vector.shape_cast %gt3A_14 : vector<2000x1xi1> to vector<2000x1xi1>
    %broadcast_in_dim3A_15 = vector.broadcast %broadcast_in_dim3A : vector<2000x1xi1> to vector<2000x128xi1>
    %broadcast_in_dim3A_16 = vector.broadcast %jit3A : f32 to vector<2000x128xf32>
    %select_n3A = arith.select %broadcast_in_dim3A_15, %div3A_7, %broadcast_in_dim3A_16 : vector<2000x128xi1>, vector<2000x128xf32>
    %jit3A_17 = arith.constant 0.000000e+00 : f32
    %broadcast_in_dim3A_18 = vector.shape_cast %gt3A_14 : vector<2000x1xi1> to vector<2000x1xi1>
    %broadcast_in_dim3A_19 = vector.broadcast %broadcast_in_dim3A_18 : vector<2000x1xi1> to vector<2000x128xi1>
    %broadcast_in_dim3A_20 = vector.broadcast %jit3A_17 : f32 to vector<2000x128xf32>
    %select_n3A_21 = arith.select %broadcast_in_dim3A_19, %sub3A, %broadcast_in_dim3A_20 : vector<2000x128xi1>, vector<2000x128xf32>
    %get3A_22 = arith.constant 0 : index
    %get3A_23 = arith.constant 0 : index
    %get3A_24 = vector.load %arg6[%get3A_22, %get3A_23] : memref<2000x1xf32, #tpu.memory_space<vmem>>, vector<2000x1xf32>
    %get3A_25 = arith.constant 0 : index
    %get3A_26 = arith.constant 0 : index
    %get3A_27 = vector.load %arg4[%get3A_25, %get3A_26] : memref<2000x128xf32, #tpu.memory_space<vmem>>, vector<2000x128xf32>
    %add3A = arith.addf %get3A_24, %get3A_1 : vector<2000x1xf32>
    %max3A_28 = arith.constant 1.000000e+00 : f32
    %max3A_29 = vector.broadcast %max3A_28 : f32 to vector<2000x1xf32>
    %max3A_30 = arith.maximumf %add3A, %max3A_29 : vector<2000x1xf32>
    %mul3A_31 = vector.broadcast %get3A_24 : vector<2000x1xf32> to vector<2000x128xf32>
    %mul3A_32 = arith.mulf %mul3A_31, %get3A_27 : vector<2000x128xf32>
    %mul3A_33 = vector.broadcast %get3A_1 : vector<2000x1xf32> to vector<2000x128xf32>
    %mul3A_34 = arith.mulf %mul3A_33, %select_n3A : vector<2000x128xf32>
    %add3A_35 = arith.addf %mul3A_32, %mul3A_34 : vector<2000x128xf32>
    %div3A_36 = vector.broadcast %max3A_30 : vector<2000x1xf32> to vector<2000x128xf32>
    %div3A_37 = arith.divf %add3A_35, %div3A_36 : vector<2000x128xf32>
    %get3A_38 = arith.constant 0 : index
    %get3A_39 = arith.constant 0 : index
    %get3A_40 = vector.load %arg5[%get3A_38, %get3A_39] : memref<2000x128xf32, #tpu.memory_space<vmem>>, vector<2000x128xf32>
    %sub3A_41 = arith.subf %get3A_27, %div3A_37 : vector<2000x128xf32>
    %integer_pow3A = arith.mulf %sub3A_41, %sub3A_41 : vector<2000x128xf32>
    %add3A_42 = arith.addf %get3A_40, %integer_pow3A : vector<2000x128xf32>
    %mul3A_43 = vector.broadcast %get3A_24 : vector<2000x1xf32> to vector<2000x128xf32>
    %mul3A_44 = arith.mulf %mul3A_43, %add3A_42 : vector<2000x128xf32>
    %sub3A_45 = arith.subf %select_n3A, %div3A_37 : vector<2000x128xf32>
    %integer_pow3A_46 = arith.mulf %sub3A_45, %sub3A_45 : vector<2000x128xf32>
    %add3A_47 = arith.addf %select_n3A_21, %integer_pow3A_46 : vector<2000x128xf32>
    %mul3A_48 = vector.broadcast %get3A_1 : vector<2000x1xf32> to vector<2000x128xf32>
    %mul3A_49 = arith.mulf %mul3A_48, %add3A_47 : vector<2000x128xf32>
    %add3A_50 = arith.addf %mul3A_44, %mul3A_49 : vector<2000x128xf32>
    %div3A_51 = vector.broadcast %max3A_30 : vector<2000x1xf32> to vector<2000x128xf32>
    %div3A_52 = arith.divf %add3A_50, %div3A_51 : vector<2000x128xf32>
    %gt3A_53 = arith.constant 0.000000e+00 : f32
    %gt3A_54 = vector.broadcast %gt3A_53 : f32 to vector<2000x1xf32>
    %gt3A_55 = arith.cmpf ogt, %add3A, %gt3A_54 : vector<2000x1xf32>
    %jit3A_56 = arith.constant 0.000000e+00 : f32
    %broadcast_in_dim3A_57 = vector.shape_cast %gt3A_55 : vector<2000x1xi1> to vector<2000x1xi1>
    %broadcast_in_dim3A_58 = vector.broadcast %broadcast_in_dim3A_57 : vector<2000x1xi1> to vector<2000x128xi1>
    %broadcast_in_dim3A_59 = vector.broadcast %jit3A_56 : f32 to vector<2000x128xf32>
    %select_n3A_60 = arith.select %broadcast_in_dim3A_58, %div3A_37, %broadcast_in_dim3A_59 : vector<2000x128xi1>, vector<2000x128xf32>
    %swap3A = arith.constant 0 : index
    %swap3A_61 = arith.constant 0 : index
    %swap3A_62 = vector.load %arg7[%swap3A, %swap3A_61] : memref<2000x128xf32, #tpu.memory_space<vmem>>, vector<2000x128xf32>
    tpu.vector_store %arg7[%swap3A, %swap3A_61], %select_n3A_60 {strides = array<i32>} : memref<2000x128xf32, #tpu.memory_space<vmem>>, vector<2000x128xf32>,
    %jit3A_63 = arith.constant 0.000000e+00 : f32
    %broadcast_in_dim3A_64 = vector.shape_cast %gt3A_55 : vector<2000x1xi1> to vector<2000x1xi1>
    %broadcast_in_dim3A_65 = vector.broadcast %broadcast_in_dim3A_64 : vector<2000x1xi1> to vector<2000x128xi1>
    %broadcast_in_dim3A_66 = vector.broadcast %jit3A_63 : f32 to vector<2000x128xf32>
    %select_n3A_67 = arith.select %broadcast_in_dim3A_65, %div3A_52, %broadcast_in_dim3A_66 : vector<2000x128xi1>, vector<2000x128xf32>
    %swap3A_68 = arith.constant 0 : index
    %swap3A_69 = arith.constant 0 : index
    %swap3A_70 = vector.load %arg8[%swap3A_68, %swap3A_69] : memref<2000x128xf32, #tpu.memory_space<vmem>>, vector<2000x128xf32>
    tpu.vector_store %arg8[%swap3A_68, %swap3A_69], %select_n3A_67 {strides = array<i32>} : memref<2000x128xf32, #tpu.memory_space<vmem>>, vector<2000x128xf32>,
    %swap3A_71 = arith.constant 0 : index
    %swap3A_72 = arith.constant 0 : index
    %swap3A_73 = vector.load %arg9[%swap3A_71, %swap3A_72] : memref<2000x1xf32, #tpu.memory_space<vmem>>, vector<2000x1xf32>
    tpu.vector_store %arg9[%swap3A_71, %swap3A_72], %add3A {strides = array<i32>} : memref<2000x1xf32, #tpu.memory_space<vmem>>, vector<2000x1xf32>,
    return
  }
  func.func @transform_0(%arg0: i32) -> (i32, i32) {
    %c0_i32 = arith.constant 0 : i32
    %c0_i32_0 = arith.constant 0 : i32
    return %arg0, %c0_i32 : i32, i32
  }
  func.func @transform_1(%arg0: i32) -> (i32, i32) {
    %c0_i32 = arith.constant 0 : i32
    %c0_i32_0 = arith.constant 0 : i32
    return %arg0, %c0_i32 : i32, i32
  }
  func.func @transform_2(%arg0: i32) -> (i32, i32) {
    %c0_i32 = arith.constant 0 : i32
    %c0_i32_0 = arith.constant 0 : i32
    return %arg0, %c0_i32 : i32, i32
  }
  func.func @transform_3(%arg0: i32) -> (i32, i32) {
    %c0_i32 = arith.constant 0 : i32
    %c0_i32_0 = arith.constant 0 : i32
    return %arg0, %c0_i32 : i32, i32
  }
  func.func @transform_4(%arg0: i32) -> (i32, i32) {
    %c0_i32 = arith.constant 0 : i32
    %c0_i32_0 = arith.constant 0 : i32
    return %arg0, %c0_i32 : i32, i32
  }
  func.func @transform_5(%arg0: i32) -> (i32, i32) {
    %c0_i32 = arith.constant 0 : i32
    %c0_i32_0 = arith.constant 0 : i32
    return %arg0, %c0_i32 : i32, i32
  }
  func.func @transform_6(%arg0: i32) -> (i32, i32) {
    %c0_i32 = arith.constant 0 : i32
    %c0_i32_0 = arith.constant 0 : i32
    return %arg0, %c0_i32 : i32, i32
  }
  func.func @transform_7(%arg0: i32) -> (i32, i32) {
    %c0_i32 = arith.constant 0 : i32
    %c0_i32_0 = arith.constant 0 : i32
    return %arg0, %c0_i32 : i32, i32
  }
  func.func @transform_8(%arg0: i32) -> (i32, i32) {
    %c0_i32 = arith.constant 0 : i32
    %c0_i32_0 = arith.constant 0 : i32
    return %arg0, %c0_i32 : i32, i32
  }
}

</mosaic_0001>

<sc_bundles>
// kernel: kernel.5.cloned.1.call-start
scs
__scs_entry_jumppad:
0x0: {  	(pc) =	sbr.rel $0x88, $3  }
0x1: {  	(tag) =	ssettag $0x0;
	lr =	simm.s32 $0x1  }
0x2: {  	[smem:$0x3F9A] =	sst lr;
	_ =	strace $0xD0000000  }
0x3: {  	_ = 	snop  }
0x4: {  	_ = 	snop  }
0x5: {  	_ = 	snop  }
0x6: {  	_ = 	snop  }
0x7: {  	_ = 	snop  }
__scs_overlays_trampoline_lowered:
0x8: {  	[smem:$0x3FA9] =	sst s0  }
0x9: {  	[smem:$0x3FAA] =	sst s1  }
0xa: {  	[smem:$0x3FAB] =	sst s2  }
0xb: {  	[smem:$0x3FAC] =	sst s3  }
0xc: {  	[smem:$0x3FAD] =	sst s4  }
0xd: {  	[smem:$0x3FAE] =	sst s5  }
0xe: {  	[smem:$0x3FAF] =	sst s6  }
0xf: {  	[smem:$0x3FB0] =	sst s7  }
0x10: {  	[smem:$0x3FB1] =	sst s8  }
0x11: {  	[smem:$0x3FB2] =	sst s9;
	s0 =	simm.s32 @!p0 $0x0  }
0x12: {  	s1 =	sld [smem:$0x3F98];
	s0 =	simm.s32 @p0 $0x1  }
0x13: {  	[smem:$0x3FB3] =	sst s0;
	s0 =	simm.s32 @!p1 $0x0  }
0x14: {  	s2 =	sld [smem:$0x3F97];
	s0 =	simm.s32 @p1 $0x1  }
0x15: {  	[smem:$0x3FB4] =	sst s0;
	s0 =	simm.s32 @!p2 $0x0  }
0x16: {  	s3 =	sld [smem:$0x3FDB];
	s0 =	simm.s32 @p2 $0x1  }
0x17: {  	s4 =	simm.s32 $0x1BF5;
	[smem:$0x3FB6] =	sst s0  }
0x18: {  	s0 =	sld [smem:$0x3F99];
	_ =	swait.ge [sflag:s4], $0x0  }
0x19: {  	s7 =	sld [smem:$0x3F9A]  }
0x1a: {  	s8 =	sadd.s32 $0xFFFFE003, lr  }
0x1b: {  	s9 =	sadd.s32 $0xFFFFFEF7, lr;
	s5 =	simm.s32 $0xFFFFFFFF;
	p2 =	slt.u32 s8, $0xFFFFF086  }
0x1c: {  	p1 =	slt.u32 s9, $0xF7A;
	s5 =	simm.s32 @!p2 $0x0  }
0x1d: {  	s5 =	simm.s32 @p1 $0x1;
	p0 =	seq.s32 s7, s2  }
0x1e: {  	s7 =	smul.u32 @!p0 $0xF7A, s2;
	p2 =	seq.s32 @!p0 s5, $0x0  }
0x1f: {  	s9 =	smul.u32 $0xF7A, s1;
	s8 =	simm.s32 @!p0 $0x1BF5;
	p2 =	por !p2, p0  }
0x20: {  	[sflag:s8] =	ssyncset.s32 @!p0 $0xFFFFF086;
	s6 =	sadd.s32 @!p0 s3, s7;
	s7 =	simm.s32 @!p0 $0x108  }
0x21: {  	s3 =	sadd.s32 s3, s9;
	s6 =	sadd.s32 @!p0 $0x88, s6;
	s7 =	simm.s32 @p2 $0x1082  }
0x22: {  	[simem:s7], [sflag:s8] =	dma.local @!p0 [hbm:s6], $0xF7A  }
0x23: {  	s9 =	sor.u32 $0xD0000000, s2;
	s6 =	simm.s32 $0x108;
	_ =	swait.ge @!p0 [sflag:s8], $0x0  }
0x24: {  	s3 =	sadd.s32 $0x88, s3;
	s6 =	simm.s32 @!p1 $0x1082;
	[sflag:s4] =	ssyncset.s32 $0xFFFFF086  }
0x25: {  	[simem:s6], [sflag:s4] =	dma.local [hbm:s3], $0xF7A  }
0x26: {  	[smem:$0x3F9A] =	sst s1;
	(tag) =	ssettag s2;
	_ =	strace s9  }
0x27: {  	s1 =	sld [smem:$0x3FAA]  }
0x28: {  	s2 =	sld [smem:$0x3FAB]  }
0x29: {  	s4 =	sld [smem:$0x3FAD]  }
0x2a: {  	p0 =	seq.s32 s5, $0x0;
	s5 =	sld [smem:$0x3FAE]  }
0x2b: {  	s6 =	sld [smem:$0x3FAF]  }
0x2c: {  	s7 =	sld [smem:$0x3FB0]  }
0x2d: {  	s3 =	simm.s32 $0x108;
	s8 =	sld [smem:$0x3FB1]  }
0x2e: {  	s3 =	simm.s32 @!p0 $0x1082;
	s9 =	sld [smem:$0x3FB2]  }
0x2f: {  	lr =	sadd.s32 s0, s3;
	s0 =	sld [smem:$0x3FA9]  }
0x30: {  	s3 =	sld [smem:$0x3FAC]  }
0x31: {  	[smem:$0x3FB5] =	sst s10  }
0x32: {  	s10 =	sld [smem:$0x3FB3];
	_ =	sdelay $0x3  }
0x33: {  	p0 =	seq.s32 s10, $0x1;
	s10 =	sld [smem:$0x3FB5];
	_ =	sdelay $0x3  }
0x34: {  	[smem:$0x3FB5] =	sst s10  }
0x35: {  	s10 =	sld [smem:$0x3FB4];
	_ =	sdelay $0x3  }
0x36: {  	p1 =	seq.s32 s10, $0x1;
	s10 =	sld [smem:$0x3FB5];
	_ =	sdelay $0x3  }
0x37: {  	[smem:$0x3FB5] =	sst s10  }
0x38: {  	s10 =	sld [smem:$0x3FB6]  }
0x39: {  	_ = 	snop;
	(pc) =	sbr.ind lr, $3  }
0x3a: {  	_ = 	snop  }
0x3b: {  	_ = 	snop  }
0x3c: {  	p2 =	seq.s32 s10, $0x1;
	s10 =	sld [smem:$0x3FB5]  }
0x3d: {  	_ =	shalt  }
0x3e: {  	_ =	shalt  }
0x3f: {  	_ =	shalt  }
0x40: {  	_ =	shalt  }
0x41: {  	_ =	shalt  }
0x42: {  	_ =	shalt  }
0x43: {  	_ =	shalt  }
0x44: {  	_ =	shalt  }
0x45: {  	_ =	shalt  }
0x46: {  	_ =	shalt  }
0x47: {  	_ =	shalt  }
0x48: {  	_ =	shalt  }
0x49: {  	_ =	shalt  }
0x4a: {  	_ =	shalt  }
0x4b: {  	_ =	shalt  }
0x4c: {  	_ =	shalt  }
0x4d: {  	_ =	shalt  }
0x4e: {  	_ =	shalt  }
0x4f: {  	_ =	shalt  }
0x50: {  	_ =	shalt  }
0x51: {  	_ =	shalt  }
0x52: {  	_ =	shalt  }
0x53: {  	_ =	shalt  }
0x54: {  	_ =	shalt  }
0x55: {  	_ =	shalt  }
0x56: {  	_ =	shalt  }
0x57: {  	_ =	shalt  }
0x58: {  	_ =	shalt  }
0x59: {  	_ =	shalt  }
0x5a: {  	_ =	shalt  }
0x5b: {  	_ =	shalt  }
0x5c: {  	_ =	shalt  }
0x5d: {  	_ =	shalt  }
0x5e: {  	_ =	shalt  }
0x5f: {  	_ =	shalt  }
0x60: {  	_ =	shalt  }
0x61: {  	_ =	shalt  }
0x62: {  	_ =	shalt  }
0x63: {  	_ =	shalt  }
0x64: {  	_ =	shalt  }
0x65: {  	_ =	shalt  }
0x66: {  	_ =	shalt  }
0x67: {  	_ =	shalt  }
0x68: {  	_ =	shalt  }
0x69: {  	_ =	shalt  }
0x6a: {  	_ =	shalt  }
0x6b: {  	_ =	shalt  }
0x6c: {  	_ =	shalt  }
0x6d: {  	_ =	shalt  }
0x6e: {  	_ =	shalt  }
0x6f: {  	_ =	shalt  }
0x70: {  	_ =	shalt  }
0x71: {  	_ =	shalt  }
0x72: {  	_ =	shalt  }
0x73: {  	_ =	shalt  }
0x74: {  	_ =	shalt  }
0x75: {  	_ =	shalt  }
0x76: {  	_ =	shalt  }
0x77: {  	_ =	shalt  }
0x78: {  	_ =	shalt  }
0x79: {  	_ =	shalt  }
0x7a: {  	_ =	shalt  }
0x7b: {  	_ =	shalt  }
0x7c: {  	_ =	shalt  }
0x7d: {  	_ =	shalt  }
0x7e: {  	_ =	shalt  }
0x7f: {  	_ =	shalt  }
0x80: {  	_ =	shalt  }
0x81: {  	_ =	shalt  }
0x82: {  	_ =	shalt  }
0x83: {  	_ =	shalt  }
0x84: {  	_ =	shalt  }
0x85: {  	_ =	shalt  }
0x86: {  	_ =	shalt  }
0x87: {  	_ =	shalt  }
.Lfunc_end0:
.L_simem_size_0:
called_computation_lowered:
.L_overlay_start_0:
0x88: {  	s2 =	sld [smem:$0x3FD9]  }
0x89: {  	s3 =	sld [smem:$0x3FFE];
	_ =	sdelay $0x1  }
0x8a: {  	s1 =	srdreg.scid  }
0x8b: {  	s0 =	sand.u32 $0x1, s1  }
0x8c: {  	s14 =	sshll.u32 s0, $0xA;
	s2 =	sadd.s32 s3, s2  }
0x8d: {  	s2 =	sadd.s32 s2, s14  }
0x8e: {  	[smem:$0x3FC1] =	sst s2  }
0x8f: {  	_ = 	snop  }
0x90: {  	s2 =	sld [smem:$0x3FD0];
	_ =	sdelay $0x1  }
0x91: {  	s15 =	sld [smem:$0x3FC9]  }
0x92: {  	s5 =	simm.s32 $0xA;
	s6 =	simm.s32 $0x10;
	s4 =	sld [smem:$0x3FC8]  }
0x93: {  	[smem:s6], [sflag:s5] =	dma.local [hbm:s2], $0x1  }
0x94: {  	_ =	swait.eq [sflag:s5], $0x1  }
0x95: {  	[sflag:s5] =	ssyncset.done $0x0  }
0x96: {  	[sflag:s5] =	ssyncadd.s32 $0xFFFFFFFF  }
0x97: {  	s16 =	sld [smem:$0x12];
	(tm) =	ssettm $0x1  }
0x98: {  	s17 =	sld [smem:$0x3FFB];
	_ =	sdelay $0x3  }
0x99: {  	_ =	strace s17  }
0x9a: {  	s5 =	sld [smem:$0x3FFC];
	_ =	sdelay $0x3  }
0x9b: {  	_ =	strace s5  }
0x9c: {  	s5 =	sld [smem:$0x3FFD];
	_ =	sdelay $0x3  }
0x9d: {  	_ =	strace s5  }
0x9e: {  	_ =	strace $0x8FFFFFFF  }
0x9f: {  	s18 =	sld [smem:$0x3FDB];
	_ =	sdelay $0x1  }
0xa0: {  	s19 =	simm.s32 $_scs_section_size  }
0xa1: {  	s7 =	simm.s32 $_size__tile_overlayer_lowered;
	s8 =	simm.s32 $_tile_overlayer_lowered  }
0xa2: {  	s22 =	simm.s32 $0x1BFF;
	s21 =	sshll.u32 s8, $0x1;
	s5 =	sadd.s32 s19, s18  }
0xa3: {  	s9 =	simm.s32 $0x0;
	s20 =	sshll.u32 s7, $0x1;
	s7 =	sadd.s32 s21, s5  }
0xa4: {  	[timem:s9], [sflag:s22] =	dma.local [hbm:s7], s20  }
0xa5: {  	_ =	swait.ge [sflag:s22], s20  }
0xa6: {  	s6 =	ssub.s32 $0x0, s20;
	[sflag:s22] =	ssyncset.done $0x0  }
0xa7: {  	[sflag:s22] =	ssyncadd.s32 s6;
	_ =	sdelay $0x1  }
0xa8: {  	s23 =	simm.s32 $0x1B8B  }
0xa9: {  	_ =	swait.ge [sflag:s23], $0x1  }
0xaa: {  	[sflag:s23] =	ssyncset.done $0x0  }
0xab: {  	s25 =	simm.s32 $0x1B8E;
	s24 =	sld [smem:$0x3FFE];
	[sflag:s23] =	ssyncadd.s32 $0xFFFFFFFF  }
0xac: {  	s26 =	simm.s32 $execute0_lowered;
	[smem:$0x3FD2] =	sst s25  }
0xad: {  	s7 =	sshll.u32 s26, $0x1;
	_ =	strace $0x80000046;
	[dreg:$0x1] =	wrdreg $0xFFFFFFFF  }
0xae: {  	s28 =	simm.s32 $_size_execute0_lowered;
	s5 =	sadd.s32 s5, s7;
	[dreg:$0x0] =	wrdreg $0x0  }
0xaf: {  	s7 =	sshll.u32 s28, $0x1;
	[dreg:$0x2] =	wrdreg s5  }
0xb0: {  	[dreg:$0x3] =	wrdreg s7  }
0xb1: {  	[dreg:$0x4] =	wrdreg $0xC0  }
0xb2: {  	_ =	task [dreg:s9], $0x5FFFF  }
0xb3: {  	[dreg:$0x1] =	wrdreg $0xFFFFFFFF  }
0xb4: {  	[dreg:$0x0] =	wrdreg $0x60  }
0xb5: {  	[dreg:$0x2] =	wrdreg s15  }
0xb6: {  	[dreg:$0x3] =	wrdreg s4  }
0xb7: {  	[dreg:$0x4] =	wrdreg s24  }
0xb8: {  	[dreg:$0x5] =	wrdreg s16  }
0xb9: {  	[dreg:$0x6] =	wrdreg $0xBA800  }
0xba: {  	[dreg:$0x7] =	wrdreg $0x15A800  }
0xbb: {  	[dreg:$0x8] =	wrdreg $0x1FA800  }
0xbc: {  	[dreg:$0x9] =	wrdreg $0x9  }
0xbd: {  	_ =	task.clear_ibuf [dreg:s9], $0xAFFFF;
	_ =	strace $0x90000046  }
0xbe: {  	s29 =	simm.s32 $0x9;
	_ =	strace $0x80000048  }
0xbf: {  	_ =	swait.ge [sflag:s29], $0x1  }
0xc0: {  	[sflag:s29] =	ssyncadd.s32 $0xFFFFFFFF  }
0xc1: {  	_ =	strace $0x90000048  }
0xc2: {  	_ =	sfence  }
0xc3: {  	s30 =	sld [smem:$0x0];
	_ =	sdelay $0x2  }
0xc4: {  	s31 =	sshll.u32 s1, $0xD;
	s1 =	sshrl.u32 s1, $0x2  }
0xc5: {  	s3 =	sand.u32 $0x4000, s31;
	s1 =	sadd.s32 s1, s30  }
0xc6: {  	s0 =	sor.u32 s3, s0;
	s1 =	sshll.u32 s1, $0x11  }
0xc7: {  	s0 =	sor.u32 s1, s0  }
0xc8: {  	s0 =	sadd.s32 $0x8F2B, s0  }
0xc9: {  	[sflag:s0] =	ssyncadd.remote.s32 $0x1  }
0xca: {  	_ =	sfence.sel $0xFFFF  }
0xcb: {  	[dreg:$0x0] =	wrdreg $0xFFFFFFFF;
	(pc) =	sbr.abs _section_cstart, $3  }
0xcc: {  	[dreg:$0x1] =	wrdreg $0xFFFFFFFF  }
0xcd: {  	_ =	task.clear_ibuf [dreg:s9], $0x2FFFF;
	_ =	strace $0x9FFFFFFF  }
0xce: {  	(tm) =	ssettm $0x7FFFFFFF  }
0xcf: {  	_ =	shalt  }
tec
execute0_lowered:
.L_overlay_start_1:
0x0: {  	(tag) =	ssettag $0x1  }
0x1: {  	s0 =	rddreg [dreg:$0x0]  }
0x2: {  	s1 =	rddreg [dreg:$0x1]  }
0x3: {  	s2 =	rddreg [dreg:$0x2]  }
0x4: {  	s5 =	rddreg [dreg:$0x3]  }
0x5: {  	s3 =	rddreg [dreg:$0x4]  }
0x6: {  	s4 =	rddreg [dreg:$0x5]  }
0x7: {  	s22 =	rddreg [dreg:$0x6];
	s6 =	simm.s32 $0x0  }
0x8: {  	s8 =	srdreg.scid;
	s7 =	stileid.u32;
	s28 =	simm.s32 $0xA180  }
0x9: {  	s29 =	simm.s32 $0x2800;
	s30 =	simm.s32 $0x7800;
	[smem:$0x7FF] =	sst s6  }
0xa: {  	s8 =	sand.u32 $0x1, s8;
	s10 =	smul.u32 $0xA000, s7;
	s11 =	sadd.s32 $0x1600, s2  }
0xb: {  	s2 =	sadd.s32 $0x29600, s2;
	s18 =	smul.u32 $0xA, s7;
	p0 =	sne.s32 s7, $0x0  }
0xc: {  	_ =	strace $0x80000047;
	s9 =	ssub.s32 $0x2, s8;
	s13 =	smul.u32 $0xA0000, s8  }
0xd: {  	s31 =	smul.u32 $0x300, s8;
	p1 =	seq.s32 s8, $0x0;
	s12 =	sshrl.u32 s9, $0x1  }
0xe: {  	s23 =	sadd.s32 s10, s3;
	s24 =	sadd.s32 s10, s4;
	s20 =	sadd.s32 $0x2800, s10  }
0xf: {  	s15 =	sadd.s32 $0x5000, s10;
	s14 =	sadd.s32 s10, s13;
	[dreg:$0x8] =	wrdreg s23  }
0x10: {  	s19 =	sadd.s32 s15, s4;
	[dreg:$0x9] =	wrdreg s24;
	s14 =	sshrl.u32 s14, $0x3  }
0x11: {  	s16 =	sadd.s32 s13, s20;
	[dreg:$0x16] =	wrdreg s19;
	s17 =	sadd.s32 s11, s14  }
0x12: {  	s16 =	sshrl.u32 s16, $0x3;
	s14 =	sadd.s32 s2, s14;
	[dreg:$0xa] =	wrdreg s17  }
0x13: {  	s9 =	ssub.s32 s9, s12;
	s21 =	sadd.s32 s11, s16;
	[dreg:$0xb] =	wrdreg s14  }
0x14: {  	s10 =	sadd.s32 $0x7800, s10;
	s16 =	sadd.s32 s2, s16;
	[dreg:$0xc] =	wrdreg s21  }
0x15: {  	s25 =	sadd.s32 s13, s15;
	[dreg:$0xd] =	wrdreg s16;
	s16 =	sadd.s32 s20, s4  }
0x16: {  	s12 =	simm.s32 $0xA080;
	s17 =	sadd.s32 s15, s3;
	[dreg:$0x14] =	wrdreg s16  }
0x17: {  	s13 =	sadd.s32 s13, s10;
	s21 =	sadd.s32 s10, s3;
	[dreg:$0x15] =	wrdreg s17  }
0x18: {  	s19 =	sor.u32 $0xF90, s7;
	s10 =	sadd.s32 s10, s4;
	[dreg:$0x17] =	wrdreg s21  }
0x19: {  	s14 =	sshrl.u32 s25, $0x3;
	s25 =	sadd.s32 s20, s3;
	[dreg:$0x18] =	wrdreg s10  }
0x1a: {  	s13 =	sshrl.u32 s13, $0x3;
	s26 =	sadd.s32 s11, s14;
	[dreg:$0x12] =	wrdreg s25  }
0x1b: {  	s20 =	smul.u32 $0x500, s7;
	s14 =	sadd.s32 s2, s14;
	[dreg:$0xe] =	wrdreg s26  }
0x1c: {  	s15 =	simm.s32 $0x5;
	s11 =	sadd.s32 s11, s13;
	[dreg:$0xf] =	wrdreg s14  }
0x1d: {  	s2 =	sadd.s32 s2, s13;
	s13 =	sadd.s32 s5, s31;
	[dreg:$0x10] =	wrdreg s11  }
0x1e: {  	s5 =	sadd.s32 s1, s18;
	s31 =	smax.u32 s9, $0x1;
	[dreg:$0x11] =	wrdreg s2  }
0x1f: {  	s16 =	simm.s32 $0xA200;
	s17 =	simm.s32 $0x50;
	[dreg:$0x13] =	wrdreg s13  }
0x20: {  	s18 =	simm.s32 $0xA100;
	s14 =	smul.u32 $0x50, s7;
	[dreg:$0x19] =	wrdreg s5  }
.Ltmp0:
0x21: {  	s26 =	sadd.s32 s0, s20;
	[dreg:$0x1c] =	wrdreg s31;
	(pc) =	sbr.rel .LBB2_1-.Ltmp0, $4  }
0x22: {  	s11 =	simm.s32 $0xA000;
	s13 =	simm.s32 $0x1;
	s2 =	sshrl.u32 s14, $0x3  }
0x23: {  	s20 =	simm.s32 $0x5000;
	s5 =	simm.s32 $0x0;
	s2 =	sadd.s32 s1, s2  }
0x24: {  	v0 =	vimm.f32 $0.0e+00;
	v1 =	vlaneseq.u32;
	[dreg:$0x1b] =	wrdreg s26;
	s26 =	simm.s32 $0x6;
	s2 =	sadd.s32 $0xA0, s2  }
0x25: {  	v4 =	vimm.f32 $1.000000000e+00;
	v2 =	vor.u32 $0x10, v1;
	v3 =	vor.u32 $0x20, v1;
	s14 =	simm.s32 $0x2;
	[dreg:$0x1a] =	wrdreg s2;
	s2 =	simm.s32 $0x7  }
.LBB2_18:
0x26: {  	s9 =	sld [smem:$0x0];
	_ =	sdelay $0x2  }
0x27: {  	p2 =	sne.s32 s9, $0x1  }
0x28: {  	s9 =	simm.s32 @!p2 $0x3  }
0x29: {  	_ =	swait.ge @!p2 [sflag:s9], $0x2800  }
0x2a: {  	[sflag:s9] =	ssyncset.done @!p2 $0x0  }
0x2b: {  	[sflag:s9] =	ssyncadd.s32 @!p2 $0xFFFFD800  }
0x2c: {  	_ =	swait.ge @!p2 [sflag:s9], $0x2800  }
0x2d: {  	[sflag:s9] =	ssyncset.done @!p2 $0x0  }
0x2e: {  	[sflag:s9] =	ssyncadd.s32 @!p2 $0xFFFFD800  }
0x2f: {  	s9 =	sld [smem:$0x1];
	_ =	sdelay $0x2  }
0x30: {  	p2 =	sne.s32 s9, $0x1  }
0x31: {  	s9 =	simm.s32 @!p2 $0x4  }
0x32: {  	_ =	swait.ge @!p2 [sflag:s9], $0x2800  }
0x33: {  	[sflag:s9] =	ssyncset.done @!p2 $0x0  }
0x34: {  	[sflag:s9] =	ssyncadd.s32 @!p2 $0xFFFFD800  }
0x35: {  	_ =	swait.ge @!p2 [sflag:s9], $0x2800  }
0x36: {  	[sflag:s9] =	ssyncset.done @!p2 $0x0  }
0x37: {  	[sflag:s9] =	ssyncadd.s32 @!p2 $0xFFFFD800  }
0x38: {  	s24 =	simm.s32 $0x30;
	s10 =	simm.s32 $0xBA00;
	[bflag:$0x0] =	sbarrier.arrive $0xFFFF  }
0x39: {  	[spmem:s25] =	stream.indirect.scatter.add.f32 [tilespmem:s16], [sflag:$0x7], $0x80, s10, s24, $0xb8;
	[tilespmem:$0x1FC00] =	vst v63  }
0x3a: {  	_ =	swait.ge [sflag:s2], $0x1800  }
0x3b: {  	[sflag:s2] =	ssyncset.done $0x0  }
0x3c: {  	[sflag:s2] =	ssyncadd.s32 $0xFFFFE800  }
0x3d: {  	[bflag:$0x0] =	sbarrier.arrive $0xFFFF  }
0x3e: {  	s23 =	rddreg [dreg:$0x8]  }
0x3f: {  	[tilespmem:s6], [sflag:$0x7] =	stream.linear.gather [spmem:s23], $0x2800, $0x38;
	[tilespmem:$0x1FC00] =	vst v63  }
0x40: {  	_ =	swait.ge [sflag:s2], $0x2800  }
0x41: {  	[sflag:s2] =	ssyncset.done $0x0  }
0x42: {  	s22 =	smov.u32 s25;
	s25 =	rddreg [dreg:$0xa];
	[sflag:s2] =	ssyncadd.s32 $0xFFFFD800  }
0x43: {  	[hbm4b:s25+s6] =	stream.linear.scatter [tilespmem:s6], [sflag:$0x7], $0x2800, $0x38;
	[tilespmem:$0x1FC00] =	vst v63  }
0x44: {  	_ =	swait.ge [sflag:s2], $0x2800  }
0x45: {  	[sflag:s2] =	ssyncset.done $0x0  }
0x46: {  	s24 =	rddreg [dreg:$0x9];
	[sflag:s2] =	ssyncadd.s32 $0xFFFFD800  }
0x47: {  	[tilespmem:s29], [sflag:$0x7] =	stream.linear.gather [spmem:s24], $0x2800, $0x38;
	[tilespmem:$0x1FC00] =	vst v63  }
0x48: {  	_ =	swait.ge [sflag:s2], $0x2800  }
0x49: {  	[sflag:s2] =	ssyncset.done $0x0  }
0x4a: {  	s31 =	rddreg [dreg:$0xb];
	[sflag:s2] =	ssyncadd.s32 $0xFFFFD800  }
0x4b: {  	[hbm4b:s31+s6] =	stream.linear.scatter [tilespmem:s29], [sflag:$0x7], $0x2800, $0x38;
	[tilespmem:$0x1FC00] =	vst v63  }
0x4c: {  	_ =	swait.ge [sflag:s2], $0x2800  }
0x4d: {  	[sflag:s2] =	ssyncset.done $0x0  }
0x4e: {  	s25 =	rddreg [dreg:$0x12];
	[sflag:s2] =	ssyncadd.s32 $0xFFFFD800  }
0x4f: {  	[tilespmem:s6], [sflag:$0x7] =	stream.linear.gather [spmem:s25], $0x2800, $0x38;
	[tilespmem:$0x1FC00] =	vst v63  }
0x50: {  	_ =	swait.ge [sflag:s2], $0x2800  }
0x51: {  	[sflag:s2] =	ssyncset.done $0x0  }
0x52: {  	s10 =	rddreg [dreg:$0xc];
	[sflag:s2] =	ssyncadd.s32 $0xFFFFD800  }
0x53: {  	[hbm4b:s10+s6] =	stream.linear.scatter [tilespmem:s6], [sflag:$0x7], $0x2800, $0x38;
	[tilespmem:$0x1FC00] =	vst v63  }
0x54: {  	_ =	swait.ge [sflag:s2], $0x2800  }
0x55: {  	[sflag:s2] =	ssyncset.done $0x0  }
0x56: {  	s21 =	rddreg [dreg:$0x14];
	[sflag:s2] =	ssyncadd.s32 $0xFFFFD800  }
0x57: {  	[tilespmem:s29], [sflag:$0x7] =	stream.linear.gather [spmem:s21], $0x2800, $0x38;
	[tilespmem:$0x1FC00] =	vst v63  }
0x58: {  	_ =	swait.ge [sflag:s2], $0x2800  }
0x59: {  	[sflag:s2] =	ssyncset.done $0x0  }
0x5a: {  	s31 =	rddreg [dreg:$0xd];
	[sflag:s2] =	ssyncadd.s32 $0xFFFFD800  }
0x5b: {  	[hbm4b:s31+s6] =	stream.linear.scatter [tilespmem:s29], [sflag:$0x7], $0x2800, $0x38;
	[tilespmem:$0x1FC00] =	vst v63  }
0x5c: {  	_ =	swait.ge [sflag:s2], $0x2800  }
0x5d: {  	[sflag:s2] =	ssyncset.done $0x0  }
0x5e: {  	s10 =	rddreg [dreg:$0x15];
	[sflag:s2] =	ssyncadd.s32 $0xFFFFD800  }
0x5f: {  	[tilespmem:s6], [sflag:$0x7] =	stream.linear.gather [spmem:s10], $0x2800, $0x38;
	[tilespmem:$0x1FC00] =	vst v63  }
0x60: {  	_ =	swait.ge [sflag:s2], $0x2800  }
0x61: {  	[sflag:s2] =	ssyncset.done $0x0  }
0x62: {  	s21 =	rddreg [dreg:$0xe];
	[sflag:s2] =	ssyncadd.s32 $0xFFFFD800  }
0x63: {  	[hbm4b:s21+s6] =	stream.linear.scatter [tilespmem:s6], [sflag:$0x7], $0x2800, $0x38;
	[tilespmem:$0x1FC00] =	vst v63  }
0x64: {  	_ =	swait.ge [sflag:s2], $0x2800  }
0x65: {  	[sflag:s2] =	ssyncset.done $0x0  }
0x66: {  	s31 =	rddreg [dreg:$0x16];
	[sflag:s2] =	ssyncadd.s32 $0xFFFFD800  }
0x67: {  	[tilespmem:s29], [sflag:$0x7] =	stream.linear.gather [spmem:s31], $0x2800, $0x38;
	[tilespmem:$0x1FC00] =	vst v63  }
0x68: {  	_ =	swait.ge [sflag:s2], $0x2800  }
0x69: {  	[sflag:s2] =	ssyncset.done $0x0  }
0x6a: {  	s10 =	rddreg [dreg:$0xf];
	[sflag:s2] =	ssyncadd.s32 $0xFFFFD800  }
0x6b: {  	[hbm4b:s10+s6] =	stream.linear.scatter [tilespmem:s29], [sflag:$0x7], $0x2800, $0x38;
	[tilespmem:$0x1FC00] =	vst v63  }
0x6c: {  	_ =	swait.ge [sflag:s2], $0x2800  }
0x6d: {  	[sflag:s2] =	ssyncset.done $0x0  }
0x6e: {  	s21 =	rddreg [dreg:$0x17];
	[sflag:s2] =	ssyncadd.s32 $0xFFFFD800  }
0x6f: {  	[tilespmem:s6], [sflag:$0x7] =	stream.linear.gather [spmem:s21], $0x2800, $0x38;
	[tilespmem:$0x1FC00] =	vst v63  }
0x70: {  	_ =	swait.ge [sflag:s2], $0x2800  }
0x71: {  	[sflag:s2] =	ssyncset.done $0x0  }
0x72: {  	s31 =	rddreg [dreg:$0x10];
	[sflag:s2] =	ssyncadd.s32 $0xFFFFD800  }
0x73: {  	[hbm4b:s31+s6] =	stream.linear.scatter [tilespmem:s6], [sflag:$0x7], $0x2800, $0x38;
	[tilespmem:$0x1FC00] =	vst v63  }
0x74: {  	_ =	swait.ge [sflag:s2], $0x2800  }
0x75: {  	[sflag:s2] =	ssyncset.done $0x0  }
0x76: {  	s10 =	rddreg [dreg:$0x18];
	[sflag:s2] =	ssyncadd.s32 $0xFFFFD800  }
0x77: {  	[tilespmem:s29], [sflag:$0x7] =	stream.linear.gather [spmem:s10], $0x2800, $0x38;
	[tilespmem:$0x1FC00] =	vst v63  }
0x78: {  	_ =	swait.ge [sflag:s2], $0x2800  }
0x79: {  	[sflag:s2] =	ssyncset.done $0x0  }
0x7a: {  	s21 =	rddreg [dreg:$0x11];
	[sflag:s2] =	ssyncadd.s32 $0xFFFFD800  }
0x7b: {  	[hbm4b:s21+s6] =	stream.linear.scatter [tilespmem:s29], [sflag:$0x7], $0x2800, $0x38;
	[tilespmem:$0x1FC00] =	vst v63  }
0x7c: {  	_ =	swait.ge [sflag:s2], $0x2800  }
0x7d: {  	[sflag:s2] =	ssyncset.done $0x0  }
0x7e: {  	s9 =	simm.s32 @!p0 $0xA200;
	s10 =	simm.s32 @!p0 $0x7;
	[sflag:s2] =	ssyncadd.s32 $0xFFFFD800  }
0x7f: {  	[tilespmem:s9], [sflag:$0x7] =	stream.linear.gather @!p0 [spmem:s22], $0x1800, $0x38;
	[tilespmem:$0x1FC00] =	vst v63  }
0x80: {  	_ =	swait.ge @!p0 [sflag:s10], $0x1800  }
0x81: {  	[sflag:s10] =	ssyncset.done @!p0 $0x0  }
0x82: {  	s21 =	simm.s32 @!p0 $0x0;
	s31 =	rddreg [dreg:$0x13];
	[sflag:s10] =	ssyncadd.s32 @!p0 $0xFFFFE800  }
0x83: {  	[hbm4b:s31+s21] =	stream.linear.scatter @!p0 [tilespmem:s9], [sflag:$0x7], $0x1800, $0x38;
	[tilespmem:$0x1FC00] =	vst v63  }
0x84: {  	_ =	swait.ge @!p0 [sflag:s10], $0x1800  }
0x85: {  	s5 =	sadd.s32 $0x1, s5;
	s31 =	rddreg [dreg:$0x1c]  }
0x86: {  	p2 =	sne.s32 s5, s31  }
.Ltmp1:
0x87: {  	_ = 	snop;
	(pc) =	sbr.rel @!p2 .LBB2_19-.Ltmp1, $3  }
0x88: {  	_ =	sdelay $0x1  }
0x89: {  	[sflag:s10] =	ssyncset.done @!p0 $0x0  }
0x8a: {  	[sflag:s10] =	ssyncadd.s32 @!p0 $0xFFFFE800  }
.LBB2_1:
0x8b: {  	s9 =	simm.s32 $0x0;
	s10 =	simm.s32 $0x200  }
.LBB2_2:
0x8c: {  	p2 =	sne.s32 s10, $0x9E00;
	[tilespmem:s9+$0x70] =	vst v0  }
0x8d: {  	[tilespmem:s9+$0x0] =	vst v0  }
0x8e: {  	[tilespmem:s9+$0x10] =	vst v0  }
.Ltmp2:
0x8f: {  	[tilespmem:s9+$0x20] =	vst v0;
	(pc) =	sbr.rel @p2 .LBB2_2-.Ltmp2, $4  }
0x90: {  	[tilespmem:s9+$0x30] =	vst v0  }
0x91: {  	[tilespmem:s9+$0x40] =	vst v0  }
0x92: {  	[tilespmem:s9+$0x50] =	vst v0  }
0x93: {  	[tilespmem:s9+$0x60] =	vst v0;
	s9 =	sshra.s32 s10, $0x2;
	s10 =	sadd.s32 $0x200, s10  }
0x94: {  	[tilespmem:s9+$0x70] =	vst v0  }
0x95: {  	[tilespmem:s9+$0x0] =	vst v0  }
0x96: {  	[tilespmem:s9+$0x10] =	vst v0  }
0x97: {  	[tilespmem:s9+$0x20] =	vst v0  }
0x98: {  	[tilespmem:s9+$0x30] =	vst v0  }
0x99: {  	[tilespmem:s9+$0x40] =	vst v0  }
0x9a: {  	[tilespmem:s9+$0x50] =	vst v0  }
0x9b: {  	[tilespmem:s9+$0x60] =	vst v0;
	s9 =	simm.s32 $0x0;
	s10 =	simm.s32 $0x200  }
.LBB2_4:
0x9c: {  	p2 =	sne.s32 s10, $0x5E00;
	[tilespmem:s9+$0xA270] =	vst v0  }
0x9d: {  	[tilespmem:s9+$0xA200] =	vst v0  }
0x9e: {  	[tilespmem:s9+$0xA210] =	vst v0  }
.Ltmp3:
0x9f: {  	[tilespmem:s9+$0xA220] =	vst v0;
	(pc) =	sbr.rel @p2 .LBB2_4-.Ltmp3, $4  }
0xa0: {  	[tilespmem:s9+$0xA230] =	vst v0  }
0xa1: {  	[tilespmem:s9+$0xA240] =	vst v0  }
0xa2: {  	[tilespmem:s9+$0xA250] =	vst v0  }
0xa3: {  	[tilespmem:s9+$0xA260] =	vst v0;
	s9 =	sshra.s32 s10, $0x2;
	s10 =	sadd.s32 $0x200, s10  }
0xa4: {  	[tilespmem:s9+$0xA270] =	vst v0  }
0xa5: {  	[tilespmem:s9+$0xA200] =	vst v0  }
0xa6: {  	[tilespmem:s9+$0xA210] =	vst v0  }
0xa7: {  	[tilespmem:s9+$0xA220] =	vst v0  }
0xa8: {  	[tilespmem:s9+$0xA230] =	vst v0  }
0xa9: {  	[tilespmem:s9+$0xA240] =	vst v0  }
0xaa: {  	[tilespmem:s9+$0xA250] =	vst v0  }
0xab: {  	[tilespmem:s9+$0xA260] =	vst v0  }
0xac: {  	[tilespmem:$0xBA00] =	vst v1  }
0xad: {  	[smem:$0x0] =	sst s6;
	[tilespmem:$0xBA10] =	vst v2  }
0xae: {  	[tilespmem:$0xBA20] =	vst v3;
	[smem:$0x1] =	sst s6  }
0xaf: {  	[spmem:s23] =	stream.linear.scatter [tilespmem:s6], [sflag:$0x7], $0x2800, $0x38;
	[tilespmem:$0x1FC00] =	vst v63  }
0xb0: {  	_ =	swait.ge [sflag:s2], $0x2800  }
0xb1: {  	[sflag:s2] =	ssyncset.done $0x0  }
0xb2: {  	[sflag:s2] =	ssyncadd.s32 $0xFFFFD800  }
0xb3: {  	[spmem:s24] =	stream.linear.scatter [tilespmem:s6], [sflag:$0x7], $0x2800, $0x38;
	[tilespmem:$0x1FC00] =	vst v63  }
0xb4: {  	_ =	swait.ge [sflag:s2], $0x2800  }
0xb5: {  	[sflag:s2] =	ssyncset.done $0x0  }
0xb6: {  	[sflag:s2] =	ssyncadd.s32 $0xFFFFD800  }
0xb7: {  	[spmem:s25] =	stream.linear.scatter [tilespmem:s6], [sflag:$0x7], $0x2800, $0x38;
	[tilespmem:$0x1FC00] =	vst v63  }
0xb8: {  	_ =	swait.ge [sflag:s2], $0x2800  }
0xb9: {  	[sflag:s2] =	ssyncset.done $0x0  }
0xba: {  	s24 =	rddreg [dreg:$0x14];
	[sflag:s2] =	ssyncadd.s32 $0xFFFFD800  }
0xbb: {  	[spmem:s24] =	stream.linear.scatter [tilespmem:s6], [sflag:$0x7], $0x2800, $0x38;
	[tilespmem:$0x1FC00] =	vst v63  }
0xbc: {  	_ =	swait.ge [sflag:s2], $0x2800  }
0xbd: {  	[sflag:s2] =	ssyncset.done $0x0  }
0xbe: {  	s25 =	rddreg [dreg:$0x15];
	[sflag:s2] =	ssyncadd.s32 $0xFFFFD800  }
0xbf: {  	[spmem:s25] =	stream.linear.scatter [tilespmem:s6], [sflag:$0x7], $0x2800, $0x38;
	[tilespmem:$0x1FC00] =	vst v63  }
0xc0: {  	_ =	swait.ge [sflag:s2], $0x2800  }
0xc1: {  	[sflag:s2] =	ssyncset.done $0x0  }
0xc2: {  	s31 =	rddreg [dreg:$0x16];
	[sflag:s2] =	ssyncadd.s32 $0xFFFFD800  }
0xc3: {  	[spmem:s31] =	stream.linear.scatter [tilespmem:s6], [sflag:$0x7], $0x2800, $0x38;
	[tilespmem:$0x1FC00] =	vst v63  }
0xc4: {  	_ =	swait.ge [sflag:s2], $0x2800  }
0xc5: {  	[sflag:s2] =	ssyncset.done $0x0  }
0xc6: {  	s10 =	rddreg [dreg:$0x17];
	[sflag:s2] =	ssyncadd.s32 $0xFFFFD800  }
0xc7: {  	[spmem:s10] =	stream.linear.scatter [tilespmem:s6], [sflag:$0x7], $0x2800, $0x38;
	[tilespmem:$0x1FC00] =	vst v63  }
0xc8: {  	_ =	swait.ge [sflag:s2], $0x2800  }
0xc9: {  	[sflag:s2] =	ssyncset.done $0x0  }
0xca: {  	s21 =	rddreg [dreg:$0x18];
	[sflag:s2] =	ssyncadd.s32 $0xFFFFD800  }
0xcb: {  	[spmem:s21] =	stream.linear.scatter [tilespmem:s6], [sflag:$0x7], $0x2800, $0x38;
	[tilespmem:$0x1FC00] =	vst v63  }
0xcc: {  	_ =	swait.ge [sflag:s2], $0x2800  }
0xcd: {  	[sflag:s2] =	ssyncset.done $0x0  }
0xce: {  	s9 =	simm.s32 @!p0 $0xA200;
	[sflag:s2] =	ssyncadd.s32 $0xFFFFD800  }
0xcf: {  	[spmem:s22] =	stream.linear.scatter @!p0 [tilespmem:s9], [sflag:$0x7], $0x1800, $0x38;
	[tilespmem:$0x1FC00] =	vst v63  }
0xd0: {  	s9 =	simm.s32 @!p0 $0x7  }
0xd1: {  	_ =	swait.ge @!p0 [sflag:s9], $0x1800  }
0xd2: {  	[sflag:s9] =	ssyncset.done @!p0 $0x0  }
0xd3: {  	[sflag:s9] =	ssyncadd.s32 @!p0 $0xFFFFE800  }
0xd4: {  	[bflag:$0x0] =	sbarrier.arrive $0xFFFF  }
0xd5: {  	s23 =	rddreg [dreg:$0x19]  }
0xd6: {  	[tilespmem:s11], [sflag:$0x1] =	stream.linear.gather [hbm4b:s23+s6], $0x50, $0x38;
	[tilespmem:$0x1FC00] =	vst v63  }
0xd7: {  	s24 =	rddreg [dreg:$0x1a]  }
0xd8: {  	[tilespmem:s12], [sflag:$0x2] =	stream.linear.gather [hbm4b:s24+s6], $0x50, $0x38;
	[tilespmem:$0x1FC00] =	vst v63  }
0xd9: {  	_ =	swait.ge [sflag:s13], $0x50  }
0xda: {  	[sflag:s13] =	ssyncset.done $0x0  }
0xdb: {  	[sflag:s13] =	ssyncadd.s32 $0xFFFFFFB0  }
0xdc: {  	v5 =	vld [tilespmem:$0xA000]  }
0xdd: {  	v6 =	vld [tilespmem:$0xA040];
	_ =	sdelay $0x3  }
0xde: {  	(v2sf) =	vpush v5, $0x0  }
0xdf: {  	(v2sf) =	vpush v6, $0xF;
	_ =	sdelay $0xd  }
0xe0: {  	s31 =	spop (v2sf)  }
0xe1: {  	s10 =	spop (v2sf)  }
0xe2: {  	p2 =	slt.s32 s31, $0x1388;
	p3 =	sgt.s32 s10, $0x1387  }
0xe3: {  	s9 =	simm.s32 $0x1;
	p2 =	por @!p1 p3, p3  }
0xe4: {  	s21 =	rddreg [dreg:$0x1b];
	s10 =	simm.s32 @p2 $0x0;
	s9 =	simm.s32 @!p2 $0x0  }
0xe5: {  	[tilespmem:s10], [sflag:$0x5] =	stream.linear.gather @p2 [hbm4b:s21+s10], $0x2800, $0x38;
	[tilespmem:$0x1FC00] =	vst v63  }
0xe6: {  	s25 =	smov.u32 s22;
	[smem:$0x2] =	sst s9;
	s9 =	simm.s32 $0x0  }
.LBB2_6:
0xe7: {  	_ =	swait.ge [sflag:s14], $0x50  }
0xe8: {  	[sflag:s14] =	ssyncset.done $0x0  }
0xe9: {  	[sflag:s14] =	ssyncadd.s32 $0xFFFFFFB0  }
0xea: {  	v5 =	vld [tilespmem:$0xA080]  }
0xeb: {  	v6 =	vld [tilespmem:$0xA0C0];
	_ =	sdelay $0x3  }
0xec: {  	(v2sf) =	vpush v5, $0x0  }
0xed: {  	(v2sf) =	vpush v6, $0xF;
	_ =	sdelay $0xd  }
0xee: {  	s10 =	spop (v2sf)  }
0xef: {  	s21 =	spop (v2sf)  }
0xf0: {  	p2 =	slt.s32 s10, $0x1388;
	p3 =	sgt.s32 s21, $0x1387  }
0xf1: {  	s10 =	simm.s32 $0x1;
	p2 =	por @!p1 p3, p3  }
0xf2: {  	s10 =	simm.s32 @!p2 $0x0  }
0xf3: {  	[smem:$0x3] =	sst s10  }
0xf4: {  	s10 =	sld @p2 [smem:$0x1];
	_ =	sdelay $0x2  }
0xf5: {  	p3 =	sne.s32 @p2 s10, $0x1  }
0xf6: {  	p3 =	por p3, !p2  }
0xf7: {  	s22 =	simm.s32 @!p3 $0x4  }
0xf8: {  	_ =	swait.ge @!p3 [sflag:s22], $0x2800  }
0xf9: {  	[sflag:s22] =	ssyncset.done @!p3 $0x0  }
0xfa: {  	s10 =	sshll.u32 s9, $0x5;
	[sflag:s22] =	ssyncadd.s32 @!p3 $0xFFFFD800  }
0xfb: {  	s21 =	sor.u32 s7, s10;
	_ =	swait.ge @!p3 [sflag:s22], $0x2800  }
0xfc: {  	s23 =	smul.u32 @p2 $0x2800, s21;
	[sflag:s22] =	ssyncset.done @!p3 $0x0  }
0xfd: {  	[sflag:s22] =	ssyncadd.s32 @!p3 $0xFFFFD800;
	s22 =	simm.s32 @!p3 $0x0  }
0xfe: {  	[smem:$0x1] =	sst @!p3 s22;
	s22 =	sshrl.u32 @p2 s23, $0x3  }
0xff: {  	s22 =	sadd.s32 @p2 s0, s22;
	s23 =	sld [smem:$0x2]  }
0x100: {  	s31 =	simm.s32 @p2 $0x0;
	s24 =	simm.s32 @p2 $0x2800;
	s22 =	sadd.s32 @p2 $0x5000, s22  }
0x101: {  	[tilespmem:s24], [sflag:$0x6] =	stream.linear.gather @p2 [hbm4b:s22+s31], $0x2800, $0x38;
	[tilespmem:$0x1FC00] =	vst v63  }
0x102: {  	p2 =	sne.s32 s23, $0x1  }
.Ltmp4:
0x103: {  	_ = 	snop;
	(pc) =	sbr.rel @p2 .LBB2_10-.Ltmp4, $1  }
0x104: {  	_ =	sdelay $0x3  }
0x105: {  	_ =	swait.ge [sflag:s15], $0x2800  }
0x106: {  	[sflag:s15] =	ssyncset.done $0x0  }
0x107: {  	[sflag:s15] =	ssyncadd.s32 $0xFFFFD800  }
0x108: {  	v5 =	vld [tilespmem:$0xA000];
	_ =	sdelay $0x4  }
0x109: {  	v6 =	vadd.s32 $0xFFFFEC79, v5  }
0x10a: {  	vm0 =	vlt.s32 v5, $0x1388;
	vm1 =	vgt.s32 v6, $0x0  }
0x10b: {  	v5 =	vnsel vm0, $0x1388, v5;
	v6 =	vnsel vm1, $0x0, v6  }
0x10c: {  	v5 =	vpsel p1, v5, v6;
	_ =	sdelay $0x3  }
0x10d: {  	[tilespmem:$0xA100] =	vst v5  }
0x10e: {  	[tilespmem:v5+s16+$0x0] =	vst.idx.add.f32.msk $0xffff, v4  }
0x10f: {  	v5 =	vld [tilespmem:$0xA010];
	_ =	sdelay $0x4  }
0x110: {  	v6 =	vadd.s32 $0xFFFFEC79, v5  }
0x111: {  	vm8 =	vlt.s32 v5, $0x1388;
	vm9 =	vgt.s32 v6, $0x0  }
0x112: {  	v5 =	vnsel vm8, $0x1388, v5;
	v6 =	vnsel vm9, $0x0, v6  }
0x113: {  	v5 =	vpsel p1, v5, v6;
	_ =	sdelay $0x3  }
0x114: {  	[tilespmem:$0xA110] =	vst v5  }
0x115: {  	[tilespmem:v5+s16+$0x0] =	vst.idx.add.f32.msk $0xffff, v4  }
0x116: {  	v5 =	vld [tilespmem:$0xA020];
	_ =	sdelay $0x4  }
0x117: {  	v6 =	vadd.s32 $0xFFFFEC79, v5  }
0x118: {  	vm10 =	vlt.s32 v5, $0x1388;
	vm11 =	vgt.s32 v6, $0x0  }
0x119: {  	v5 =	vnsel vm10, $0x1388, v5;
	v6 =	vnsel vm11, $0x0, v6  }
0x11a: {  	v5 =	vpsel p1, v5, v6;
	_ =	sdelay $0x3  }
0x11b: {  	[tilespmem:$0xA120] =	vst v5  }
0x11c: {  	[tilespmem:v5+s16+$0x0] =	vst.idx.add.f32.msk $0xffff, v4  }
0x11d: {  	v5 =	vld [tilespmem:$0xA030];
	_ =	sdelay $0x4  }
0x11e: {  	v6 =	vadd.s32 $0xFFFFEC79, v5  }
0x11f: {  	vm12 =	vlt.s32 v5, $0x1388;
	vm13 =	vgt.s32 v6, $0x0  }
0x120: {  	v5 =	vnsel vm12, $0x1388, v5;
	v6 =	vnsel vm13, $0x0, v6  }
0x121: {  	v5 =	vpsel p1, v5, v6;
	_ =	sdelay $0x3  }
0x122: {  	[tilespmem:$0xA130] =	vst v5  }
0x123: {  	[tilespmem:v5+s16+$0x0] =	vst.idx.add.f32.msk $0xffff, v4  }
0x124: {  	v5 =	vld [tilespmem:$0xA040];
	_ =	sdelay $0x4  }
0x125: {  	v6 =	vadd.s32 $0xFFFFEC79, v5  }
0x126: {  	vm14 =	vlt.s32 v5, $0x1388;
	vm15 =	vgt.s32 v6, $0x0  }
0x127: {  	v5 =	vnsel vm14, $0x1388, v5;
	v6 =	vnsel vm15, $0x0, v6  }
0x128: {  	v5 =	vpsel p1, v5, v6;
	_ =	sdelay $0x3  }
0x129: {  	[tilespmem:$0xA140] =	vst v5  }
0x12a: {  	s23 =	simm.s32 $0x200;
	[tilespmem:v5+s16+$0x0] =	vst.idx.add.f32.msk $0xffff, v4  }
0x12b: {  	[spmem:s3] =	stream.indirect.scatter.add.f32 [tilespmem:s6], [sflag:$0x3], $0x80, s18, s17, $0xb8;
	[tilespmem:$0x1FC00] =	vst v63  }
0x12c: {  	v5 =	vld [tilespmem:s23+$0x180]  }
0x12d: {  	v6 =	vld [tilespmem:s23+$0xFFFFFE80]  }
0x12e: {  	v7 =	vld [tilespmem:s23+$0xFFFFFF00]  }
0x12f: {  	v8 =	vld [tilespmem:s23+$0xFFFFFF80]  }
0x130: {  	v9 =	vld [tilespmem:s23+$0x0]  }
0x131: {  	v10 =	vld [tilespmem:s23+$0x80];
	v5 =	vmul.f32 v5, v5  }
0x132: {  	s31 =	simm.s32 $0x5200;
	v11 =	vld [tilespmem:s23+$0x100];
	v6 =	vmul.f32 v6, v6  }
0x133: {  	v12 =	vld [tilespmem:s23+$0xFFFFFE00];
	v7 =	vmul.f32 v7, v7;
	[tilespmem:s31+$0x180] =	vst v5  }
0x134: {  	[tilespmem:s31+$0xFFFFFE80] =	vst v6;
	v5 =	vmul.f32 v8, v8;
	v6 =	vld [tilespmem:s23+$0x190]  }
0x135: {  	[tilespmem:s31+$0xFFFFFF00] =	vst v7;
	v7 =	vmul.f32 v9, v9;
	v8 =	vld [tilespmem:s23+$0xFFFFFE90]  }
0x136: {  	v9 =	vld [tilespmem:s23+$0xFFFFFF10];
	[tilespmem:s31+$0xFFFFFF80] =	vst v5;
	v5 =	vmul.f32 v10, v10  }
0x137: {  	[tilespmem:s31+$0x0] =	vst v7;
	v7 =	vmul.f32 v11, v11;
	v10 =	vld [tilespmem:s23+$0xFFFFFF90]  }
0x138: {  	v11 =	vmul.f32 v12, v12;
	v62 =	vld [tilespmem:s23+$0x10];
	[tilespmem:s31+$0x80] =	vst v5  }
0x139: {  	[tilespmem:s31+$0x100] =	vst v7;
	v5 =	vld [tilespmem:s23+$0x90];
	v6 =	vmul.f32 v6, v6  }
0x13a: {  	[tilespmem:s31+$0xFFFFFE00] =	vst v11;
	v7 =	vmul.f32 v8, v8;
	v8 =	vld [tilespmem:s23+$0x110]  }
0x13b: {  	v11 =	vld [tilespmem:s23+$0xFFFFFE10];
	v9 =	vmul.f32 v9, v9;
	[tilespmem:s31+$0x190] =	vst v6  }
0x13c: {  	[tilespmem:s31+$0xFFFFFE90] =	vst v7;
	v6 =	vmul.f32 v10, v10;
	v7 =	vld [tilespmem:s23+$0x1A0]  }
0x13d: {  	[tilespmem:s31+$0xFFFFFF10] =	vst v9;
	v9 =	vmul.f32 v62, v62;
	v10 =	vld [tilespmem:s23+$0xFFFFFEA0]  }
0x13e: {  	v63 =	vld [tilespmem:s23+$0xFFFFFF20];
	[tilespmem:s31+$0xFFFFFF90] =	vst v6;
	v5 =	vmul.f32 v5, v5  }
0x13f: {  	[tilespmem:s31+$0x10] =	vst v9;
	v6 =	vld [tilespmem:s23+$0xFFFFFFA0];
	v8 =	vmul.f32 v8, v8  }
0x140: {  	v9 =	vmul.f32 v11, v11;
	v11 =	vld [tilespmem:s23+$0x20];
	[tilespmem:s31+$0x90] =	vst v5  }
0x141: {  	v5 =	vld [tilespmem:s23+$0xA0];
	[tilespmem:s31+$0x110] =	vst v8;
	v7 =	vmul.f32 v7, v7  }
0x142: {  	[tilespmem:s31+$0xFFFFFE10] =	vst v9;
	v8 =	vmul.f32 v10, v10;
	v9 =	vld [tilespmem:s23+$0x120]  }
0x143: {  	v10 =	vld [tilespmem:s23+$0xFFFFFE20];
	v12 =	vmul.f32 v63, v63;
	[tilespmem:s31+$0x1A0] =	vst v7  }
0x144: {  	[tilespmem:s31+$0xFFFFFEA0] =	vst v8;
	v6 =	vmul.f32 v6, v6;
	v7 =	vld [tilespmem:s23+$0x1B0]  }
0x145: {  	[tilespmem:s31+$0xFFFFFF20] =	vst v12;
	v11 =	vmul.f32 v11, v11;
	v8 =	vld [tilespmem:s23+$0xFFFFFEB0]  }
0x146: {  	v12 =	vld [tilespmem:s23+$0xFFFFFF30];
	[tilespmem:s31+$0xFFFFFFA0] =	vst v6;
	v5 =	vmul.f32 v5, v5  }
0x147: {  	[tilespmem:s31+$0x20] =	vst v11;
	v6 =	vld [tilespmem:s23+$0xFFFFFFB0];
	v9 =	vmul.f32 v9, v9  }
0x148: {  	v10 =	vmul.f32 v10, v10;
	v11 =	vld [tilespmem:s23+$0x30];
	[tilespmem:s31+$0xA0] =	vst v5  }
0x149: {  	v5 =	vld [tilespmem:s23+$0xB0];
	[tilespmem:s31+$0x120] =	vst v9;
	v7 =	vmul.f32 v7, v7  }
0x14a: {  	[tilespmem:s31+$0xFFFFFE20] =	vst v10;
	v8 =	vmul.f32 v8, v8;
	v9 =	vld [tilespmem:s23+$0x130]  }
0x14b: {  	v10 =	vld [tilespmem:s23+$0xFFFFFE30];
	v12 =	vmul.f32 v12, v12;
	[tilespmem:s31+$0x1B0] =	vst v7  }
0x14c: {  	[tilespmem:s31+$0xFFFFFEB0] =	vst v8;
	v6 =	vmul.f32 v6, v6;
	v7 =	vld [tilespmem:s23+$0x1C0]  }
0x14d: {  	[tilespmem:s31+$0xFFFFFF30] =	vst v12;
	v11 =	vmul.f32 v11, v11;
	v8 =	vld [tilespmem:s23+$0xFFFFFEC0]  }
0x14e: {  	v12 =	vld [tilespmem:s23+$0xFFFFFF40];
	[tilespmem:s31+$0xFFFFFFB0] =	vst v6;
	v5 =	vmul.f32 v5, v5  }
0x14f: {  	[tilespmem:s31+$0x30] =	vst v11;
	v6 =	vld [tilespmem:s23+$0xFFFFFFC0];
	v9 =	vmul.f32 v9, v9  }
0x150: {  	v10 =	vmul.f32 v10, v10;
	v11 =	vld [tilespmem:s23+$0x40];
	[tilespmem:s31+$0xB0] =	vst v5  }
0x151: {  	v5 =	vld [tilespmem:s23+$0xC0];
	[tilespmem:s31+$0x130] =	vst v9;
	v7 =	vmul.f32 v7, v7  }
0x152: {  	[tilespmem:s31+$0xFFFFFE30] =	vst v10;
	v8 =	vmul.f32 v8, v8;
	v9 =	vld [tilespmem:s23+$0x140]  }
0x153: {  	v10 =	vld [tilespmem:s23+$0xFFFFFE40];
	v12 =	vmul.f32 v12, v12;
	[tilespmem:s31+$0x1C0] =	vst v7  }
0x154: {  	[tilespmem:s31+$0xFFFFFEC0] =	vst v8;
	v6 =	vmul.f32 v6, v6;
	v7 =	vld [tilespmem:s23+$0x1D0]  }
0x155: {  	[tilespmem:s31+$0xFFFFFF40] =	vst v12;
	v11 =	vmul.f32 v11, v11;
	v8 =	vld [tilespmem:s23+$0xFFFFFED0]  }
0x156: {  	v12 =	vld [tilespmem:s23+$0xFFFFFF50];
	[tilespmem:s31+$0xFFFFFFC0] =	vst v6;
	v5 =	vmul.f32 v5, v5  }
0x157: {  	[tilespmem:s31+$0x40] =	vst v11;
	v6 =	vld [tilespmem:s23+$0xFFFFFFD0];
	v9 =	vmul.f32 v9, v9  }
0x158: {  	v10 =	vmul.f32 v10, v10;
	v11 =	vld [tilespmem:s23+$0x50];
	[tilespmem:s31+$0xC0] =	vst v5  }
0x159: {  	v5 =	vld [tilespmem:s23+$0xD0];
	[tilespmem:s31+$0x140] =	vst v9;
	v7 =	vmul.f32 v7, v7  }
0x15a: {  	[tilespmem:s31+$0xFFFFFE40] =	vst v10;
	v8 =	vmul.f32 v8, v8;
	v9 =	vld [tilespmem:s23+$0x150]  }
0x15b: {  	v10 =	vld [tilespmem:s23+$0xFFFFFE50];
	v12 =	vmul.f32 v12, v12;
	[tilespmem:s31+$0x1D0] =	vst v7  }
0x15c: {  	[tilespmem:s31+$0xFFFFFED0] =	vst v8;
	v6 =	vmul.f32 v6, v6;
	v7 =	vld [tilespmem:s23+$0x1E0]  }
0x15d: {  	[tilespmem:s31+$0xFFFFFF50] =	vst v12;
	v11 =	vmul.f32 v11, v11;
	v8 =	vld [tilespmem:s23+$0xFFFFFEE0]  }
0x15e: {  	v12 =	vld [tilespmem:s23+$0xFFFFFF60];
	[tilespmem:s31+$0xFFFFFFD0] =	vst v6;
	v5 =	vmul.f32 v5, v5  }
0x15f: {  	[tilespmem:s31+$0x50] =	vst v11;
	v6 =	vld [tilespmem:s23+$0xFFFFFFE0];
	v9 =	vmul.f32 v9, v9  }
0x160: {  	v10 =	vmul.f32 v10, v10;
	v11 =	vld [tilespmem:s23+$0x60];
	[tilespmem:s31+$0xD0] =	vst v5  }
0x161: {  	v5 =	vld [tilespmem:s23+$0xE0];
	[tilespmem:s31+$0x150] =	vst v9;
	v7 =	vmul.f32 v7, v7  }
0x162: {  	[tilespmem:s31+$0xFFFFFE50] =	vst v10;
	v8 =	vmul.f32 v8, v8;
	v9 =	vld [tilespmem:s23+$0x160]  }
0x163: {  	v10 =	vld [tilespmem:s23+$0xFFFFFE60];
	v12 =	vmul.f32 v12, v12;
	[tilespmem:s31+$0x1E0] =	vst v7  }
0x164: {  	[tilespmem:s31+$0xFFFFFEE0] =	vst v8;
	v6 =	vmul.f32 v6, v6;
	v8 =	vld [tilespmem:s23+$0x1F0]  }
0x165: {  	[tilespmem:s31+$0xFFFFFF60] =	vst v12;
	v7 =	vmul.f32 v11, v11;
	v13 =	vld [tilespmem:s23+$0xFFFFFEF0]  }
0x166: {  	v12 =	vld [tilespmem:s23+$0xFFFFFF70];
	[tilespmem:s31+$0xFFFFFFE0] =	vst v6;
	v6 =	vmul.f32 v5, v5  }
0x167: {  	[tilespmem:s31+$0x60] =	vst v7;
	v5 =	vld [tilespmem:s23+$0xFFFFFFF0];
	v9 =	vmul.f32 v9, v9  }
0x168: {  	v10 =	vmul.f32 v10, v10;
	v7 =	vld [tilespmem:s23+$0x70];
	[tilespmem:s31+$0xE0] =	vst v6  }
0x169: {  	v6 =	vld [tilespmem:s23+$0xF0];
	[tilespmem:s31+$0x160] =	vst v9;
	v14 =	vmul.f32 v8, v8  }
0x16a: {  	[tilespmem:s31+$0xFFFFFE60] =	vst v10;
	v8 =	vld [tilespmem:s23+$0x170];
	v11 =	vmul.f32 v13, v13  }
0x16b: {  	s22 =	simm.s32 $0x0;
	v9 =	vld [tilespmem:s23+$0xFFFFFE70];
	v10 =	vmul.f32 v12, v12;
	s23 =	simm.s32 $0x600;
	[tilespmem:s31+$0x1F0] =	vst v14  }
.LBB2_8:
0x16c: {  	v12 =	vld [tilespmem:s23+$0x180];
	s22 =	sadd.s32 $0x8, s22;
	[tilespmem:s31+$0xFFFFFEF0] =	vst v11;
	v5 =	vmul.f32 v5, v5  }
0x16d: {  	v11 =	vld [tilespmem:s23+$0xFFFFFE80];
	p2 =	slt.u32 s22, $0x48;
	[tilespmem:s31+$0xFFFFFF70] =	vst v10;
	v7 =	vmul.f32 v7, v7  }
0x16e: {  	v10 =	vld [tilespmem:s23+$0xFFFFFF00];
	[tilespmem:s31+$0xFFFFFFF0] =	vst v5;
	v5 =	vmul.f32 v6, v6  }
0x16f: {  	v6 =	vld [tilespmem:s23+$0xFFFFFF80];
	[tilespmem:s31+$0x70] =	vst v7;
	v7 =	vmul.f32 v8, v8  }
0x170: {  	v8 =	vld [tilespmem:s23+$0x0];
	v9 =	vmul.f32 v9, v9;
	[tilespmem:s31+$0xF0] =	vst v5  }
0x171: {  	v5 =	vld [tilespmem:s23+$0x80];
	v12 =	vmul.f32 v12, v12;
	[tilespmem:s31+$0x170] =	vst v7  }
0x172: {  	v7 =	vmul.f32 v11, v11;
	v11 =	vld [tilespmem:s23+$0x100];
	[tilespmem:s31+$0xFFFFFE70] =	vst v9;
	s31 =	sadd.s32 $0x400, s31  }
0x173: {  	v9 =	vld [tilespmem:s23+$0xFFFFFE00];
	v10 =	vmul.f32 v10, v10;
	[tilespmem:s31+$0x180] =	vst v12  }
0x174: {  	[tilespmem:s31+$0xFFFFFE80] =	vst v7;
	v6 =	vmul.f32 v6, v6;
	v7 =	vld [tilespmem:s23+$0x190]  }
0x175: {  	v12 =	vld [tilespmem:s23+$0xFFFFFE90];
	[tilespmem:s31+$0xFFFFFF00] =	vst v10;
	v8 =	vmul.f32 v8, v8  }
0x176: {  	v10 =	vld [tilespmem:s23+$0xFFFFFF10];
	[tilespmem:s31+$0xFFFFFF80] =	vst v6;
	v5 =	vmul.f32 v5, v5  }
0x177: {  	v6 =	vld [tilespmem:s23+$0xFFFFFF90];
	[tilespmem:s31+$0x0] =	vst v8;
	v8 =	vmul.f32 v11, v11  }
0x178: {  	v9 =	vmul.f32 v9, v9;
	v11 =	vld [tilespmem:s23+$0x10];
	[tilespmem:s31+$0x80] =	vst v5  }
0x179: {  	v5 =	vld [tilespmem:s23+$0x90];
	[tilespmem:s31+$0x100] =	vst v8;
	v7 =	vmul.f32 v7, v7  }
0x17a: {  	[tilespmem:s31+$0xFFFFFE00] =	vst v9;
	v8 =	vmul.f32 v12, v12;
	v9 =	vld [tilespmem:s23+$0x110]  }
0x17b: {  	v12 =	vld [tilespmem:s23+$0xFFFFFE10];
	v10 =	vmul.f32 v10, v10;
	[tilespmem:s31+$0x190] =	vst v7  }
0x17c: {  	[tilespmem:s31+$0xFFFFFE90] =	vst v8;
	v6 =	vmul.f32 v6, v6;
	v7 =	vld [tilespmem:s23+$0x1A0]  }
0x17d: {  	v8 =	vld [tilespmem:s23+$0xFFFFFEA0];
	[tilespmem:s31+$0xFFFFFF10] =	vst v10;
	v10 =	vmul.f32 v11, v11  }
0x17e: {  	v11 =	vld [tilespmem:s23+$0xFFFFFF20];
	[tilespmem:s31+$0xFFFFFF90] =	vst v6;
	v5 =	vmul.f32 v5, v5  }
0x17f: {  	v6 =	vld [tilespmem:s23+$0xFFFFFFA0];
	[tilespmem:s31+$0x10] =	vst v10;
	v9 =	vmul.f32 v9, v9  }
0x180: {  	v10 =	vmul.f32 v12, v12;
	v12 =	vld [tilespmem:s23+$0x20];
	[tilespmem:s31+$0x90] =	vst v5  }
0x181: {  	v5 =	vld [tilespmem:s23+$0xA0];
	[tilespmem:s31+$0x110] =	vst v9;
	v7 =	vmul.f32 v7, v7  }
0x182: {  	[tilespmem:s31+$0xFFFFFE10] =	vst v10;
	v8 =	vmul.f32 v8, v8;
	v9 =	vld [tilespmem:s23+$0x120]  }
0x183: {  	v10 =	vld [tilespmem:s23+$0xFFFFFE20];
	v11 =	vmul.f32 v11, v11;
	[tilespmem:s31+$0x1A0] =	vst v7  }
0x184: {  	[tilespmem:s31+$0xFFFFFEA0] =	vst v8;
	v6 =	vmul.f32 v6, v6;
	v7 =	vld [tilespmem:s23+$0x1B0]  }
0x185: {  	v8 =	vld [tilespmem:s23+$0xFFFFFEB0];
	[tilespmem:s31+$0xFFFFFF20] =	vst v11;
	v11 =	vmul.f32 v12, v12  }
0x186: {  	v12 =	vld [tilespmem:s23+$0xFFFFFF30];
	[tilespmem:s31+$0xFFFFFFA0] =	vst v6;
	v5 =	vmul.f32 v5, v5  }
0x187: {  	v6 =	vld [tilespmem:s23+$0xFFFFFFB0];
	[tilespmem:s31+$0x20] =	vst v11;
	v9 =	vmul.f32 v9, v9  }
0x188: {  	v10 =	vmul.f32 v10, v10;
	v11 =	vld [tilespmem:s23+$0x30];
	[tilespmem:s31+$0xA0] =	vst v5  }
0x189: {  	v5 =	vld [tilespmem:s23+$0xB0];
	[tilespmem:s31+$0x120] =	vst v9;
	v7 =	vmul.f32 v7, v7  }
0x18a: {  	[tilespmem:s31+$0xFFFFFE20] =	vst v10;
	v8 =	vmul.f32 v8, v8;
	v9 =	vld [tilespmem:s23+$0x130]  }
0x18b: {  	v10 =	vld [tilespmem:s23+$0xFFFFFE30];
	v12 =	vmul.f32 v12, v12;
	[tilespmem:s31+$0x1B0] =	vst v7  }
0x18c: {  	[tilespmem:s31+$0xFFFFFEB0] =	vst v8;
	v6 =	vmul.f32 v6, v6;
	v7 =	vld [tilespmem:s23+$0x1C0]  }
0x18d: {  	v8 =	vld [tilespmem:s23+$0xFFFFFEC0];
	[tilespmem:s31+$0xFFFFFF30] =	vst v12;
	v11 =	vmul.f32 v11, v11  }
0x18e: {  	v12 =	vld [tilespmem:s23+$0xFFFFFF40];
	[tilespmem:s31+$0xFFFFFFB0] =	vst v6;
	v5 =	vmul.f32 v5, v5  }
0x18f: {  	v6 =	vld [tilespmem:s23+$0xFFFFFFC0];
	[tilespmem:s31+$0x30] =	vst v11;
	v9 =	vmul.f32 v9, v9  }
0x190: {  	v10 =	vmul.f32 v10, v10;
	v11 =	vld [tilespmem:s23+$0x40];
	[tilespmem:s31+$0xB0] =	vst v5  }
0x191: {  	v5 =	vld [tilespmem:s23+$0xC0];
	[tilespmem:s31+$0x130] =	vst v9;
	v7 =	vmul.f32 v7, v7  }
0x192: {  	[tilespmem:s31+$0xFFFFFE30] =	vst v10;
	v8 =	vmul.f32 v8, v8;
	v9 =	vld [tilespmem:s23+$0x140]  }
0x193: {  	v10 =	vld [tilespmem:s23+$0xFFFFFE40];
	v12 =	vmul.f32 v12, v12;
	[tilespmem:s31+$0x1C0] =	vst v7  }
0x194: {  	[tilespmem:s31+$0xFFFFFEC0] =	vst v8;
	v6 =	vmul.f32 v6, v6;
	v7 =	vld [tilespmem:s23+$0x1D0]  }
0x195: {  	v8 =	vld [tilespmem:s23+$0xFFFFFED0];
	[tilespmem:s31+$0xFFFFFF40] =	vst v12;
	v11 =	vmul.f32 v11, v11  }
0x196: {  	v12 =	vld [tilespmem:s23+$0xFFFFFF50];
	[tilespmem:s31+$0xFFFFFFC0] =	vst v6;
	v5 =	vmul.f32 v5, v5  }
0x197: {  	v6 =	vld [tilespmem:s23+$0xFFFFFFD0];
	[tilespmem:s31+$0x40] =	vst v11;
	v9 =	vmul.f32 v9, v9  }
0x198: {  	v10 =	vmul.f32 v10, v10;
	v11 =	vld [tilespmem:s23+$0x50];
	[tilespmem:s31+$0xC0] =	vst v5  }
0x199: {  	v5 =	vld [tilespmem:s23+$0xD0];
	[tilespmem:s31+$0x140] =	vst v9;
	v7 =	vmul.f32 v7, v7  }
0x19a: {  	[tilespmem:s31+$0xFFFFFE40] =	vst v10;
	v8 =	vmul.f32 v8, v8;
	v9 =	vld [tilespmem:s23+$0x150]  }
0x19b: {  	v10 =	vld [tilespmem:s23+$0xFFFFFE50];
	v12 =	vmul.f32 v12, v12;
	[tilespmem:s31+$0x1D0] =	vst v7  }
0x19c: {  	[tilespmem:s31+$0xFFFFFED0] =	vst v8;
	v6 =	vmul.f32 v6, v6;
	v7 =	vld [tilespmem:s23+$0x1E0]  }
0x19d: {  	v8 =	vld [tilespmem:s23+$0xFFFFFEE0];
	[tilespmem:s31+$0xFFFFFF50] =	vst v12;
	v11 =	vmul.f32 v11, v11  }
0x19e: {  	v12 =	vld [tilespmem:s23+$0xFFFFFF60];
	[tilespmem:s31+$0xFFFFFFD0] =	vst v6;
	v5 =	vmul.f32 v5, v5  }
0x19f: {  	v6 =	vld [tilespmem:s23+$0xFFFFFFE0];
	[tilespmem:s31+$0x50] =	vst v11;
	v9 =	vmul.f32 v9, v9  }
0x1a0: {  	v10 =	vmul.f32 v10, v10;
	v11 =	vld [tilespmem:s23+$0x60];
	[tilespmem:s31+$0xD0] =	vst v5  }
0x1a1: {  	v5 =	vld [tilespmem:s23+$0xE0];
	[tilespmem:s31+$0x150] =	vst v9;
	v7 =	vmul.f32 v7, v7  }
0x1a2: {  	[tilespmem:s31+$0xFFFFFE50] =	vst v10;
	v8 =	vmul.f32 v8, v8;
	v9 =	vld [tilespmem:s23+$0x160]  }
0x1a3: {  	v10 =	vld [tilespmem:s23+$0xFFFFFE60];
	v12 =	vmul.f32 v12, v12;
	[tilespmem:s31+$0x1E0] =	vst v7  }
0x1a4: {  	[tilespmem:s31+$0xFFFFFEE0] =	vst v8;
	v6 =	vmul.f32 v6, v6;
	v8 =	vld [tilespmem:s23+$0x1F0]  }
0x1a5: {  	v13 =	vld [tilespmem:s23+$0xFFFFFEF0];
	[tilespmem:s31+$0xFFFFFF60] =	vst v12;
	v7 =	vmul.f32 v11, v11  }
0x1a6: {  	v12 =	vld [tilespmem:s23+$0xFFFFFF70];
	[tilespmem:s31+$0xFFFFFFE0] =	vst v6;
	v6 =	vmul.f32 v5, v5  }
.Ltmp5:
0x1a7: {  	v5 =	vld [tilespmem:s23+$0xFFFFFFF0];
	[tilespmem:s31+$0x60] =	vst v7;
	v9 =	vmul.f32 v9, v9;
	(pc) =	sbr.rel @p2 .LBB2_8-.Ltmp5, $4  }
0x1a8: {  	v10 =	vmul.f32 v10, v10;
	v7 =	vld [tilespmem:s23+$0x70];
	[tilespmem:s31+$0xE0] =	vst v6  }
0x1a9: {  	v6 =	vld [tilespmem:s23+$0xF0];
	[tilespmem:s31+$0x160] =	vst v9;
	v14 =	vmul.f32 v8, v8  }
0x1aa: {  	[tilespmem:s31+$0xFFFFFE60] =	vst v10;
	v11 =	vmul.f32 v13, v13;
	v8 =	vld [tilespmem:s23+$0x170]  }
0x1ab: {  	v9 =	vld [tilespmem:s23+$0xFFFFFE70];
	v10 =	vmul.f32 v12, v12;
	[tilespmem:s31+$0x1F0] =	vst v14;
	s23 =	sadd.s32 $0x400, s23  }
0x1ac: {  	[tilespmem:s31+$0xFFFFFEF0] =	vst v11;
	v5 =	vmul.f32 v5, v5  }
0x1ad: {  	[tilespmem:s31+$0xFFFFFF70] =	vst v10;
	v7 =	vmul.f32 v7, v7  }
0x1ae: {  	[tilespmem:s31+$0xFFFFFFF0] =	vst v5;
	v5 =	vmul.f32 v6, v6  }
0x1af: {  	[tilespmem:s31+$0x70] =	vst v7;
	v6 =	vmul.f32 v8, v8  }
0x1b0: {  	v7 =	vmul.f32 v9, v9;
	[tilespmem:s31+$0xF0] =	vst v5  }
0x1b1: {  	[tilespmem:s31+$0x170] =	vst v6  }
0x1b2: {  	[smem:$0x0] =	sst s13;
	[tilespmem:s31+$0xFFFFFE70] =	vst v7  }
0x1b3: {  	[spmem:s4] =	stream.indirect.scatter.add.f32 [tilespmem:s20], [sflag:$0x3], $0x80, s18, s17, $0xb8;
	[tilespmem:$0x1FC00] =	vst v63  }
.LBB2_10:
0x1b4: {  	p2 =	seq.s32 s9, $0x7C  }
.Ltmp6:
0x1b5: {  	_ = 	snop;
	(pc) =	sbr.rel @p2 .LBB2_12-.Ltmp6, $2  }
0x1b6: {  	_ =	sdelay $0x2  }
0x1b7: {  	s31 =	smov.u32 s19  }
0x1b8: {  	s21 =	smul.u32 $0x50, s21;
	_ =	sdelay $0x1  }
0x1b9: {  	s21 =	sshrl.u32 s21, $0x3  }
0x1ba: {  	s10 =	sor.u32 $0x10, s10;
	s21 =	sadd.s32 s1, s21  }
0x1bb: {  	p3 =	sgt.u32 s10, $0xF8F;
	s21 =	sadd.s32 $0x140, s21  }
0x1bc: {  	[tilespmem:s11], [sflag:$0x1] =	stream.linear.gather [hbm4b:s21+s6], $0x50, $0x38;
	[tilespmem:$0x1FC00] =	vst v63  }
0x1bd: {  	s21 =	simm.s32 @!p3 $0x1  }
0x1be: {  	_ =	swait.ge @!p3 [sflag:s21], $0x50  }
0x1bf: {  	[sflag:s21] =	ssyncset.done @!p3 $0x0  }
0x1c0: {  	[sflag:s21] =	ssyncadd.s32 @!p3 $0xFFFFFFB0  }
0x1c1: {  	v5 =	vld @!p3 [tilespmem:$0xA000]  }
0x1c2: {  	v6 =	vld @!p3 [tilespmem:$0xA040];
	_ =	sdelay $0x3  }
0x1c3: {  	(v2sf) =	vpush @!p3 v5, $0x0  }
0x1c4: {  	(v2sf) =	vpush @!p3 v6, $0xF;
	_ =	sdelay $0xd  }
0x1c5: {  	s22 =	spop @!p3 (v2sf)  }
0x1c6: {  	p4 =	seq.s32 @!p3 s8, $0x0;
	s23 =	spop @!p3 (v2sf)  }
0x1c7: {  	p4 =	por !p4, p3;
	p5 =	slt.s32 @!p3 s22, $0x1388;
	p6 =	sgt.s32 @!p3 s23, $0x1387  }
0x1c8: {  	p6 =	por @!p4 p5, p5  }
0x1c9: {  	p4 =	por !p6, p3  }
0x1ca: {  	s21 =	simm.s32 @p4 $0x0  }
0x1cb: {  	[smem:$0x2] =	sst @!p3 s21  }
0x1cc: {  	s21 =	sld @!p4 [smem:$0x0];
	_ =	sdelay $0x2  }
0x1cd: {  	p5 =	sne.s32 @!p4 s21, $0x1  }
0x1ce: {  	p5 =	por @!p3 p5, !p6  }
0x1cf: {  	p3 =	por p5, p3  }
0x1d0: {  	s21 =	simm.s32 @!p3 $0x3  }
0x1d1: {  	s31 =	sor.u32 s7, s10;
	_ =	swait.ge @!p3 [sflag:s21], $0x2800  }
0x1d2: {  	s10 =	smul.u32 @!p4 $0x2800, s31;
	[sflag:s21] =	ssyncset.done @!p3 $0x0  }
0x1d3: {  	[sflag:s21] =	ssyncadd.s32 @!p3 $0xFFFFD800  }
0x1d4: {  	s10 =	sshrl.u32 @!p4 s10, $0x3;
	_ =	swait.ge @!p3 [sflag:s21], $0x2800  }
0x1d5: {  	s10 =	sadd.s32 @!p4 s0, s10;
	[sflag:s21] =	ssyncset.done @!p3 $0x0  }
0x1d6: {  	s10 =	sadd.s32 @!p4 $0x5000, s10;
	[sflag:s21] =	ssyncadd.s32 @!p3 $0xFFFFD800;
	s21 =	simm.s32 @!p4 $0x0  }
0x1d7: {  	[tilespmem:s21], [sflag:$0x5] =	stream.linear.gather @!p4 [hbm4b:s10+s21], $0x2800, $0x38;
	[tilespmem:$0x1FC00] =	vst v63  }
0x1d8: {  	s10 =	simm.s32 @!p3 $0x0  }
0x1d9: {  	[smem:$0x0] =	sst @!p3 s10  }
.LBB2_12:
0x1da: {  	s10 =	sld [smem:$0x3];
	_ =	sdelay $0x2  }
0x1db: {  	p3 =	sne.s32 s10, $0x1  }
.Ltmp7:
0x1dc: {  	_ = 	snop;
	(pc) =	sbr.rel @p3 .LBB2_16-.Ltmp7, $1  }
0x1dd: {  	_ =	sdelay $0x3  }
0x1de: {  	_ =	swait.ge [sflag:s26], $0x2800  }
0x1df: {  	[sflag:s26] =	ssyncset.done $0x0  }
0x1e0: {  	[sflag:s26] =	ssyncadd.s32 $0xFFFFD800  }
0x1e1: {  	v5 =	vld [tilespmem:$0xA080];
	_ =	sdelay $0x4  }
0x1e2: {  	v6 =	vadd.s32 $0xFFFFEC79, v5  }
0x1e3: {  	vm0 =	vlt.s32 v5, $0x1388;
	vm1 =	vgt.s32 v6, $0x0  }
0x1e4: {  	v5 =	vnsel vm0, $0x1388, v5;
	v6 =	vnsel vm1, $0x0, v6  }
0x1e5: {  	v5 =	vpsel p1, v5, v6;
	_ =	sdelay $0x3  }
0x1e6: {  	[tilespmem:$0xA180] =	vst v5  }
0x1e7: {  	[tilespmem:v5+s16+$0x0] =	vst.idx.add.f32.msk $0xffff, v4  }
0x1e8: {  	v5 =	vld [tilespmem:$0xA090];
	_ =	sdelay $0x4  }
0x1e9: {  	v6 =	vadd.s32 $0xFFFFEC79, v5  }
0x1ea: {  	vm8 =	vlt.s32 v5, $0x1388;
	vm9 =	vgt.s32 v6, $0x0  }
0x1eb: {  	v5 =	vnsel vm8, $0x1388, v5;
	v6 =	vnsel vm9, $0x0, v6  }
0x1ec: {  	v5 =	vpsel p1, v5, v6;
	_ =	sdelay $0x3  }
0x1ed: {  	[tilespmem:$0xA190] =	vst v5  }
0x1ee: {  	[tilespmem:v5+s16+$0x0] =	vst.idx.add.f32.msk $0xffff, v4  }
0x1ef: {  	v5 =	vld [tilespmem:$0xA0A0];
	_ =	sdelay $0x4  }
0x1f0: {  	v6 =	vadd.s32 $0xFFFFEC79, v5  }
0x1f1: {  	vm10 =	vlt.s32 v5, $0x1388;
	vm11 =	vgt.s32 v6, $0x0  }
0x1f2: {  	v5 =	vnsel vm10, $0x1388, v5;
	v6 =	vnsel vm11, $0x0, v6  }
0x1f3: {  	v5 =	vpsel p1, v5, v6;
	_ =	sdelay $0x3  }
0x1f4: {  	[tilespmem:$0xA1A0] =	vst v5  }
0x1f5: {  	[tilespmem:v5+s16+$0x0] =	vst.idx.add.f32.msk $0xffff, v4  }
0x1f6: {  	v5 =	vld [tilespmem:$0xA0B0];
	_ =	sdelay $0x4  }
0x1f7: {  	v6 =	vadd.s32 $0xFFFFEC79, v5  }
0x1f8: {  	vm12 =	vlt.s32 v5, $0x1388;
	vm13 =	vgt.s32 v6, $0x0  }
0x1f9: {  	v5 =	vnsel vm12, $0x1388, v5;
	v6 =	vnsel vm13, $0x0, v6  }
0x1fa: {  	v5 =	vpsel p1, v5, v6;
	_ =	sdelay $0x3  }
0x1fb: {  	[tilespmem:$0xA1B0] =	vst v5  }
0x1fc: {  	[tilespmem:v5+s16+$0x0] =	vst.idx.add.f32.msk $0xffff, v4  }
0x1fd: {  	v5 =	vld [tilespmem:$0xA0C0];
	_ =	sdelay $0x4  }
0x1fe: {  	v6 =	vadd.s32 $0xFFFFEC79, v5  }
0x1ff: {  	vm14 =	vlt.s32 v5, $0x1388;
	vm15 =	vgt.s32 v6, $0x0  }
0x200: {  	v5 =	vnsel vm14, $0x1388, v5;
	v6 =	vnsel vm15, $0x0, v6  }
0x201: {  	v5 =	vpsel p1, v5, v6;
	_ =	sdelay $0x3  }
0x202: {  	[tilespmem:$0xA1C0] =	vst v5  }
0x203: {  	s22 =	simm.s32 $0x2A00;
	[tilespmem:v5+s16+$0x0] =	vst.idx.add.f32.msk $0xffff, v4  }
0x204: {  	[spmem:s3] =	stream.indirect.scatter.add.f32 [tilespmem:s29], [sflag:$0x4], $0x80, s28, s17, $0xb8;
	[tilespmem:$0x1FC00] =	vst v63  }
0x205: {  	v5 =	vld [tilespmem:s22+$0x180]  }
0x206: {  	v6 =	vld [tilespmem:s22+$0xFFFFFE80]  }
0x207: {  	v7 =	vld [tilespmem:s22+$0xFFFFFF00]  }
0x208: {  	v8 =	vld [tilespmem:s22+$0xFFFFFF80]  }
0x209: {  	v9 =	vld [tilespmem:s22+$0x0]  }
0x20a: {  	v10 =	vld [tilespmem:s22+$0x80];
	v5 =	vmul.f32 v5, v5  }
0x20b: {  	s10 =	simm.s32 $0x7A00;
	v11 =	vld [tilespmem:s22+$0x100];
	v6 =	vmul.f32 v6, v6  }
0x20c: {  	v12 =	vld [tilespmem:s22+$0xFFFFFE00];
	v7 =	vmul.f32 v7, v7;
	[tilespmem:s10+$0x180] =	vst v5  }
0x20d: {  	[tilespmem:s10+$0xFFFFFE80] =	vst v6;
	v5 =	vmul.f32 v8, v8;
	v6 =	vld [tilespmem:s22+$0x190]  }
0x20e: {  	[tilespmem:s10+$0xFFFFFF00] =	vst v7;
	v7 =	vmul.f32 v9, v9;
	v8 =	vld [tilespmem:s22+$0xFFFFFE90]  }
0x20f: {  	v9 =	vld [tilespmem:s22+$0xFFFFFF10];
	[tilespmem:s10+$0xFFFFFF80] =	vst v5;
	v5 =	vmul.f32 v10, v10  }
0x210: {  	[tilespmem:s10+$0x0] =	vst v7;
	v7 =	vmul.f32 v11, v11;
	v10 =	vld [tilespmem:s22+$0xFFFFFF90]  }
0x211: {  	v11 =	vmul.f32 v12, v12;
	v62 =	vld [tilespmem:s22+$0x10];
	[tilespmem:s10+$0x80] =	vst v5  }
0x212: {  	[tilespmem:s10+$0x100] =	vst v7;
	v5 =	vld [tilespmem:s22+$0x90];
	v6 =	vmul.f32 v6, v6  }
0x213: {  	[tilespmem:s10+$0xFFFFFE00] =	vst v11;
	v7 =	vmul.f32 v8, v8;
	v8 =	vld [tilespmem:s22+$0x110]  }
0x214: {  	v11 =	vld [tilespmem:s22+$0xFFFFFE10];
	v9 =	vmul.f32 v9, v9;
	[tilespmem:s10+$0x190] =	vst v6  }
0x215: {  	[tilespmem:s10+$0xFFFFFE90] =	vst v7;
	v6 =	vmul.f32 v10, v10;
	v7 =	vld [tilespmem:s22+$0x1A0]  }
0x216: {  	[tilespmem:s10+$0xFFFFFF10] =	vst v9;
	v9 =	vmul.f32 v62, v62;
	v10 =	vld [tilespmem:s22+$0xFFFFFEA0]  }
0x217: {  	v63 =	vld [tilespmem:s22+$0xFFFFFF20];
	[tilespmem:s10+$0xFFFFFF90] =	vst v6;
	v5 =	vmul.f32 v5, v5  }
0x218: {  	[tilespmem:s10+$0x10] =	vst v9;
	v6 =	vld [tilespmem:s22+$0xFFFFFFA0];
	v8 =	vmul.f32 v8, v8  }
0x219: {  	v9 =	vmul.f32 v11, v11;
	v11 =	vld [tilespmem:s22+$0x20];
	[tilespmem:s10+$0x90] =	vst v5  }
0x21a: {  	v5 =	vld [tilespmem:s22+$0xA0];
	[tilespmem:s10+$0x110] =	vst v8;
	v7 =	vmul.f32 v7, v7  }
0x21b: {  	[tilespmem:s10+$0xFFFFFE10] =	vst v9;
	v8 =	vmul.f32 v10, v10;
	v9 =	vld [tilespmem:s22+$0x120]  }
0x21c: {  	v10 =	vld [tilespmem:s22+$0xFFFFFE20];
	v12 =	vmul.f32 v63, v63;
	[tilespmem:s10+$0x1A0] =	vst v7  }
0x21d: {  	[tilespmem:s10+$0xFFFFFEA0] =	vst v8;
	v6 =	vmul.f32 v6, v6;
	v7 =	vld [tilespmem:s22+$0x1B0]  }
0x21e: {  	[tilespmem:s10+$0xFFFFFF20] =	vst v12;
	v11 =	vmul.f32 v11, v11;
	v8 =	vld [tilespmem:s22+$0xFFFFFEB0]  }
0x21f: {  	v12 =	vld [tilespmem:s22+$0xFFFFFF30];
	[tilespmem:s10+$0xFFFFFFA0] =	vst v6;
	v5 =	vmul.f32 v5, v5  }
0x220: {  	[tilespmem:s10+$0x20] =	vst v11;
	v6 =	vld [tilespmem:s22+$0xFFFFFFB0];
	v9 =	vmul.f32 v9, v9  }
0x221: {  	v10 =	vmul.f32 v10, v10;
	v11 =	vld [tilespmem:s22+$0x30];
	[tilespmem:s10+$0xA0] =	vst v5  }
0x222: {  	v5 =	vld [tilespmem:s22+$0xB0];
	[tilespmem:s10+$0x120] =	vst v9;
	v7 =	vmul.f32 v7, v7  }
0x223: {  	[tilespmem:s10+$0xFFFFFE20] =	vst v10;
	v8 =	vmul.f32 v8, v8;
	v9 =	vld [tilespmem:s22+$0x130]  }
0x224: {  	v10 =	vld [tilespmem:s22+$0xFFFFFE30];
	v12 =	vmul.f32 v12, v12;
	[tilespmem:s10+$0x1B0] =	vst v7  }
0x225: {  	[tilespmem:s10+$0xFFFFFEB0] =	vst v8;
	v6 =	vmul.f32 v6, v6;
	v7 =	vld [tilespmem:s22+$0x1C0]  }
0x226: {  	[tilespmem:s10+$0xFFFFFF30] =	vst v12;
	v11 =	vmul.f32 v11, v11;
	v8 =	vld [tilespmem:s22+$0xFFFFFEC0]  }
0x227: {  	v12 =	vld [tilespmem:s22+$0xFFFFFF40];
	[tilespmem:s10+$0xFFFFFFB0] =	vst v6;
	v5 =	vmul.f32 v5, v5  }
0x228: {  	[tilespmem:s10+$0x30] =	vst v11;
	v6 =	vld [tilespmem:s22+$0xFFFFFFC0];
	v9 =	vmul.f32 v9, v9  }
0x229: {  	v10 =	vmul.f32 v10, v10;
	v11 =	vld [tilespmem:s22+$0x40];
	[tilespmem:s10+$0xB0] =	vst v5  }
0x22a: {  	v5 =	vld [tilespmem:s22+$0xC0];
	[tilespmem:s10+$0x130] =	vst v9;
	v7 =	vmul.f32 v7, v7  }
0x22b: {  	[tilespmem:s10+$0xFFFFFE30] =	vst v10;
	v8 =	vmul.f32 v8, v8;
	v9 =	vld [tilespmem:s22+$0x140]  }
0x22c: {  	v10 =	vld [tilespmem:s22+$0xFFFFFE40];
	v12 =	vmul.f32 v12, v12;
	[tilespmem:s10+$0x1C0] =	vst v7  }
0x22d: {  	[tilespmem:s10+$0xFFFFFEC0] =	vst v8;
	v6 =	vmul.f32 v6, v6;
	v7 =	vld [tilespmem:s22+$0x1D0]  }
0x22e: {  	[tilespmem:s10+$0xFFFFFF40] =	vst v12;
	v11 =	vmul.f32 v11, v11;
	v8 =	vld [tilespmem:s22+$0xFFFFFED0]  }
0x22f: {  	v12 =	vld [tilespmem:s22+$0xFFFFFF50];
	[tilespmem:s10+$0xFFFFFFC0] =	vst v6;
	v5 =	vmul.f32 v5, v5  }
0x230: {  	[tilespmem:s10+$0x40] =	vst v11;
	v6 =	vld [tilespmem:s22+$0xFFFFFFD0];
	v9 =	vmul.f32 v9, v9  }
0x231: {  	v10 =	vmul.f32 v10, v10;
	v11 =	vld [tilespmem:s22+$0x50];
	[tilespmem:s10+$0xC0] =	vst v5  }
0x232: {  	v5 =	vld [tilespmem:s22+$0xD0];
	[tilespmem:s10+$0x140] =	vst v9;
	v7 =	vmul.f32 v7, v7  }
0x233: {  	[tilespmem:s10+$0xFFFFFE40] =	vst v10;
	v8 =	vmul.f32 v8, v8;
	v9 =	vld [tilespmem:s22+$0x150]  }
0x234: {  	v10 =	vld [tilespmem:s22+$0xFFFFFE50];
	v12 =	vmul.f32 v12, v12;
	[tilespmem:s10+$0x1D0] =	vst v7  }
0x235: {  	[tilespmem:s10+$0xFFFFFED0] =	vst v8;
	v6 =	vmul.f32 v6, v6;
	v7 =	vld [tilespmem:s22+$0x1E0]  }
0x236: {  	[tilespmem:s10+$0xFFFFFF50] =	vst v12;
	v11 =	vmul.f32 v11, v11;
	v8 =	vld [tilespmem:s22+$0xFFFFFEE0]  }
0x237: {  	v12 =	vld [tilespmem:s22+$0xFFFFFF60];
	[tilespmem:s10+$0xFFFFFFD0] =	vst v6;
	v5 =	vmul.f32 v5, v5  }
0x238: {  	[tilespmem:s10+$0x50] =	vst v11;
	v6 =	vld [tilespmem:s22+$0xFFFFFFE0];
	v9 =	vmul.f32 v9, v9  }
0x239: {  	v10 =	vmul.f32 v10, v10;
	v11 =	vld [tilespmem:s22+$0x60];
	[tilespmem:s10+$0xD0] =	vst v5  }
0x23a: {  	v5 =	vld [tilespmem:s22+$0xE0];
	[tilespmem:s10+$0x150] =	vst v9;
	v7 =	vmul.f32 v7, v7  }
0x23b: {  	[tilespmem:s10+$0xFFFFFE50] =	vst v10;
	v8 =	vmul.f32 v8, v8;
	v9 =	vld [tilespmem:s22+$0x160]  }
0x23c: {  	v10 =	vld [tilespmem:s22+$0xFFFFFE60];
	v12 =	vmul.f32 v12, v12;
	[tilespmem:s10+$0x1E0] =	vst v7  }
0x23d: {  	[tilespmem:s10+$0xFFFFFEE0] =	vst v8;
	v6 =	vmul.f32 v6, v6;
	v8 =	vld [tilespmem:s22+$0x1F0]  }
0x23e: {  	[tilespmem:s10+$0xFFFFFF60] =	vst v12;
	v7 =	vmul.f32 v11, v11;
	v13 =	vld [tilespmem:s22+$0xFFFFFEF0]  }
0x23f: {  	v12 =	vld [tilespmem:s22+$0xFFFFFF70];
	[tilespmem:s10+$0xFFFFFFE0] =	vst v6;
	v6 =	vmul.f32 v5, v5  }
0x240: {  	[tilespmem:s10+$0x60] =	vst v7;
	v5 =	vld [tilespmem:s22+$0xFFFFFFF0];
	v9 =	vmul.f32 v9, v9  }
0x241: {  	v10 =	vmul.f32 v10, v10;
	v7 =	vld [tilespmem:s22+$0x70];
	[tilespmem:s10+$0xE0] =	vst v6  }
0x242: {  	v6 =	vld [tilespmem:s22+$0xF0];
	[tilespmem:s10+$0x160] =	vst v9;
	v14 =	vmul.f32 v8, v8  }
0x243: {  	[tilespmem:s10+$0xFFFFFE60] =	vst v10;
	v8 =	vld [tilespmem:s22+$0x170];
	v11 =	vmul.f32 v13, v13  }
0x244: {  	s21 =	simm.s32 $0x0;
	v9 =	vld [tilespmem:s22+$0xFFFFFE70];
	v10 =	vmul.f32 v12, v12;
	s22 =	simm.s32 $0x2E00;
	[tilespmem:s10+$0x1F0] =	vst v14  }
.LBB2_14:
0x245: {  	v12 =	vld [tilespmem:s22+$0x180];
	s21 =	sadd.s32 $0x8, s21;
	[tilespmem:s10+$0xFFFFFEF0] =	vst v11;
	v5 =	vmul.f32 v5, v5  }
0x246: {  	v11 =	vld [tilespmem:s22+$0xFFFFFE80];
	p3 =	slt.u32 s21, $0x48;
	[tilespmem:s10+$0xFFFFFF70] =	vst v10;
	v7 =	vmul.f32 v7, v7  }
0x247: {  	v10 =	vld [tilespmem:s22+$0xFFFFFF00];
	[tilespmem:s10+$0xFFFFFFF0] =	vst v5;
	v5 =	vmul.f32 v6, v6  }
0x248: {  	v6 =	vld [tilespmem:s22+$0xFFFFFF80];
	[tilespmem:s10+$0x70] =	vst v7;
	v7 =	vmul.f32 v8, v8  }
0x249: {  	v8 =	vld [tilespmem:s22+$0x0];
	v9 =	vmul.f32 v9, v9;
	[tilespmem:s10+$0xF0] =	vst v5  }
0x24a: {  	v5 =	vld [tilespmem:s22+$0x80];
	v12 =	vmul.f32 v12, v12;
	[tilespmem:s10+$0x170] =	vst v7  }
0x24b: {  	v7 =	vmul.f32 v11, v11;
	v11 =	vld [tilespmem:s22+$0x100];
	[tilespmem:s10+$0xFFFFFE70] =	vst v9;
	s10 =	sadd.s32 $0x400, s10  }
0x24c: {  	v9 =	vld [tilespmem:s22+$0xFFFFFE00];
	v10 =	vmul.f32 v10, v10;
	[tilespmem:s10+$0x180] =	vst v12  }
0x24d: {  	[tilespmem:s10+$0xFFFFFE80] =	vst v7;
	v6 =	vmul.f32 v6, v6;
	v7 =	vld [tilespmem:s22+$0x190]  }
0x24e: {  	v12 =	vld [tilespmem:s22+$0xFFFFFE90];
	[tilespmem:s10+$0xFFFFFF00] =	vst v10;
	v8 =	vmul.f32 v8, v8  }
0x24f: {  	v10 =	vld [tilespmem:s22+$0xFFFFFF10];
	[tilespmem:s10+$0xFFFFFF80] =	vst v6;
	v5 =	vmul.f32 v5, v5  }
0x250: {  	v6 =	vld [tilespmem:s22+$0xFFFFFF90];
	[tilespmem:s10+$0x0] =	vst v8;
	v8 =	vmul.f32 v11, v11  }
0x251: {  	v9 =	vmul.f32 v9, v9;
	v11 =	vld [tilespmem:s22+$0x10];
	[tilespmem:s10+$0x80] =	vst v5  }
0x252: {  	v5 =	vld [tilespmem:s22+$0x90];
	[tilespmem:s10+$0x100] =	vst v8;
	v7 =	vmul.f32 v7, v7  }
0x253: {  	[tilespmem:s10+$0xFFFFFE00] =	vst v9;
	v8 =	vmul.f32 v12, v12;
	v9 =	vld [tilespmem:s22+$0x110]  }
0x254: {  	v12 =	vld [tilespmem:s22+$0xFFFFFE10];
	v10 =	vmul.f32 v10, v10;
	[tilespmem:s10+$0x190] =	vst v7  }
0x255: {  	[tilespmem:s10+$0xFFFFFE90] =	vst v8;
	v6 =	vmul.f32 v6, v6;
	v7 =	vld [tilespmem:s22+$0x1A0]  }
0x256: {  	v8 =	vld [tilespmem:s22+$0xFFFFFEA0];
	[tilespmem:s10+$0xFFFFFF10] =	vst v10;
	v10 =	vmul.f32 v11, v11  }
0x257: {  	v11 =	vld [tilespmem:s22+$0xFFFFFF20];
	[tilespmem:s10+$0xFFFFFF90] =	vst v6;
	v5 =	vmul.f32 v5, v5  }
0x258: {  	v6 =	vld [tilespmem:s22+$0xFFFFFFA0];
	[tilespmem:s10+$0x10] =	vst v10;
	v9 =	vmul.f32 v9, v9  }
0x259: {  	v10 =	vmul.f32 v12, v12;
	v12 =	vld [tilespmem:s22+$0x20];
	[tilespmem:s10+$0x90] =	vst v5  }
0x25a: {  	v5 =	vld [tilespmem:s22+$0xA0];
	[tilespmem:s10+$0x110] =	vst v9;
	v7 =	vmul.f32 v7, v7  }
0x25b: {  	[tilespmem:s10+$0xFFFFFE10] =	vst v10;
	v8 =	vmul.f32 v8, v8;
	v9 =	vld [tilespmem:s22+$0x120]  }
0x25c: {  	v10 =	vld [tilespmem:s22+$0xFFFFFE20];
	v11 =	vmul.f32 v11, v11;
	[tilespmem:s10+$0x1A0] =	vst v7  }
0x25d: {  	[tilespmem:s10+$0xFFFFFEA0] =	vst v8;
	v6 =	vmul.f32 v6, v6;
	v7 =	vld [tilespmem:s22+$0x1B0]  }
0x25e: {  	v8 =	vld [tilespmem:s22+$0xFFFFFEB0];
	[tilespmem:s10+$0xFFFFFF20] =	vst v11;
	v11 =	vmul.f32 v12, v12  }
0x25f: {  	v12 =	vld [tilespmem:s22+$0xFFFFFF30];
	[tilespmem:s10+$0xFFFFFFA0] =	vst v6;
	v5 =	vmul.f32 v5, v5  }
0x260: {  	v6 =	vld [tilespmem:s22+$0xFFFFFFB0];
	[tilespmem:s10+$0x20] =	vst v11;
	v9 =	vmul.f32 v9, v9  }
0x261: {  	v10 =	vmul.f32 v10, v10;
	v11 =	vld [tilespmem:s22+$0x30];
	[tilespmem:s10+$0xA0] =	vst v5  }
0x262: {  	v5 =	vld [tilespmem:s22+$0xB0];
	[tilespmem:s10+$0x120] =	vst v9;
	v7 =	vmul.f32 v7, v7  }
0x263: {  	[tilespmem:s10+$0xFFFFFE20] =	vst v10;
	v8 =	vmul.f32 v8, v8;
	v9 =	vld [tilespmem:s22+$0x130]  }
0x264: {  	v10 =	vld [tilespmem:s22+$0xFFFFFE30];
	v12 =	vmul.f32 v12, v12;
	[tilespmem:s10+$0x1B0] =	vst v7  }
0x265: {  	[tilespmem:s10+$0xFFFFFEB0] =	vst v8;
	v6 =	vmul.f32 v6, v6;
	v7 =	vld [tilespmem:s22+$0x1C0]  }
0x266: {  	v8 =	vld [tilespmem:s22+$0xFFFFFEC0];
	[tilespmem:s10+$0xFFFFFF30] =	vst v12;
	v11 =	vmul.f32 v11, v11  }
0x267: {  	v12 =	vld [tilespmem:s22+$0xFFFFFF40];
	[tilespmem:s10+$0xFFFFFFB0] =	vst v6;
	v5 =	vmul.f32 v5, v5  }
0x268: {  	v6 =	vld [tilespmem:s22+$0xFFFFFFC0];
	[tilespmem:s10+$0x30] =	vst v11;
	v9 =	vmul.f32 v9, v9  }
0x269: {  	v10 =	vmul.f32 v10, v10;
	v11 =	vld [tilespmem:s22+$0x40];
	[tilespmem:s10+$0xB0] =	vst v5  }
0x26a: {  	v5 =	vld [tilespmem:s22+$0xC0];
	[tilespmem:s10+$0x130] =	vst v9;
	v7 =	vmul.f32 v7, v7  }
0x26b: {  	[tilespmem:s10+$0xFFFFFE30] =	vst v10;
	v8 =	vmul.f32 v8, v8;
	v9 =	vld [tilespmem:s22+$0x140]  }
0x26c: {  	v10 =	vld [tilespmem:s22+$0xFFFFFE40];
	v12 =	vmul.f32 v12, v12;
	[tilespmem:s10+$0x1C0] =	vst v7  }
0x26d: {  	[tilespmem:s10+$0xFFFFFEC0] =	vst v8;
	v6 =	vmul.f32 v6, v6;
	v7 =	vld [tilespmem:s22+$0x1D0]  }
0x26e: {  	v8 =	vld [tilespmem:s22+$0xFFFFFED0];
	[tilespmem:s10+$0xFFFFFF40] =	vst v12;
	v11 =	vmul.f32 v11, v11  }
0x26f: {  	v12 =	vld [tilespmem:s22+$0xFFFFFF50];
	[tilespmem:s10+$0xFFFFFFC0] =	vst v6;
	v5 =	vmul.f32 v5, v5  }
0x270: {  	v6 =	vld [tilespmem:s22+$0xFFFFFFD0];
	[tilespmem:s10+$0x40] =	vst v11;
	v9 =	vmul.f32 v9, v9  }
0x271: {  	v10 =	vmul.f32 v10, v10;
	v11 =	vld [tilespmem:s22+$0x50];
	[tilespmem:s10+$0xC0] =	vst v5  }
0x272: {  	v5 =	vld [tilespmem:s22+$0xD0];
	[tilespmem:s10+$0x140] =	vst v9;
	v7 =	vmul.f32 v7, v7  }
0x273: {  	[tilespmem:s10+$0xFFFFFE40] =	vst v10;
	v8 =	vmul.f32 v8, v8;
	v9 =	vld [tilespmem:s22+$0x150]  }
0x274: {  	v10 =	vld [tilespmem:s22+$0xFFFFFE50];
	v12 =	vmul.f32 v12, v12;
	[tilespmem:s10+$0x1D0] =	vst v7  }
0x275: {  	[tilespmem:s10+$0xFFFFFED0] =	vst v8;
	v6 =	vmul.f32 v6, v6;
	v7 =	vld [tilespmem:s22+$0x1E0]  }
0x276: {  	v8 =	vld [tilespmem:s22+$0xFFFFFEE0];
	[tilespmem:s10+$0xFFFFFF50] =	vst v12;
	v11 =	vmul.f32 v11, v11  }
0x277: {  	v12 =	vld [tilespmem:s22+$0xFFFFFF60];
	[tilespmem:s10+$0xFFFFFFD0] =	vst v6;
	v5 =	vmul.f32 v5, v5  }
0x278: {  	v6 =	vld [tilespmem:s22+$0xFFFFFFE0];
	[tilespmem:s10+$0x50] =	vst v11;
	v9 =	vmul.f32 v9, v9  }
0x279: {  	v10 =	vmul.f32 v10, v10;
	v11 =	vld [tilespmem:s22+$0x60];
	[tilespmem:s10+$0xD0] =	vst v5  }
0x27a: {  	v5 =	vld [tilespmem:s22+$0xE0];
	[tilespmem:s10+$0x150] =	vst v9;
	v7 =	vmul.f32 v7, v7  }
0x27b: {  	[tilespmem:s10+$0xFFFFFE50] =	vst v10;
	v8 =	vmul.f32 v8, v8;
	v9 =	vld [tilespmem:s22+$0x160]  }
0x27c: {  	v10 =	vld [tilespmem:s22+$0xFFFFFE60];
	v12 =	vmul.f32 v12, v12;
	[tilespmem:s10+$0x1E0] =	vst v7  }
0x27d: {  	[tilespmem:s10+$0xFFFFFEE0] =	vst v8;
	v6 =	vmul.f32 v6, v6;
	v8 =	vld [tilespmem:s22+$0x1F0]  }
0x27e: {  	v13 =	vld [tilespmem:s22+$0xFFFFFEF0];
	[tilespmem:s10+$0xFFFFFF60] =	vst v12;
	v7 =	vmul.f32 v11, v11  }
0x27f: {  	v12 =	vld [tilespmem:s22+$0xFFFFFF70];
	[tilespmem:s10+$0xFFFFFFE0] =	vst v6;
	v6 =	vmul.f32 v5, v5  }
.Ltmp8:
0x280: {  	v5 =	vld [tilespmem:s22+$0xFFFFFFF0];
	[tilespmem:s10+$0x60] =	vst v7;
	v9 =	vmul.f32 v9, v9;
	(pc) =	sbr.rel @p3 .LBB2_14-.Ltmp8, $4  }
0x281: {  	v10 =	vmul.f32 v10, v10;
	v7 =	vld [tilespmem:s22+$0x70];
	[tilespmem:s10+$0xE0] =	vst v6  }
0x282: {  	v6 =	vld [tilespmem:s22+$0xF0];
	[tilespmem:s10+$0x160] =	vst v9;
	v14 =	vmul.f32 v8, v8  }
0x283: {  	[tilespmem:s10+$0xFFFFFE60] =	vst v10;
	v11 =	vmul.f32 v13, v13;
	v8 =	vld [tilespmem:s22+$0x170]  }
0x284: {  	v9 =	vld [tilespmem:s22+$0xFFFFFE70];
	v10 =	vmul.f32 v12, v12;
	[tilespmem:s10+$0x1F0] =	vst v14;
	s22 =	sadd.s32 $0x400, s22  }
0x285: {  	[tilespmem:s10+$0xFFFFFEF0] =	vst v11;
	v5 =	vmul.f32 v5, v5  }
0x286: {  	[tilespmem:s10+$0xFFFFFF70] =	vst v10;
	v7 =	vmul.f32 v7, v7  }
0x287: {  	[tilespmem:s10+$0xFFFFFFF0] =	vst v5;
	v5 =	vmul.f32 v6, v6  }
0x288: {  	[tilespmem:s10+$0x70] =	vst v7;
	v6 =	vmul.f32 v8, v8  }
0x289: {  	v7 =	vmul.f32 v9, v9;
	[tilespmem:s10+$0xF0] =	vst v5  }
0x28a: {  	[tilespmem:s10+$0x170] =	vst v6  }
0x28b: {  	[smem:$0x1] =	sst s13;
	[tilespmem:s10+$0xFFFFFE70] =	vst v7  }
0x28c: {  	[spmem:s4] =	stream.indirect.scatter.add.f32 [tilespmem:s30], [sflag:$0x4], $0x80, s28, s17, $0xb8;
	[tilespmem:$0x1FC00] =	vst v63  }
.LBB2_16:
.Ltmp9:
0x28d: {  	(pc) =	sbr.rel @p2 .LBB2_18-.Ltmp9, $1  }
0x28e: {  	_ =	sdelay $0x3  }
0x28f: {  	s10 =	smul.u32 $0x50, s31  }
.Ltmp10:
0x290: {  	_ = 	snop;
	(pc) =	sbr.rel .LBB2_6-.Ltmp10, $4  }
0x291: {  	s10 =	sshrl.u32 s10, $0x3  }
0x292: {  	s10 =	sadd.s32 s1, s10  }
0x293: {  	s9 =	sadd.s32 $0x1, s9;
	s10 =	sadd.s32 $0x140, s10  }
0x294: {  	[tilespmem:s12], [sflag:$0x2] =	stream.linear.gather [hbm4b:s10+s6], $0x50, $0x38;
	[tilespmem:$0x1FC00] =	vst v63  }
.LBB2_19:
0x295: {  	_ =	sfence.sel $0x180000  }
0x296: {  	[bflag:$0x0] =	sbarrier.arrive $0xFFFF  }
0x297: {  	_ =	strace $0x90000047  }
0x298: {  	[bflag:$0x2] =	sbarrier.arrive $0xFFFF  }
0x299: {  	s0 =	rddreg [dreg:$0x7]  }
0x29a: {  	s0 =	sadd.s32 @!p0 $0x100000, s0  }
0x29b: {  	[sflag:s0] =	ssyncadd.tile.s32 @!p0 $0x1;
	_ =	shalt  }
.Lfunc_end2:
_tile_overlayer_lowered:
.L_overlay_start_2:
0x29c: {  	(tag) =	ssettag $0x2  }
0x29d: {  	s0 =	rddreg [dreg:$0x0];
	s2 =	stileid.u32  }
0x29e: {  	s1 =	rddreg [dreg:$0x1];
	p0 =	sne.s32 s2, $0x0  }
0x29f: {  	s3 =	rddreg [dreg:$0x2];
	[bflag:$0x3] =	sbarrier.arrive $0xFFFF;
	s2 =	simm.s32 @!p0 $0x1C07  }
0x2a0: {  	[timem:s3], [sflag:s2] =	dma.local @!p0 [hbm:s0], s1  }
0x2a1: {  	s0 =	simm.s32 @!p0 $0x7  }
0x2a2: {  	_ =	swait.ge @!p0 [sflag:s0], s1  }
0x2a3: {  	s1 =	ssub.s32 @!p0 $0x0, s1;
	[sflag:s0] =	ssyncset.done @!p0 $0x0  }
0x2a4: {  	[sflag:s0] =	ssyncadd.s32 @!p0 s1  }
0x2a5: {  	[bflag:$0x3] =	sbarrier.arrive $0xFFFF  }
0x2a6: {  	_ =	shalt  }

</sc_bundles>
